<compile_context>
chip_gen: v7x
topology: tpu7x:2x2x1
jax: 0.10.2.dev20260603
libtpu: 0.0.44.dev20260713+nightly
codegen_flags: <defaults>
</compile_context>

<pallas_src>
import functools

import jax
import jax.numpy as jnp
from jax import lax
from jax.experimental import pallas as pl
from jax.experimental.pallas import tpu as pltpu
from jax.experimental.pallas import tpu_sc as plsc

B = 16384
F = 26
V = 100000
D = 32
NUM_EMB = F * V

NC = 2
NS = 16
NW = NC * NS
BW = B // NW
CH = 128
NCHUNK = BW // CH


def _sc_body(xt_hbm, table_hbm, out_hbm, xv, acc, sem):
    wid = lax.axis_index("s") * NC + lax.axis_index("c")
    base = wid * BW

    def chunk_body(c, carry):
        cbase = base + c * CH
        pltpu.sync_copy(xt_hbm.at[:, pl.ds(cbase, CH)], xv)
        for f in range(1, F):
            off = f * V
            for i in range(CH // 16):
                sl = pl.ds(i * 16, 16)
                xv[f, sl] = xv[f, sl] + off
        pltpu.async_copy(table_hbm.at[xv.at[0]], acc, sem).wait()
        descs = [
            pltpu.async_copy(table_hbm.at[xv.at[f]], acc, sem, add=True)
            for f in range(1, F)
        ]
        for d in descs:
            d.wait()
        pltpu.sync_copy(acc, out_hbm.at[pl.ds(cbase, CH)])
        return carry

    lax.fori_loop(0, NCHUNK, chunk_body, 0)


@functools.partial(jax.jit, static_argnames=())
def kernel(x, table):
    xt = x.T
    mesh = plsc.VectorSubcoreMesh(core_axis_name="c", subcore_axis_name="s")
    run = pl.kernel(
        _sc_body,
        out_type=jax.ShapeDtypeStruct((B, D), jnp.float32),
        mesh=mesh,
        scratch_types=[
            pltpu.VMEM((F, CH), jnp.int32),
            pltpu.VMEM((CH, D), jnp.float32),
            pltpu.SemaphoreType.DMA,
        ],
        compiler_params=pltpu.CompilerParams(
            use_tc_tiling_on_sc=False, needs_layout_passes=False
        ),
    )
    return run(xt, table)

# --- scband reference (transcript-rebuilt; emitter-appended) ---
"""Pipeline reference for scband-cate-feature-embedding-7851200217420 (READ-ONLY COPY).

The authoritative reference and input builder live on the scoring server;
editing this copy changes nothing except your own understanding.
"""

import jax, jax.numpy as jnp
import numpy as np

B = 16384
F = 26
V = 100000
D = 32
NUM_EMB = F * V  # 2,600,000


def setup_inputs(seed: int = 0) -> dict:
    key = jax.random.key(seed)
    k1, k2 = jax.random.split(key)
    x = jax.random.randint(k1, (B, F), 0, V, dtype=jnp.int32)
    table = jax.random.normal(k2, (NUM_EMB, D), dtype=jnp.float32)
    return {"x": x, "table": table}


def reference(x, table):
    # starts = cumulative offsets of per-field vocab sizes
    num_uniq = jnp.full((F,), V, dtype=jnp.int32)
    csum = jnp.cumsum(num_uniq)
    starts = jnp.concatenate([jnp.zeros((1,), dtype=jnp.int32), csum[:-1]])
    idx = x + starts[None, :]          # [B, F]
    emb = jnp.take(table, idx, axis=0)  # [B, F, D]
    out = emb.sum(axis=-2)              # [B, D]
    return out

if __name__ == "__main__":
    import jax
    _d = setup_inputs()
    print(jax.jit(kernel)(*tuple(_d.values())))

</pallas_src>

<mosaic_0001>
#map = affine_map<(d0, d1) -> (0, 0)>
module attributes {stable_mosaic.version = 14 : i64} {
  func.func @_sc_body(%arg0: i32, %arg1: i32, %arg2: memref<26x16384xi32, #tpu.memory_space<hbm>>, %arg3: memref<2600000x32xf32, #tpu.memory_space<hbm>>, %arg4: memref<16384x32xf32, #tpu.memory_space<hbm>>, %arg5: memref<26x128xi32, #tpu.memory_space<vmem>>, %arg6: memref<128x32xf32, #tpu.memory_space<vmem>>, %arg7: memref<!tpu.dma_semaphore, #tpu.memory_space<semaphore_mem>>) attributes {dimension_semantics = [#tpu.dimension_semantics<core_parallel>, #tpu.dimension_semantics<subcore_parallel>], iteration_bounds = array<i64: 2, 16>, scalar_prefetch = 0 : i64, scratch_operands = 3 : i64, tpu.core_type = #tpu.core_type<sc_vector_subcore>, window_params = [{transform_indices = #map}, {transform_indices = #map}, {transform_indices = #map}]} {
    %mul3A = arith.constant 2 : i32
    %mul3A_0 = arith.muli %arg1, %mul3A : i32
    %add3A = arith.addi %mul3A_0, %arg0 : i32
    %mul3A_1 = arith.constant 512 : i32
    %mul3A_2 = arith.muli %add3A, %mul3A_1 : i32
    %scan3A = arith.constant 0 : i32
    %scan3A_3 = arith.constant 0 : i32
    %scan3A_4 = arith.constant 4 : i32
    %scan3A_5 = arith.addi %scan3A_3, %scan3A_4 : i32
    %scan3A_6 = arith.constant 1 : i32
    scf.for %scan3A_8 = %scan3A_3 to %scan3A_5 step %scan3A_6  : i32 {
      %mul3A_9 = arith.constant 128 : i32
      %mul3A_10 = arith.muli %scan3A_8, %mul3A_9 : i32
      %add3A_11 = arith.addi %mul3A_2, %mul3A_10 : i32
      "tpu.region"() ({
        %run_scoped3A = tpu.sem_alloc : memref<!tpu.dma_semaphore, #tpu.memory_space<semaphore_mem>>
        %dma_start3A_2572 = arith.constant 0 : i32
        %dma_start3A_2573 = tpu.memref_slice %arg2[%dma_start3A_2572, %add3A_11] : memref<26x16384xi32, #tpu.memory_space<hbm>> -> memref<26x128xi32, #tpu.memory_space<hbm>>
        %dma_start3A_2574 = arith.constant 0 : i32
        %dma_start3A_2575 = tpu.memref_slice %arg2[%dma_start3A_2574, %add3A_11] : memref<26x16384xi32, #tpu.memory_space<hbm>> -> memref<26x128xi32, #tpu.memory_space<hbm>>
        tpu.enqueue_dma source(%dma_start3A_2575 : memref<26x128xi32, #tpu.memory_space<hbm>>) target(%arg5 : memref<26x128xi32, #tpu.memory_space<vmem>>) target_semaphore(%run_scoped3A : memref<!tpu.dma_semaphore, #tpu.memory_space<semaphore_mem>>)
        %dma_wait3A_2576 = arith.constant 0 : i32
        %dma_wait3A_2577 = tpu.memref_slice %arg2[%dma_wait3A_2576, %add3A_11] : memref<26x16384xi32, #tpu.memory_space<hbm>> -> memref<26x128xi32, #tpu.memory_space<hbm>>
        %dma_wait3A_2578 = arith.constant 0 : i32
        %dma_wait3A_2579 = tpu.memref_slice %arg2[%dma_wait3A_2578, %add3A_11] : memref<26x16384xi32, #tpu.memory_space<hbm>> -> memref<26x128xi32, #tpu.memory_space<hbm>>
        tpu.wait_dma2 semaphore(%run_scoped3A : memref<!tpu.dma_semaphore, #tpu.memory_space<semaphore_mem>>) src(%dma_wait3A_2579 : memref<26x128xi32, #tpu.memory_space<hbm>>) dst(%arg5 : memref<26x128xi32, #tpu.memory_space<vmem>>)
        tpu.yield
      }) : () -> ()
      %get3A = arith.constant 1 : i32
      %get3A_12 = arith.index_cast %get3A : i32 to index
      %get3A_13 = arith.constant 0 : index
      %get3A_14 = tpu.vector_load %arg5[%get3A_12, %get3A_13] {strides = array<i32>} : memref<26x128xi32, #tpu.memory_space<vmem>>, vector<16xi32>,
      %add3A_15 = arith.constant 100000 : i32
      %add3A_16 = vector.broadcast %add3A_15 : i32 to vector<16xi32>
      %add3A_17 = arith.addi %get3A_14, %add3A_16 : vector<16xi32>
      %swap3A = arith.constant 1 : i32
      %swap3A_18 = arith.index_cast %swap3A : i32 to index
      %swap3A_19 = arith.constant 0 : index
      %swap3A_20 = tpu.vector_load %arg5[%swap3A_18, %swap3A_19] {strides = array<i32>} : memref<26x128xi32, #tpu.memory_space<vmem>>, vector<16xi32>,
      tpu.vector_store %arg5[%swap3A_18, %swap3A_19], %add3A_17 {strides = array<i32>} : memref<26x128xi32, #tpu.memory_space<vmem>>, vector<16xi32>,
      %get3A_21 = arith.constant 1 : i32
      %get3A_22 = arith.index_cast %get3A_21 : i32 to index
      %get3A_23 = arith.constant 16 : index
      %get3A_24 = tpu.vector_load %arg5[%get3A_22, %get3A_23] {strides = array<i32>} : memref<26x128xi32, #tpu.memory_space<vmem>>, vector<16xi32>,
      %add3A_25 = arith.constant 100000 : i32
      %add3A_26 = vector.broadcast %add3A_25 : i32 to vector<16xi32>
      %add3A_27 = arith.addi %get3A_24, %add3A_26 : vector<16xi32>
      %swap3A_28 = arith.constant 1 : i32
      %swap3A_29 = arith.index_cast %swap3A_28 : i32 to index
      %swap3A_30 = arith.constant 16 : index
      %swap3A_31 = tpu.vector_load %arg5[%swap3A_29, %swap3A_30] {strides = array<i32>} : memref<26x128xi32, #tpu.memory_space<vmem>>, vector<16xi32>,
      tpu.vector_store %arg5[%swap3A_29, %swap3A_30], %add3A_27 {strides = array<i32>} : memref<26x128xi32, #tpu.memory_space<vmem>>, vector<16xi32>,
      %get3A_32 = arith.constant 1 : i32
      %get3A_33 = arith.index_cast %get3A_32 : i32 to index
      %get3A_34 = arith.constant 32 : index
      %get3A_35 = tpu.vector_load %arg5[%get3A_33, %get3A_34] {strides = array<i32>} : memref<26x128xi32, #tpu.memory_space<vmem>>, vector<16xi32>,
      %add3A_36 = arith.constant 100000 : i32
      %add3A_37 = vector.broadcast %add3A_36 : i32 to vector<16xi32>
      %add3A_38 = arith.addi %get3A_35, %add3A_37 : vector<16xi32>
      %swap3A_39 = arith.constant 1 : i32
      %swap3A_40 = arith.index_cast %swap3A_39 : i32 to index
      %swap3A_41 = arith.constant 32 : index
      %swap3A_42 = tpu.vector_load %arg5[%swap3A_40, %swap3A_41] {strides = array<i32>} : memref<26x128xi32, #tpu.memory_space<vmem>>, vector<16xi32>,
      tpu.vector_store %arg5[%swap3A_40, %swap3A_41], %add3A_38 {strides = array<i32>} : memref<26x128xi32, #tpu.memory_space<vmem>>, vector<16xi32>,
      %get3A_43 = arith.constant 1 : i32
      %get3A_44 = arith.index_cast %get3A_43 : i32 to index
      %get3A_45 = arith.constant 48 : index
      %get3A_46 = tpu.vector_load %arg5[%get3A_44, %get3A_45] {strides = array<i32>} : memref<26x128xi32, #tpu.memory_space<vmem>>, vector<16xi32>,
      %add3A_47 = arith.constant 100000 : i32
      %add3A_48 = vector.broadcast %add3A_47 : i32 to vector<16xi32>
      %add3A_49 = arith.addi %get3A_46, %add3A_48 : vector<16xi32>
      %swap3A_50 = arith.constant 1 : i32
      %swap3A_51 = arith.index_cast %swap3A_50 : i32 to index
      %swap3A_52 = arith.constant 48 : index
      %swap3A_53 = tpu.vector_load %arg5[%swap3A_51, %swap3A_52] {strides = array<i32>} : memref<26x128xi32, #tpu.memory_space<vmem>>, vector<16xi32>,
      tpu.vector_store %arg5[%swap3A_51, %swap3A_52], %add3A_49 {strides = array<i32>} : memref<26x128xi32, #tpu.memory_space<vmem>>, vector<16xi32>,
      %get3A_54 = arith.constant 1 : i32
      %get3A_55 = arith.index_cast %get3A_54 : i32 to index
      %get3A_56 = arith.constant 64 : index
      %get3A_57 = tpu.vector_load %arg5[%get3A_55, %get3A_56] {strides = array<i32>} : memref<26x128xi32, #tpu.memory_space<vmem>>, vector<16xi32>,
      %add3A_58 = arith.constant 100000 : i32
      %add3A_59 = vector.broadcast %add3A_58 : i32 to vector<16xi32>
      %add3A_60 = arith.addi %get3A_57, %add3A_59 : vector<16xi32>
      %swap3A_61 = arith.constant 1 : i32
      %swap3A_62 = arith.index_cast %swap3A_61 : i32 to index
      %swap3A_63 = arith.constant 64 : index
      %swap3A_64 = tpu.vector_load %arg5[%swap3A_62, %swap3A_63] {strides = array<i32>} : memref<26x128xi32, #tpu.memory_space<vmem>>, vector<16xi32>,
      tpu.vector_store %arg5[%swap3A_62, %swap3A_63], %add3A_60 {strides = array<i32>} : memref<26x128xi32, #tpu.memory_space<vmem>>, vector<16xi32>,
      %get3A_65 = arith.constant 1 : i32
      %get3A_66 = arith.index_cast %get3A_65 : i32 to index
      %get3A_67 = arith.constant 80 : index
      %get3A_68 = tpu.vector_load %arg5[%get3A_66, %get3A_67] {strides = array<i32>} : memref<26x128xi32, #tpu.memory_space<vmem>>, vector<16xi32>,
      %add3A_69 = arith.constant 100000 : i32
      %add3A_70 = vector.broadcast %add3A_69 : i32 to vector<16xi32>
      %add3A_71 = arith.addi %get3A_68, %add3A_70 : vector<16xi32>
      %swap3A_72 = arith.constant 1 : i32
      %swap3A_73 = arith.index_cast %swap3A_72 : i32 to index
      %swap3A_74 = arith.constant 80 : index
      %swap3A_75 = tpu.vector_load %arg5[%swap3A_73, %swap3A_74] {strides = array<i32>} : memref<26x128xi32, #tpu.memory_space<vmem>>, vector<16xi32>,
      tpu.vector_store %arg5[%swap3A_73, %swap3A_74], %add3A_71 {strides = array<i32>} : memref<26x128xi32, #tpu.memory_space<vmem>>, vector<16xi32>,
      %get3A_76 = arith.constant 1 : i32
      %get3A_77 = arith.index_cast %get3A_76 : i32 to index
      %get3A_78 = arith.constant 96 : index
      %get3A_79 = tpu.vector_load %arg5[%get3A_77, %get3A_78] {strides = array<i32>} : memref<26x128xi32, #tpu.memory_space<vmem>>, vector<16xi32>,
      %add3A_80 = arith.constant 100000 : i32
      %add3A_81 = vector.broadcast %add3A_80 : i32 to vector<16xi32>
      %add3A_82 = arith.addi %get3A_79, %add3A_81 : vector<16xi32>
      %swap3A_83 = arith.constant 1 : i32
      %swap3A_84 = arith.index_cast %swap3A_83 : i32 to index
      %swap3A_85 = arith.constant 96 : index
      %swap3A_86 = tpu.vector_load %arg5[%swap3A_84, %swap3A_85] {strides = array<i32>} : memref<26x128xi32, #tpu.memory_space<vmem>>, vector<16xi32>,
      tpu.vector_store %arg5[%swap3A_84, %swap3A_85], %add3A_82 {strides = array<i32>} : memref<26x128xi32, #tpu.memory_space<vmem>>, vector<16xi32>,
      %get3A_87 = arith.constant 1 : i32
      %get3A_88 = arith.index_cast %get3A_87 : i32 to index
      %get3A_89 = arith.constant 112 : index
      %get3A_90 = tpu.vector_load %arg5[%get3A_88, %get3A_89] {strides = array<i32>} : memref<26x128xi32, #tpu.memory_space<vmem>>, vector<16xi32>,
      %add3A_91 = arith.constant 100000 : i32
      %add3A_92 = vector.broadcast %add3A_91 : i32 to vector<16xi32>
      %add3A_93 = arith.addi %get3A_90, %add3A_92 : vector<16xi32>
      %swap3A_94 = arith.constant 1 : i32
      %swap3A_95 = arith.index_cast %swap3A_94 : i32 to index
      %swap3A_96 = arith.constant 112 : index
      %swap3A_97 = tpu.vector_load %arg5[%swap3A_95, %swap3A_96] {strides = array<i32>} : memref<26x128xi32, #tpu.memory_space<vmem>>, vector<16xi32>,
      tpu.vector_store %arg5[%swap3A_95, %swap3A_96], %add3A_93 {strides = array<i32>} : memref<26x128xi32, #tpu.memory_space<vmem>>, vector<16xi32>,
      %get3A_98 = arith.constant 2 : i32
      %get3A_99 = arith.index_cast %get3A_98 : i32 to index
      %get3A_100 = arith.constant 0 : index
      %get3A_101 = tpu.vector_load %arg5[%get3A_99, %get3A_100] {strides = array<i32>} : memref<26x128xi32, #tpu.memory_space<vmem>>, vector<16xi32>,
      %add3A_102 = arith.constant 200000 : i32
      %add3A_103 = vector.broadcast %add3A_102 : i32 to vector<16xi32>
      %add3A_104 = arith.addi %get3A_101, %add3A_103 : vector<16xi32>
      %swap3A_105 = arith.constant 2 : i32
      %swap3A_106 = arith.index_cast %swap3A_105 : i32 to index
      %swap3A_107 = arith.constant 0 : index
      %swap3A_108 = tpu.vector_load %arg5[%swap3A_106, %swap3A_107] {strides = array<i32>} : memref<26x128xi32, #tpu.memory_space<vmem>>, vector<16xi32>,
      tpu.vector_store %arg5[%swap3A_106, %swap3A_107], %add3A_104 {strides = array<i32>} : memref<26x128xi32, #tpu.memory_space<vmem>>, vector<16xi32>,
      %get3A_109 = arith.constant 2 : i32
      %get3A_110 = arith.index_cast %get3A_109 : i32 to index
      %get3A_111 = arith.constant 16 : index
      %get3A_112 = tpu.vector_load %arg5[%get3A_110, %get3A_111] {strides = array<i32>} : memref<26x128xi32, #tpu.memory_space<vmem>>, vector<16xi32>,
      %add3A_113 = arith.constant 200000 : i32
      %add3A_114 = vector.broadcast %add3A_113 : i32 to vector<16xi32>
      %add3A_115 = arith.addi %get3A_112, %add3A_114 : vector<16xi32>
      %swap3A_116 = arith.constant 2 : i32
      %swap3A_117 = arith.index_cast %swap3A_116 : i32 to index
      %swap3A_118 = arith.constant 16 : index
      %swap3A_119 = tpu.vector_load %arg5[%swap3A_117, %swap3A_118] {strides = array<i32>} : memref<26x128xi32, #tpu.memory_space<vmem>>, vector<16xi32>,
      tpu.vector_store %arg5[%swap3A_117, %swap3A_118], %add3A_115 {strides = array<i32>} : memref<26x128xi32, #tpu.memory_space<vmem>>, vector<16xi32>,
      %get3A_120 = arith.constant 2 : i32
      %get3A_121 = arith.index_cast %get3A_120 : i32 to index
      %get3A_122 = arith.constant 32 : index
      %get3A_123 = tpu.vector_load %arg5[%get3A_121, %get3A_122] {strides = array<i32>} : memref<26x128xi32, #tpu.memory_space<vmem>>, vector<16xi32>,
      %add3A_124 = arith.constant 200000 : i32
      %add3A_125 = vector.broadcast %add3A_124 : i32 to vector<16xi32>
      %add3A_126 = arith.addi %get3A_123, %add3A_125 : vector<16xi32>
      %swap3A_127 = arith.constant 2 : i32
      %swap3A_128 = arith.index_cast %swap3A_127 : i32 to index
      %swap3A_129 = arith.constant 32 : index
      %swap3A_130 = tpu.vector_load %arg5[%swap3A_128, %swap3A_129] {strides = array<i32>} : memref<26x128xi32, #tpu.memory_space<vmem>>, vector<16xi32>,
      tpu.vector_store %arg5[%swap3A_128, %swap3A_129], %add3A_126 {strides = array<i32>} : memref<26x128xi32, #tpu.memory_space<vmem>>, vector<16xi32>,
      %get3A_131 = arith.constant 2 : i32
      %get3A_132 = arith.index_cast %get3A_131 : i32 to index
      %get3A_133 = arith.constant 48 : index
      %get3A_134 = tpu.vector_load %arg5[%get3A_132, %get3A_133] {strides = array<i32>} : memref<26x128xi32, #tpu.memory_space<vmem>>, vector<16xi32>,
      %add3A_135 = arith.constant 200000 : i32
      %add3A_136 = vector.broadcast %add3A_135 : i32 to vector<16xi32>
      %add3A_137 = arith.addi %get3A_134, %add3A_136 : vector<16xi32>
      %swap3A_138 = arith.constant 2 : i32
      %swap3A_139 = arith.index_cast %swap3A_138 : i32 to index
      %swap3A_140 = arith.constant 48 : index
      %swap3A_141 = tpu.vector_load %arg5[%swap3A_139, %swap3A_140] {strides = array<i32>} : memref<26x128xi32, #tpu.memory_space<vmem>>, vector<16xi32>,
      tpu.vector_store %arg5[%swap3A_139, %swap3A_140], %add3A_137 {strides = array<i32>} : memref<26x128xi32, #tpu.memory_space<vmem>>, vector<16xi32>,
      %get3A_142 = arith.constant 2 : i32
      %get3A_143 = arith.index_cast %get3A_142 : i32 to index
      %get3A_144 = arith.constant 64 : index
      %get3A_145 = tpu.vector_load %arg5[%get3A_143, %get3A_144] {strides = array<i32>} : memref<26x128xi32, #tpu.memory_space<vmem>>, vector<16xi32>,
      %add3A_146 = arith.constant 200000 : i32
      %add3A_147 = vector.broadcast %add3A_146 : i32 to vector<16xi32>
      %add3A_148 = arith.addi %get3A_145, %add3A_147 : vector<16xi32>
      %swap3A_149 = arith.constant 2 : i32
      %swap3A_150 = arith.index_cast %swap3A_149 : i32 to index
      %swap3A_151 = arith.constant 64 : index
      %swap3A_152 = tpu.vector_load %arg5[%swap3A_150, %swap3A_151] {strides = array<i32>} : memref<26x128xi32, #tpu.memory_space<vmem>>, vector<16xi32>,
      tpu.vector_store %arg5[%swap3A_150, %swap3A_151], %add3A_148 {strides = array<i32>} : memref<26x128xi32, #tpu.memory_space<vmem>>, vector<16xi32>,
      %get3A_153 = arith.constant 2 : i32
      %get3A_154 = arith.index_cast %get3A_153 : i32 to index
      %get3A_155 = arith.constant 80 : index
      %get3A_156 = tpu.vector_load %arg5[%get3A_154, %get3A_155] {strides = array<i32>} : memref<26x128xi32, #tpu.memory_space<vmem>>, vector<16xi32>,
      %add3A_157 = arith.constant 200000 : i32
      %add3A_158 = vector.broadcast %add3A_157 : i32 to vector<16xi32>
      %add3A_159 = arith.addi %get3A_156, %add3A_158 : vector<16xi32>
      %swap3A_160 = arith.constant 2 : i32
      %swap3A_161 = arith.index_cast %swap3A_160 : i32 to index
      %swap3A_162 = arith.constant 80 : index
      %swap3A_163 = tpu.vector_load %arg5[%swap3A_161, %swap3A_162] {strides = array<i32>} : memref<26x128xi32, #tpu.memory_space<vmem>>, vector<16xi32>,
      tpu.vector_store %arg5[%swap3A_161, %swap3A_162], %add3A_159 {strides = array<i32>} : memref<26x128xi32, #tpu.memory_space<vmem>>, vector<16xi32>,
      %get3A_164 = arith.constant 2 : i32
      %get3A_165 = arith.index_cast %get3A_164 : i32 to index
      %get3A_166 = arith.constant 96 : index
      %get3A_167 = tpu.vector_load %arg5[%get3A_165, %get3A_166] {strides = array<i32>} : memref<26x128xi32, #tpu.memory_space<vmem>>, vector<16xi32>,
      %add3A_168 = arith.constant 200000 : i32
      %add3A_169 = vector.broadcast %add3A_168 : i32 to vector<16xi32>
      %add3A_170 = arith.addi %get3A_167, %add3A_169 : vector<16xi32>
      %swap3A_171 = arith.constant 2 : i32
      %swap3A_172 = arith.index_cast %swap3A_171 : i32 to index
      %swap3A_173 = arith.constant 96 : index
      %swap3A_174 = tpu.vector_load %arg5[%swap3A_172, %swap3A_173] {strides = array<i32>} : memref<26x128xi32, #tpu.memory_space<vmem>>, vector<16xi32>,
      tpu.vector_store %arg5[%swap3A_172, %swap3A_173], %add3A_170 {strides = array<i32>} : memref<26x128xi32, #tpu.memory_space<vmem>>, vector<16xi32>,
      %get3A_175 = arith.constant 2 : i32
      %get3A_176 = arith.index_cast %get3A_175 : i32 to index
      %get3A_177 = arith.constant 112 : index
      %get3A_178 = tpu.vector_load %arg5[%get3A_176, %get3A_177] {strides = array<i32>} : memref<26x128xi32, #tpu.memory_space<vmem>>, vector<16xi32>,
      %add3A_179 = arith.constant 200000 : i32
      %add3A_180 = vector.broadcast %add3A_179 : i32 to vector<16xi32>
      %add3A_181 = arith.addi %get3A_178, %add3A_180 : vector<16xi32>
      %swap3A_182 = arith.constant 2 : i32
      %swap3A_183 = arith.index_cast %swap3A_182 : i32 to index
      %swap3A_184 = arith.constant 112 : index
      %swap3A_185 = tpu.vector_load %arg5[%swap3A_183, %swap3A_184] {strides = array<i32>} : memref<26x128xi32, #tpu.memory_space<vmem>>, vector<16xi32>,
      tpu.vector_store %arg5[%swap3A_183, %swap3A_184], %add3A_181 {strides = array<i32>} : memref<26x128xi32, #tpu.memory_space<vmem>>, vector<16xi32>,
      %get3A_186 = arith.constant 3 : i32
      %get3A_187 = arith.index_cast %get3A_186 : i32 to index
      %get3A_188 = arith.constant 0 : index
      %get3A_189 = tpu.vector_load %arg5[%get3A_187, %get3A_188] {strides = array<i32>} : memref<26x128xi32, #tpu.memory_space<vmem>>, vector<16xi32>,
      %add3A_190 = arith.constant 300000 : i32
      %add3A_191 = vector.broadcast %add3A_190 : i32 to vector<16xi32>
      %add3A_192 = arith.addi %get3A_189, %add3A_191 : vector<16xi32>
      %swap3A_193 = arith.constant 3 : i32
      %swap3A_194 = arith.index_cast %swap3A_193 : i32 to index
      %swap3A_195 = arith.constant 0 : index
      %swap3A_196 = tpu.vector_load %arg5[%swap3A_194, %swap3A_195] {strides = array<i32>} : memref<26x128xi32, #tpu.memory_space<vmem>>, vector<16xi32>,
      tpu.vector_store %arg5[%swap3A_194, %swap3A_195], %add3A_192 {strides = array<i32>} : memref<26x128xi32, #tpu.memory_space<vmem>>, vector<16xi32>,
      %get3A_197 = arith.constant 3 : i32
      %get3A_198 = arith.index_cast %get3A_197 : i32 to index
      %get3A_199 = arith.constant 16 : index
      %get3A_200 = tpu.vector_load %arg5[%get3A_198, %get3A_199] {strides = array<i32>} : memref<26x128xi32, #tpu.memory_space<vmem>>, vector<16xi32>,
      %add3A_201 = arith.constant 300000 : i32
      %add3A_202 = vector.broadcast %add3A_201 : i32 to vector<16xi32>
      %add3A_203 = arith.addi %get3A_200, %add3A_202 : vector<16xi32>
      %swap3A_204 = arith.constant 3 : i32
      %swap3A_205 = arith.index_cast %swap3A_204 : i32 to index
      %swap3A_206 = arith.constant 16 : index
      %swap3A_207 = tpu.vector_load %arg5[%swap3A_205, %swap3A_206] {strides = array<i32>} : memref<26x128xi32, #tpu.memory_space<vmem>>, vector<16xi32>,
      tpu.vector_store %arg5[%swap3A_205, %swap3A_206], %add3A_203 {strides = array<i32>} : memref<26x128xi32, #tpu.memory_space<vmem>>, vector<16xi32>,
      %get3A_208 = arith.constant 3 : i32
      %get3A_209 = arith.index_cast %get3A_208 : i32 to index
      %get3A_210 = arith.constant 32 : index
      %get3A_211 = tpu.vector_load %arg5[%get3A_209, %get3A_210] {strides = array<i32>} : memref<26x128xi32, #tpu.memory_space<vmem>>, vector<16xi32>,
      %add3A_212 = arith.constant 300000 : i32
      %add3A_213 = vector.broadcast %add3A_212 : i32 to vector<16xi32>
      %add3A_214 = arith.addi %get3A_211, %add3A_213 : vector<16xi32>
      %swap3A_215 = arith.constant 3 : i32
      %swap3A_216 = arith.index_cast %swap3A_215 : i32 to index
      %swap3A_217 = arith.constant 32 : index
      %swap3A_218 = tpu.vector_load %arg5[%swap3A_216, %swap3A_217] {strides = array<i32>} : memref<26x128xi32, #tpu.memory_space<vmem>>, vector<16xi32>,
      tpu.vector_store %arg5[%swap3A_216, %swap3A_217], %add3A_214 {strides = array<i32>} : memref<26x128xi32, #tpu.memory_space<vmem>>, vector<16xi32>,
      %get3A_219 = arith.constant 3 : i32
      %get3A_220 = arith.index_cast %get3A_219 : i32 to index
      %get3A_221 = arith.constant 48 : index
      %get3A_222 = tpu.vector_load %arg5[%get3A_220, %get3A_221] {strides = array<i32>} : memref<26x128xi32, #tpu.memory_space<vmem>>, vector<16xi32>,
      %add3A_223 = arith.constant 300000 : i32
      %add3A_224 = vector.broadcast %add3A_223 : i32 to vector<16xi32>
      %add3A_225 = arith.addi %get3A_222, %add3A_224 : vector<16xi32>
      %swap3A_226 = arith.constant 3 : i32
      %swap3A_227 = arith.index_cast %swap3A_226 : i32 to index
      %swap3A_228 = arith.constant 48 : index
      %swap3A_229 = tpu.vector_load %arg5[%swap3A_227, %swap3A_228] {strides = array<i32>} : memref<26x128xi32, #tpu.memory_space<vmem>>, vector<16xi32>,
      tpu.vector_store %arg5[%swap3A_227, %swap3A_228], %add3A_225 {strides = array<i32>} : memref<26x128xi32, #tpu.memory_space<vmem>>, vector<16xi32>,
      %get3A_230 = arith.constant 3 : i32
      %get3A_231 = arith.index_cast %get3A_230 : i32 to index
      %get3A_232 = arith.constant 64 : index
      %get3A_233 = tpu.vector_load %arg5[%get3A_231, %get3A_232] {strides = array<i32>} : memref<26x128xi32, #tpu.memory_space<vmem>>, vector<16xi32>,
      %add3A_234 = arith.constant 300000 : i32
      %add3A_235 = vector.broadcast %add3A_234 : i32 to vector<16xi32>
      %add3A_236 = arith.addi %get3A_233, %add3A_235 : vector<16xi32>
      %swap3A_237 = arith.constant 3 : i32
      %swap3A_238 = arith.index_cast %swap3A_237 : i32 to index
      %swap3A_239 = arith.constant 64 : index
      %swap3A_240 = tpu.vector_load %arg5[%swap3A_238, %swap3A_239] {strides = array<i32>} : memref<26x128xi32, #tpu.memory_space<vmem>>, vector<16xi32>,
      tpu.vector_store %arg5[%swap3A_238, %swap3A_239], %add3A_236 {strides = array<i32>} : memref<26x128xi32, #tpu.memory_space<vmem>>, vector<16xi32>,
      %get3A_241 = arith.constant 3 : i32
      %get3A_242 = arith.index_cast %get3A_241 : i32 to index
      %get3A_243 = arith.constant 80 : index
      %get3A_244 = tpu.vector_load %arg5[%get3A_242, %get3A_243] {strides = array<i32>} : memref<26x128xi32, #tpu.memory_space<vmem>>, vector<16xi32>,
      %add3A_245 = arith.constant 300000 : i32
      %add3A_246 = vector.broadcast %add3A_245 : i32 to vector<16xi32>
      %add3A_247 = arith.addi %get3A_244, %add3A_246 : vector<16xi32>
      %swap3A_248 = arith.constant 3 : i32
      %swap3A_249 = arith.index_cast %swap3A_248 : i32 to index
      %swap3A_250 = arith.constant 80 : index
      %swap3A_251 = tpu.vector_load %arg5[%swap3A_249, %swap3A_250] {strides = array<i32>} : memref<26x128xi32, #tpu.memory_space<vmem>>, vector<16xi32>,
      tpu.vector_store %arg5[%swap3A_249, %swap3A_250], %add3A_247 {strides = array<i32>} : memref<26x128xi32, #tpu.memory_space<vmem>>, vector<16xi32>,
      %get3A_252 = arith.constant 3 : i32
      %get3A_253 = arith.index_cast %get3A_252 : i32 to index
      %get3A_254 = arith.constant 96 : index
      %get3A_255 = tpu.vector_load %arg5[%get3A_253, %get3A_254] {strides = array<i32>} : memref<26x128xi32, #tpu.memory_space<vmem>>, vector<16xi32>,
      %add3A_256 = arith.constant 300000 : i32
      %add3A_257 = vector.broadcast %add3A_256 : i32 to vector<16xi32>
      %add3A_258 = arith.addi %get3A_255, %add3A_257 : vector<16xi32>
      %swap3A_259 = arith.constant 3 : i32
      %swap3A_260 = arith.index_cast %swap3A_259 : i32 to index
      %swap3A_261 = arith.constant 96 : index
      %swap3A_262 = tpu.vector_load %arg5[%swap3A_260, %swap3A_261] {strides = array<i32>} : memref<26x128xi32, #tpu.memory_space<vmem>>, vector<16xi32>,
      tpu.vector_store %arg5[%swap3A_260, %swap3A_261], %add3A_258 {strides = array<i32>} : memref<26x128xi32, #tpu.memory_space<vmem>>, vector<16xi32>,
      %get3A_263 = arith.constant 3 : i32
      %get3A_264 = arith.index_cast %get3A_263 : i32 to index
      %get3A_265 = arith.constant 112 : index
      %get3A_266 = tpu.vector_load %arg5[%get3A_264, %get3A_265] {strides = array<i32>} : memref<26x128xi32, #tpu.memory_space<vmem>>, vector<16xi32>,
      %add3A_267 = arith.constant 300000 : i32
      %add3A_268 = vector.broadcast %add3A_267 : i32 to vector<16xi32>
      %add3A_269 = arith.addi %get3A_266, %add3A_268 : vector<16xi32>
      %swap3A_270 = arith.constant 3 : i32
      %swap3A_271 = arith.index_cast %swap3A_270 : i32 to index
      %swap3A_272 = arith.constant 112 : index
      %swap3A_273 = tpu.vector_load %arg5[%swap3A_271, %swap3A_272] {strides = array<i32>} : memref<26x128xi32, #tpu.memory_space<vmem>>, vector<16xi32>,
      tpu.vector_store %arg5[%swap3A_271, %swap3A_272], %add3A_269 {strides = array<i32>} : memref<26x128xi32, #tpu.memory_space<vmem>>, vector<16xi32>,
      %get3A_274 = arith.constant 4 : i32
      %get3A_275 = arith.index_cast %get3A_274 : i32 to index
      %get3A_276 = arith.constant 0 : index
      %get3A_277 = tpu.vector_load %arg5[%get3A_275, %get3A_276] {strides = array<i32>} : memref<26x128xi32, #tpu.memory_space<vmem>>, vector<16xi32>,
      %add3A_278 = arith.constant 400000 : i32
      %add3A_279 = vector.broadcast %add3A_278 : i32 to vector<16xi32>
      %add3A_280 = arith.addi %get3A_277, %add3A_279 : vector<16xi32>
      %swap3A_281 = arith.constant 4 : i32
      %swap3A_282 = arith.index_cast %swap3A_281 : i32 to index
      %swap3A_283 = arith.constant 0 : index
      %swap3A_284 = tpu.vector_load %arg5[%swap3A_282, %swap3A_283] {strides = array<i32>} : memref<26x128xi32, #tpu.memory_space<vmem>>, vector<16xi32>,
      tpu.vector_store %arg5[%swap3A_282, %swap3A_283], %add3A_280 {strides = array<i32>} : memref<26x128xi32, #tpu.memory_space<vmem>>, vector<16xi32>,
      %get3A_285 = arith.constant 4 : i32
      %get3A_286 = arith.index_cast %get3A_285 : i32 to index
      %get3A_287 = arith.constant 16 : index
      %get3A_288 = tpu.vector_load %arg5[%get3A_286, %get3A_287] {strides = array<i32>} : memref<26x128xi32, #tpu.memory_space<vmem>>, vector<16xi32>,
      %add3A_289 = arith.constant 400000 : i32
      %add3A_290 = vector.broadcast %add3A_289 : i32 to vector<16xi32>
      %add3A_291 = arith.addi %get3A_288, %add3A_290 : vector<16xi32>
      %swap3A_292 = arith.constant 4 : i32
      %swap3A_293 = arith.index_cast %swap3A_292 : i32 to index
      %swap3A_294 = arith.constant 16 : index
      %swap3A_295 = tpu.vector_load %arg5[%swap3A_293, %swap3A_294] {strides = array<i32>} : memref<26x128xi32, #tpu.memory_space<vmem>>, vector<16xi32>,
      tpu.vector_store %arg5[%swap3A_293, %swap3A_294], %add3A_291 {strides = array<i32>} : memref<26x128xi32, #tpu.memory_space<vmem>>, vector<16xi32>,
      %get3A_296 = arith.constant 4 : i32
      %get3A_297 = arith.index_cast %get3A_296 : i32 to index
      %get3A_298 = arith.constant 32 : index
      %get3A_299 = tpu.vector_load %arg5[%get3A_297, %get3A_298] {strides = array<i32>} : memref<26x128xi32, #tpu.memory_space<vmem>>, vector<16xi32>,
      %add3A_300 = arith.constant 400000 : i32
      %add3A_301 = vector.broadcast %add3A_300 : i32 to vector<16xi32>
      %add3A_302 = arith.addi %get3A_299, %add3A_301 : vector<16xi32>
      %swap3A_303 = arith.constant 4 : i32
      %swap3A_304 = arith.index_cast %swap3A_303 : i32 to index
      %swap3A_305 = arith.constant 32 : index
      %swap3A_306 = tpu.vector_load %arg5[%swap3A_304, %swap3A_305] {strides = array<i32>} : memref<26x128xi32, #tpu.memory_space<vmem>>, vector<16xi32>,
      tpu.vector_store %arg5[%swap3A_304, %swap3A_305], %add3A_302 {strides = array<i32>} : memref<26x128xi32, #tpu.memory_space<vmem>>, vector<16xi32>,
      %get3A_307 = arith.constant 4 : i32
      %get3A_308 = arith.index_cast %get3A_307 : i32 to index
      %get3A_309 = arith.constant 48 : index
      %get3A_310 = tpu.vector_load %arg5[%get3A_308, %get3A_309] {strides = array<i32>} : memref<26x128xi32, #tpu.memory_space<vmem>>, vector<16xi32>,
      %add3A_311 = arith.constant 400000 : i32
      %add3A_312 = vector.broadcast %add3A_311 : i32 to vector<16xi32>
      %add3A_313 = arith.addi %get3A_310, %add3A_312 : vector<16xi32>
      %swap3A_314 = arith.constant 4 : i32
      %swap3A_315 = arith.index_cast %swap3A_314 : i32 to index
      %swap3A_316 = arith.constant 48 : index
      %swap3A_317 = tpu.vector_load %arg5[%swap3A_315, %swap3A_316] {strides = array<i32>} : memref<26x128xi32, #tpu.memory_space<vmem>>, vector<16xi32>,
      tpu.vector_store %arg5[%swap3A_315, %swap3A_316], %add3A_313 {strides = array<i32>} : memref<26x128xi32, #tpu.memory_space<vmem>>, vector<16xi32>,
      %get3A_318 = arith.constant 4 : i32
      %get3A_319 = arith.index_cast %get3A_318 : i32 to index
      %get3A_320 = arith.constant 64 : index
      %get3A_321 = tpu.vector_load %arg5[%get3A_319, %get3A_320] {strides = array<i32>} : memref<26x128xi32, #tpu.memory_space<vmem>>, vector<16xi32>,
      %add3A_322 = arith.constant 400000 : i32
      %add3A_323 = vector.broadcast %add3A_322 : i32 to vector<16xi32>
      %add3A_324 = arith.addi %get3A_321, %add3A_323 : vector<16xi32>
      %swap3A_325 = arith.constant 4 : i32
      %swap3A_326 = arith.index_cast %swap3A_325 : i32 to index
      %swap3A_327 = arith.constant 64 : index
      %swap3A_328 = tpu.vector_load %arg5[%swap3A_326, %swap3A_327] {strides = array<i32>} : memref<26x128xi32, #tpu.memory_space<vmem>>, vector<16xi32>,
      tpu.vector_store %arg5[%swap3A_326, %swap3A_327], %add3A_324 {strides = array<i32>} : memref<26x128xi32, #tpu.memory_space<vmem>>, vector<16xi32>,
      %get3A_329 = arith.constant 4 : i32
      %get3A_330 = arith.index_cast %get3A_329 : i32 to index
      %get3A_331 = arith.constant 80 : index
      %get3A_332 = tpu.vector_load %arg5[%get3A_330, %get3A_331] {strides = array<i32>} : memref<26x128xi32, #tpu.memory_space<vmem>>, vector<16xi32>,
      %add3A_333 = arith.constant 400000 : i32
      %add3A_334 = vector.broadcast %add3A_333 : i32 to vector<16xi32>
      %add3A_335 = arith.addi %get3A_332, %add3A_334 : vector<16xi32>
      %swap3A_336 = arith.constant 4 : i32
      %swap3A_337 = arith.index_cast %swap3A_336 : i32 to index
      %swap3A_338 = arith.constant 80 : index
      %swap3A_339 = tpu.vector_load %arg5[%swap3A_337, %swap3A_338] {strides = array<i32>} : memref<26x128xi32, #tpu.memory_space<vmem>>, vector<16xi32>,
      tpu.vector_store %arg5[%swap3A_337, %swap3A_338], %add3A_335 {strides = array<i32>} : memref<26x128xi32, #tpu.memory_space<vmem>>, vector<16xi32>,
      %get3A_340 = arith.constant 4 : i32
      %get3A_341 = arith.index_cast %get3A_340 : i32 to index
      %get3A_342 = arith.constant 96 : index
      %get3A_343 = tpu.vector_load %arg5[%get3A_341, %get3A_342] {strides = array<i32>} : memref<26x128xi32, #tpu.memory_space<vmem>>, vector<16xi32>,
      %add3A_344 = arith.constant 400000 : i32
      %add3A_345 = vector.broadcast %add3A_344 : i32 to vector<16xi32>
      %add3A_346 = arith.addi %get3A_343, %add3A_345 : vector<16xi32>
      %swap3A_347 = arith.constant 4 : i32
      %swap3A_348 = arith.index_cast %swap3A_347 : i32 to index
      %swap3A_349 = arith.constant 96 : index
      %swap3A_350 = tpu.vector_load %arg5[%swap3A_348, %swap3A_349] {strides = array<i32>} : memref<26x128xi32, #tpu.memory_space<vmem>>, vector<16xi32>,
      tpu.vector_store %arg5[%swap3A_348, %swap3A_349], %add3A_346 {strides = array<i32>} : memref<26x128xi32, #tpu.memory_space<vmem>>, vector<16xi32>,
      %get3A_351 = arith.constant 4 : i32
      %get3A_352 = arith.index_cast %get3A_351 : i32 to index
      %get3A_353 = arith.constant 112 : index
      %get3A_354 = tpu.vector_load %arg5[%get3A_352, %get3A_353] {strides = array<i32>} : memref<26x128xi32, #tpu.memory_space<vmem>>, vector<16xi32>,
      %add3A_355 = arith.constant 400000 : i32
      %add3A_356 = vector.broadcast %add3A_355 : i32 to vector<16xi32>
      %add3A_357 = arith.addi %get3A_354, %add3A_356 : vector<16xi32>
      %swap3A_358 = arith.constant 4 : i32
      %swap3A_359 = arith.index_cast %swap3A_358 : i32 to index
      %swap3A_360 = arith.constant 112 : index
      %swap3A_361 = tpu.vector_load %arg5[%swap3A_359, %swap3A_360] {strides = array<i32>} : memref<26x128xi32, #tpu.memory_space<vmem>>, vector<16xi32>,
      tpu.vector_store %arg5[%swap3A_359, %swap3A_360], %add3A_357 {strides = array<i32>} : memref<26x128xi32, #tpu.memory_space<vmem>>, vector<16xi32>,
      %get3A_362 = arith.constant 5 : i32
      %get3A_363 = arith.index_cast %get3A_362 : i32 to index
      %get3A_364 = arith.constant 0 : index
      %get3A_365 = tpu.vector_load %arg5[%get3A_363, %get3A_364] {strides = array<i32>} : memref<26x128xi32, #tpu.memory_space<vmem>>, vector<16xi32>,
      %add3A_366 = arith.constant 500000 : i32
      %add3A_367 = vector.broadcast %add3A_366 : i32 to vector<16xi32>
      %add3A_368 = arith.addi %get3A_365, %add3A_367 : vector<16xi32>
      %swap3A_369 = arith.constant 5 : i32
      %swap3A_370 = arith.index_cast %swap3A_369 : i32 to index
      %swap3A_371 = arith.constant 0 : index
      %swap3A_372 = tpu.vector_load %arg5[%swap3A_370, %swap3A_371] {strides = array<i32>} : memref<26x128xi32, #tpu.memory_space<vmem>>, vector<16xi32>,
      tpu.vector_store %arg5[%swap3A_370, %swap3A_371], %add3A_368 {strides = array<i32>} : memref<26x128xi32, #tpu.memory_space<vmem>>, vector<16xi32>,
      %get3A_373 = arith.constant 5 : i32
      %get3A_374 = arith.index_cast %get3A_373 : i32 to index
      %get3A_375 = arith.constant 16 : index
      %get3A_376 = tpu.vector_load %arg5[%get3A_374, %get3A_375] {strides = array<i32>} : memref<26x128xi32, #tpu.memory_space<vmem>>, vector<16xi32>,
      %add3A_377 = arith.constant 500000 : i32
      %add3A_378 = vector.broadcast %add3A_377 : i32 to vector<16xi32>
      %add3A_379 = arith.addi %get3A_376, %add3A_378 : vector<16xi32>
      %swap3A_380 = arith.constant 5 : i32
      %swap3A_381 = arith.index_cast %swap3A_380 : i32 to index
      %swap3A_382 = arith.constant 16 : index
      %swap3A_383 = tpu.vector_load %arg5[%swap3A_381, %swap3A_382] {strides = array<i32>} : memref<26x128xi32, #tpu.memory_space<vmem>>, vector<16xi32>,
      tpu.vector_store %arg5[%swap3A_381, %swap3A_382], %add3A_379 {strides = array<i32>} : memref<26x128xi32, #tpu.memory_space<vmem>>, vector<16xi32>,
      %get3A_384 = arith.constant 5 : i32
      %get3A_385 = arith.index_cast %get3A_384 : i32 to index
      %get3A_386 = arith.constant 32 : index
      %get3A_387 = tpu.vector_load %arg5[%get3A_385, %get3A_386] {strides = array<i32>} : memref<26x128xi32, #tpu.memory_space<vmem>>, vector<16xi32>,
      %add3A_388 = arith.constant 500000 : i32
      %add3A_389 = vector.broadcast %add3A_388 : i32 to vector<16xi32>
      %add3A_390 = arith.addi %get3A_387, %add3A_389 : vector<16xi32>
      %swap3A_391 = arith.constant 5 : i32
      %swap3A_392 = arith.index_cast %swap3A_391 : i32 to index
      %swap3A_393 = arith.constant 32 : index
      %swap3A_394 = tpu.vector_load %arg5[%swap3A_392, %swap3A_393] {strides = array<i32>} : memref<26x128xi32, #tpu.memory_space<vmem>>, vector<16xi32>,
      tpu.vector_store %arg5[%swap3A_392, %swap3A_393], %add3A_390 {strides = array<i32>} : memref<26x128xi32, #tpu.memory_space<vmem>>, vector<16xi32>,
      %get3A_395 = arith.constant 5 : i32
      %get3A_396 = arith.index_cast %get3A_395 : i32 to index
      %get3A_397 = arith.constant 48 : index
      %get3A_398 = tpu.vector_load %arg5[%get3A_396, %get3A_397] {strides = array<i32>} : memref<26x128xi32, #tpu.memory_space<vmem>>, vector<16xi32>,
      %add3A_399 = arith.constant 500000 : i32
      %add3A_400 = vector.broadcast %add3A_399 : i32 to vector<16xi32>
      %add3A_401 = arith.addi %get3A_398, %add3A_400 : vector<16xi32>
      %swap3A_402 = arith.constant 5 : i32
      %swap3A_403 = arith.index_cast %swap3A_402 : i32 to index
      %swap3A_404 = arith.constant 48 : index
      %swap3A_405 = tpu.vector_load %arg5[%swap3A_403, %swap3A_404] {strides = array<i32>} : memref<26x128xi32, #tpu.memory_space<vmem>>, vector<16xi32>,
      tpu.vector_store %arg5[%swap3A_403, %swap3A_404], %add3A_401 {strides = array<i32>} : memref<26x128xi32, #tpu.memory_space<vmem>>, vector<16xi32>,
      %get3A_406 = arith.constant 5 : i32
      %get3A_407 = arith.index_cast %get3A_406 : i32 to index
      %get3A_408 = arith.constant 64 : index
      %get3A_409 = tpu.vector_load %arg5[%get3A_407, %get3A_408] {strides = array<i32>} : memref<26x128xi32, #tpu.memory_space<vmem>>, vector<16xi32>,
      %add3A_410 = arith.constant 500000 : i32
      %add3A_411 = vector.broadcast %add3A_410 : i32 to vector<16xi32>
      %add3A_412 = arith.addi %get3A_409, %add3A_411 : vector<16xi32>
      %swap3A_413 = arith.constant 5 : i32
      %swap3A_414 = arith.index_cast %swap3A_413 : i32 to index
      %swap3A_415 = arith.constant 64 : index
      %swap3A_416 = tpu.vector_load %arg5[%swap3A_414, %swap3A_415] {strides = array<i32>} : memref<26x128xi32, #tpu.memory_space<vmem>>, vector<16xi32>,
      tpu.vector_store %arg5[%swap3A_414, %swap3A_415], %add3A_412 {strides = array<i32>} : memref<26x128xi32, #tpu.memory_space<vmem>>, vector<16xi32>,
      %get3A_417 = arith.constant 5 : i32
      %get3A_418 = arith.index_cast %get3A_417 : i32 to index
      %get3A_419 = arith.constant 80 : index
      %get3A_420 = tpu.vector_load %arg5[%get3A_418, %get3A_419] {strides = array<i32>} : memref<26x128xi32, #tpu.memory_space<vmem>>, vector<16xi32>,
      %add3A_421 = arith.constant 500000 : i32
      %add3A_422 = vector.broadcast %add3A_421 : i32 to vector<16xi32>
      %add3A_423 = arith.addi %get3A_420, %add3A_422 : vector<16xi32>
      %swap3A_424 = arith.constant 5 : i32
      %swap3A_425 = arith.index_cast %swap3A_424 : i32 to index
      %swap3A_426 = arith.constant 80 : index
      %swap3A_427 = tpu.vector_load %arg5[%swap3A_425, %swap3A_426] {strides = array<i32>} : memref<26x128xi32, #tpu.memory_space<vmem>>, vector<16xi32>,
      tpu.vector_store %arg5[%swap3A_425, %swap3A_426], %add3A_423 {strides = array<i32>} : memref<26x128xi32, #tpu.memory_space<vmem>>, vector<16xi32>,
      %get3A_428 = arith.constant 5 : i32
      %get3A_429 = arith.index_cast %get3A_428 : i32 to index
      %get3A_430 = arith.constant 96 : index
      %get3A_431 = tpu.vector_load %arg5[%get3A_429, %get3A_430] {strides = array<i32>} : memref<26x128xi32, #tpu.memory_space<vmem>>, vector<16xi32>,
      %add3A_432 = arith.constant 500000 : i32
      %add3A_433 = vector.broadcast %add3A_432 : i32 to vector<16xi32>
      %add3A_434 = arith.addi %get3A_431, %add3A_433 : vector<16xi32>
      %swap3A_435 = arith.constant 5 : i32
      %swap3A_436 = arith.index_cast %swap3A_435 : i32 to index
      %swap3A_437 = arith.constant 96 : index
      %swap3A_438 = tpu.vector_load %arg5[%swap3A_436, %swap3A_437] {strides = array<i32>} : memref<26x128xi32, #tpu.memory_space<vmem>>, vector<16xi32>,
      tpu.vector_store %arg5[%swap3A_436, %swap3A_437], %add3A_434 {strides = array<i32>} : memref<26x128xi32, #tpu.memory_space<vmem>>, vector<16xi32>,
      %get3A_439 = arith.constant 5 : i32
      %get3A_440 = arith.index_cast %get3A_439 : i32 to index
      %get3A_441 = arith.constant 112 : index
      %get3A_442 = tpu.vector_load %arg5[%get3A_440, %get3A_441] {strides = array<i32>} : memref<26x128xi32, #tpu.memory_space<vmem>>, vector<16xi32>,
      %add3A_443 = arith.constant 500000 : i32
      %add3A_444 = vector.broadcast %add3A_443 : i32 to vector<16xi32>
      %add3A_445 = arith.addi %get3A_442, %add3A_444 : vector<16xi32>
      %swap3A_446 = arith.constant 5 : i32
      %swap3A_447 = arith.index_cast %swap3A_446 : i32 to index
      %swap3A_448 = arith.constant 112 : index
      %swap3A_449 = tpu.vector_load %arg5[%swap3A_447, %swap3A_448] {strides = array<i32>} : memref<26x128xi32, #tpu.memory_space<vmem>>, vector<16xi32>,
      tpu.vector_store %arg5[%swap3A_447, %swap3A_448], %add3A_445 {strides = array<i32>} : memref<26x128xi32, #tpu.memory_space<vmem>>, vector<16xi32>,
      %get3A_450 = arith.constant 6 : i32
      %get3A_451 = arith.index_cast %get3A_450 : i32 to index
      %get3A_452 = arith.constant 0 : index
      %get3A_453 = tpu.vector_load %arg5[%get3A_451, %get3A_452] {strides = array<i32>} : memref<26x128xi32, #tpu.memory_space<vmem>>, vector<16xi32>,
      %add3A_454 = arith.constant 600000 : i32
      %add3A_455 = vector.broadcast %add3A_454 : i32 to vector<16xi32>
      %add3A_456 = arith.addi %get3A_453, %add3A_455 : vector<16xi32>
      %swap3A_457 = arith.constant 6 : i32
      %swap3A_458 = arith.index_cast %swap3A_457 : i32 to index
      %swap3A_459 = arith.constant 0 : index
      %swap3A_460 = tpu.vector_load %arg5[%swap3A_458, %swap3A_459] {strides = array<i32>} : memref<26x128xi32, #tpu.memory_space<vmem>>, vector<16xi32>,
      tpu.vector_store %arg5[%swap3A_458, %swap3A_459], %add3A_456 {strides = array<i32>} : memref<26x128xi32, #tpu.memory_space<vmem>>, vector<16xi32>,
      %get3A_461 = arith.constant 6 : i32
      %get3A_462 = arith.index_cast %get3A_461 : i32 to index
      %get3A_463 = arith.constant 16 : index
      %get3A_464 = tpu.vector_load %arg5[%get3A_462, %get3A_463] {strides = array<i32>} : memref<26x128xi32, #tpu.memory_space<vmem>>, vector<16xi32>,
      %add3A_465 = arith.constant 600000 : i32
      %add3A_466 = vector.broadcast %add3A_465 : i32 to vector<16xi32>
      %add3A_467 = arith.addi %get3A_464, %add3A_466 : vector<16xi32>
      %swap3A_468 = arith.constant 6 : i32
      %swap3A_469 = arith.index_cast %swap3A_468 : i32 to index
      %swap3A_470 = arith.constant 16 : index
      %swap3A_471 = tpu.vector_load %arg5[%swap3A_469, %swap3A_470] {strides = array<i32>} : memref<26x128xi32, #tpu.memory_space<vmem>>, vector<16xi32>,
      tpu.vector_store %arg5[%swap3A_469, %swap3A_470], %add3A_467 {strides = array<i32>} : memref<26x128xi32, #tpu.memory_space<vmem>>, vector<16xi32>,
      %get3A_472 = arith.constant 6 : i32
      %get3A_473 = arith.index_cast %get3A_472 : i32 to index
      %get3A_474 = arith.constant 32 : index
      %get3A_475 = tpu.vector_load %arg5[%get3A_473, %get3A_474] {strides = array<i32>} : memref<26x128xi32, #tpu.memory_space<vmem>>, vector<16xi32>,
      %add3A_476 = arith.constant 600000 : i32
      %add3A_477 = vector.broadcast %add3A_476 : i32 to vector<16xi32>
      %add3A_478 = arith.addi %get3A_475, %add3A_477 : vector<16xi32>
      %swap3A_479 = arith.constant 6 : i32
      %swap3A_480 = arith.index_cast %swap3A_479 : i32 to index
      %swap3A_481 = arith.constant 32 : index
      %swap3A_482 = tpu.vector_load %arg5[%swap3A_480, %swap3A_481] {strides = array<i32>} : memref<26x128xi32, #tpu.memory_space<vmem>>, vector<16xi32>,
      tpu.vector_store %arg5[%swap3A_480, %swap3A_481], %add3A_478 {strides = array<i32>} : memref<26x128xi32, #tpu.memory_space<vmem>>, vector<16xi32>,
      %get3A_483 = arith.constant 6 : i32
      %get3A_484 = arith.index_cast %get3A_483 : i32 to index
      %get3A_485 = arith.constant 48 : index
      %get3A_486 = tpu.vector_load %arg5[%get3A_484, %get3A_485] {strides = array<i32>} : memref<26x128xi32, #tpu.memory_space<vmem>>, vector<16xi32>,
      %add3A_487 = arith.constant 600000 : i32
      %add3A_488 = vector.broadcast %add3A_487 : i32 to vector<16xi32>
      %add3A_489 = arith.addi %get3A_486, %add3A_488 : vector<16xi32>
      %swap3A_490 = arith.constant 6 : i32
      %swap3A_491 = arith.index_cast %swap3A_490 : i32 to index
      %swap3A_492 = arith.constant 48 : index
      %swap3A_493 = tpu.vector_load %arg5[%swap3A_491, %swap3A_492] {strides = array<i32>} : memref<26x128xi32, #tpu.memory_space<vmem>>, vector<16xi32>,
      tpu.vector_store %arg5[%swap3A_491, %swap3A_492], %add3A_489 {strides = array<i32>} : memref<26x128xi32, #tpu.memory_space<vmem>>, vector<16xi32>,
      %get3A_494 = arith.constant 6 : i32
      %get3A_495 = arith.index_cast %get3A_494 : i32 to index
      %get3A_496 = arith.constant 64 : index
      %get3A_497 = tpu.vector_load %arg5[%get3A_495, %get3A_496] {strides = array<i32>} : memref<26x128xi32, #tpu.memory_space<vmem>>, vector<16xi32>,
      %add3A_498 = arith.constant 600000 : i32
      %add3A_499 = vector.broadcast %add3A_498 : i32 to vector<16xi32>
      %add3A_500 = arith.addi %get3A_497, %add3A_499 : vector<16xi32>
      %swap3A_501 = arith.constant 6 : i32
      %swap3A_502 = arith.index_cast %swap3A_501 : i32 to index
      %swap3A_503 = arith.constant 64 : index
      %swap3A_504 = tpu.vector_load %arg5[%swap3A_502, %swap3A_503] {strides = array<i32>} : memref<26x128xi32, #tpu.memory_space<vmem>>, vector<16xi32>,
      tpu.vector_store %arg5[%swap3A_502, %swap3A_503], %add3A_500 {strides = array<i32>} : memref<26x128xi32, #tpu.memory_space<vmem>>, vector<16xi32>,
      %get3A_505 = arith.constant 6 : i32
      %get3A_506 = arith.index_cast %get3A_505 : i32 to index
      %get3A_507 = arith.constant 80 : index
      %get3A_508 = tpu.vector_load %arg5[%get3A_506, %get3A_507] {strides = array<i32>} : memref<26x128xi32, #tpu.memory_space<vmem>>, vector<16xi32>,
      %add3A_509 = arith.constant 600000 : i32
      %add3A_510 = vector.broadcast %add3A_509 : i32 to vector<16xi32>
      %add3A_511 = arith.addi %get3A_508, %add3A_510 : vector<16xi32>
      %swap3A_512 = arith.constant 6 : i32
      %swap3A_513 = arith.index_cast %swap3A_512 : i32 to index
      %swap3A_514 = arith.constant 80 : index
      %swap3A_515 = tpu.vector_load %arg5[%swap3A_513, %swap3A_514] {strides = array<i32>} : memref<26x128xi32, #tpu.memory_space<vmem>>, vector<16xi32>,
      tpu.vector_store %arg5[%swap3A_513, %swap3A_514], %add3A_511 {strides = array<i32>} : memref<26x128xi32, #tpu.memory_space<vmem>>, vector<16xi32>,
      %get3A_516 = arith.constant 6 : i32
      %get3A_517 = arith.index_cast %get3A_516 : i32 to index
      %get3A_518 = arith.constant 96 : index
      %get3A_519 = tpu.vector_load %arg5[%get3A_517, %get3A_518] {strides = array<i32>} : memref<26x128xi32, #tpu.memory_space<vmem>>, vector<16xi32>,
      %add3A_520 = arith.constant 600000 : i32
      %add3A_521 = vector.broadcast %add3A_520 : i32 to vector<16xi32>
      %add3A_522 = arith.addi %get3A_519, %add3A_521 : vector<16xi32>
      %swap3A_523 = arith.constant 6 : i32
      %swap3A_524 = arith.index_cast %swap3A_523 : i32 to index
      %swap3A_525 = arith.constant 96 : index
      %swap3A_526 = tpu.vector_load %arg5[%swap3A_524, %swap3A_525] {strides = array<i32>} : memref<26x128xi32, #tpu.memory_space<vmem>>, vector<16xi32>,
      tpu.vector_store %arg5[%swap3A_524, %swap3A_525], %add3A_522 {strides = array<i32>} : memref<26x128xi32, #tpu.memory_space<vmem>>, vector<16xi32>,
      %get3A_527 = arith.constant 6 : i32
      %get3A_528 = arith.index_cast %get3A_527 : i32 to index
      %get3A_529 = arith.constant 112 : index
      %get3A_530 = tpu.vector_load %arg5[%get3A_528, %get3A_529] {strides = array<i32>} : memref<26x128xi32, #tpu.memory_space<vmem>>, vector<16xi32>,
      %add3A_531 = arith.constant 600000 : i32
      %add3A_532 = vector.broadcast %add3A_531 : i32 to vector<16xi32>
      %add3A_533 = arith.addi %get3A_530, %add3A_532 : vector<16xi32>
      %swap3A_534 = arith.constant 6 : i32
      %swap3A_535 = arith.index_cast %swap3A_534 : i32 to index
      %swap3A_536 = arith.constant 112 : index
      %swap3A_537 = tpu.vector_load %arg5[%swap3A_535, %swap3A_536] {strides = array<i32>} : memref<26x128xi32, #tpu.memory_space<vmem>>, vector<16xi32>,
      tpu.vector_store %arg5[%swap3A_535, %swap3A_536], %add3A_533 {strides = array<i32>} : memref<26x128xi32, #tpu.memory_space<vmem>>, vector<16xi32>,
      %get3A_538 = arith.constant 7 : i32
      %get3A_539 = arith.index_cast %get3A_538 : i32 to index
      %get3A_540 = arith.constant 0 : index
      %get3A_541 = tpu.vector_load %arg5[%get3A_539, %get3A_540] {strides = array<i32>} : memref<26x128xi32, #tpu.memory_space<vmem>>, vector<16xi32>,
      %add3A_542 = arith.constant 700000 : i32
      %add3A_543 = vector.broadcast %add3A_542 : i32 to vector<16xi32>
      %add3A_544 = arith.addi %get3A_541, %add3A_543 : vector<16xi32>
      %swap3A_545 = arith.constant 7 : i32
      %swap3A_546 = arith.index_cast %swap3A_545 : i32 to index
      %swap3A_547 = arith.constant 0 : index
      %swap3A_548 = tpu.vector_load %arg5[%swap3A_546, %swap3A_547] {strides = array<i32>} : memref<26x128xi32, #tpu.memory_space<vmem>>, vector<16xi32>,
      tpu.vector_store %arg5[%swap3A_546, %swap3A_547], %add3A_544 {strides = array<i32>} : memref<26x128xi32, #tpu.memory_space<vmem>>, vector<16xi32>,
      %get3A_549 = arith.constant 7 : i32
      %get3A_550 = arith.index_cast %get3A_549 : i32 to index
      %get3A_551 = arith.constant 16 : index
      %get3A_552 = tpu.vector_load %arg5[%get3A_550, %get3A_551] {strides = array<i32>} : memref<26x128xi32, #tpu.memory_space<vmem>>, vector<16xi32>,
      %add3A_553 = arith.constant 700000 : i32
      %add3A_554 = vector.broadcast %add3A_553 : i32 to vector<16xi32>
      %add3A_555 = arith.addi %get3A_552, %add3A_554 : vector<16xi32>
      %swap3A_556 = arith.constant 7 : i32
      %swap3A_557 = arith.index_cast %swap3A_556 : i32 to index
      %swap3A_558 = arith.constant 16 : index
      %swap3A_559 = tpu.vector_load %arg5[%swap3A_557, %swap3A_558] {strides = array<i32>} : memref<26x128xi32, #tpu.memory_space<vmem>>, vector<16xi32>,
      tpu.vector_store %arg5[%swap3A_557, %swap3A_558], %add3A_555 {strides = array<i32>} : memref<26x128xi32, #tpu.memory_space<vmem>>, vector<16xi32>,
      %get3A_560 = arith.constant 7 : i32
      %get3A_561 = arith.index_cast %get3A_560 : i32 to index
      %get3A_562 = arith.constant 32 : index
      %get3A_563 = tpu.vector_load %arg5[%get3A_561, %get3A_562] {strides = array<i32>} : memref<26x128xi32, #tpu.memory_space<vmem>>, vector<16xi32>,
      %add3A_564 = arith.constant 700000 : i32
      %add3A_565 = vector.broadcast %add3A_564 : i32 to vector<16xi32>
      %add3A_566 = arith.addi %get3A_563, %add3A_565 : vector<16xi32>
      %swap3A_567 = arith.constant 7 : i32
      %swap3A_568 = arith.index_cast %swap3A_567 : i32 to index
      %swap3A_569 = arith.constant 32 : index
      %swap3A_570 = tpu.vector_load %arg5[%swap3A_568, %swap3A_569] {strides = array<i32>} : memref<26x128xi32, #tpu.memory_space<vmem>>, vector<16xi32>,
      tpu.vector_store %arg5[%swap3A_568, %swap3A_569], %add3A_566 {strides = array<i32>} : memref<26x128xi32, #tpu.memory_space<vmem>>, vector<16xi32>,
      %get3A_571 = arith.constant 7 : i32
      %get3A_572 = arith.index_cast %get3A_571 : i32 to index
      %get3A_573 = arith.constant 48 : index
      %get3A_574 = tpu.vector_load %arg5[%get3A_572, %get3A_573] {strides = array<i32>} : memref<26x128xi32, #tpu.memory_space<vmem>>, vector<16xi32>,
      %add3A_575 = arith.constant 700000 : i32
      %add3A_576 = vector.broadcast %add3A_575 : i32 to vector<16xi32>
      %add3A_577 = arith.addi %get3A_574, %add3A_576 : vector<16xi32>
      %swap3A_578 = arith.constant 7 : i32
      %swap3A_579 = arith.index_cast %swap3A_578 : i32 to index
      %swap3A_580 = arith.constant 48 : index
      %swap3A_581 = tpu.vector_load %arg5[%swap3A_579, %swap3A_580] {strides = array<i32>} : memref<26x128xi32, #tpu.memory_space<vmem>>, vector<16xi32>,
      tpu.vector_store %arg5[%swap3A_579, %swap3A_580], %add3A_577 {strides = array<i32>} : memref<26x128xi32, #tpu.memory_space<vmem>>, vector<16xi32>,
      %get3A_582 = arith.constant 7 : i32
      %get3A_583 = arith.index_cast %get3A_582 : i32 to index
      %get3A_584 = arith.constant 64 : index
      %get3A_585 = tpu.vector_load %arg5[%get3A_583, %get3A_584] {strides = array<i32>} : memref<26x128xi32, #tpu.memory_space<vmem>>, vector<16xi32>,
      %add3A_586 = arith.constant 700000 : i32
      %add3A_587 = vector.broadcast %add3A_586 : i32 to vector<16xi32>
      %add3A_588 = arith.addi %get3A_585, %add3A_587 : vector<16xi32>
      %swap3A_589 = arith.constant 7 : i32
      %swap3A_590 = arith.index_cast %swap3A_589 : i32 to index
      %swap3A_591 = arith.constant 64 : index
      %swap3A_592 = tpu.vector_load %arg5[%swap3A_590, %swap3A_591] {strides = array<i32>} : memref<26x128xi32, #tpu.memory_space<vmem>>, vector<16xi32>,
      tpu.vector_store %arg5[%swap3A_590, %swap3A_591], %add3A_588 {strides = array<i32>} : memref<26x128xi32, #tpu.memory_space<vmem>>, vector<16xi32>,
      %get3A_593 = arith.constant 7 : i32
      %get3A_594 = arith.index_cast %get3A_593 : i32 to index
      %get3A_595 = arith.constant 80 : index
      %get3A_596 = tpu.vector_load %arg5[%get3A_594, %get3A_595] {strides = array<i32>} : memref<26x128xi32, #tpu.memory_space<vmem>>, vector<16xi32>,
      %add3A_597 = arith.constant 700000 : i32
      %add3A_598 = vector.broadcast %add3A_597 : i32 to vector<16xi32>
      %add3A_599 = arith.addi %get3A_596, %add3A_598 : vector<16xi32>
      %swap3A_600 = arith.constant 7 : i32
      %swap3A_601 = arith.index_cast %swap3A_600 : i32 to index
      %swap3A_602 = arith.constant 80 : index
      %swap3A_603 = tpu.vector_load %arg5[%swap3A_601, %swap3A_602] {strides = array<i32>} : memref<26x128xi32, #tpu.memory_space<vmem>>, vector<16xi32>,
      tpu.vector_store %arg5[%swap3A_601, %swap3A_602], %add3A_599 {strides = array<i32>} : memref<26x128xi32, #tpu.memory_space<vmem>>, vector<16xi32>,
      %get3A_604 = arith.constant 7 : i32
      %get3A_605 = arith.index_cast %get3A_604 : i32 to index
      %get3A_606 = arith.constant 96 : index
      %get3A_607 = tpu.vector_load %arg5[%get3A_605, %get3A_606] {strides = array<i32>} : memref<26x128xi32, #tpu.memory_space<vmem>>, vector<16xi32>,
      %add3A_608 = arith.constant 700000 : i32
      %add3A_609 = vector.broadcast %add3A_608 : i32 to vector<16xi32>
      %add3A_610 = arith.addi %get3A_607, %add3A_609 : vector<16xi32>
      %swap3A_611 = arith.constant 7 : i32
      %swap3A_612 = arith.index_cast %swap3A_611 : i32 to index
      %swap3A_613 = arith.constant 96 : index
      %swap3A_614 = tpu.vector_load %arg5[%swap3A_612, %swap3A_613] {strides = array<i32>} : memref<26x128xi32, #tpu.memory_space<vmem>>, vector<16xi32>,
      tpu.vector_store %arg5[%swap3A_612, %swap3A_613], %add3A_610 {strides = array<i32>} : memref<26x128xi32, #tpu.memory_space<vmem>>, vector<16xi32>,
      %get3A_615 = arith.constant 7 : i32
      %get3A_616 = arith.index_cast %get3A_615 : i32 to index
      %get3A_617 = arith.constant 112 : index
      %get3A_618 = tpu.vector_load %arg5[%get3A_616, %get3A_617] {strides = array<i32>} : memref<26x128xi32, #tpu.memory_space<vmem>>, vector<16xi32>,
      %add3A_619 = arith.constant 700000 : i32
      %add3A_620 = vector.broadcast %add3A_619 : i32 to vector<16xi32>
      %add3A_621 = arith.addi %get3A_618, %add3A_620 : vector<16xi32>
      %swap3A_622 = arith.constant 7 : i32
      %swap3A_623 = arith.index_cast %swap3A_622 : i32 to index
      %swap3A_624 = arith.constant 112 : index
      %swap3A_625 = tpu.vector_load %arg5[%swap3A_623, %swap3A_624] {strides = array<i32>} : memref<26x128xi32, #tpu.memory_space<vmem>>, vector<16xi32>,
      tpu.vector_store %arg5[%swap3A_623, %swap3A_624], %add3A_621 {strides = array<i32>} : memref<26x128xi32, #tpu.memory_space<vmem>>, vector<16xi32>,
      %get3A_626 = arith.constant 8 : i32
      %get3A_627 = arith.index_cast %get3A_626 : i32 to index
      %get3A_628 = arith.constant 0 : index
      %get3A_629 = tpu.vector_load %arg5[%get3A_627, %get3A_628] {strides = array<i32>} : memref<26x128xi32, #tpu.memory_space<vmem>>, vector<16xi32>,
      %add3A_630 = arith.constant 800000 : i32
      %add3A_631 = vector.broadcast %add3A_630 : i32 to vector<16xi32>
      %add3A_632 = arith.addi %get3A_629, %add3A_631 : vector<16xi32>
      %swap3A_633 = arith.constant 8 : i32
      %swap3A_634 = arith.index_cast %swap3A_633 : i32 to index
      %swap3A_635 = arith.constant 0 : index
      %swap3A_636 = tpu.vector_load %arg5[%swap3A_634, %swap3A_635] {strides = array<i32>} : memref<26x128xi32, #tpu.memory_space<vmem>>, vector<16xi32>,
      tpu.vector_store %arg5[%swap3A_634, %swap3A_635], %add3A_632 {strides = array<i32>} : memref<26x128xi32, #tpu.memory_space<vmem>>, vector<16xi32>,
      %get3A_637 = arith.constant 8 : i32
      %get3A_638 = arith.index_cast %get3A_637 : i32 to index
      %get3A_639 = arith.constant 16 : index
      %get3A_640 = tpu.vector_load %arg5[%get3A_638, %get3A_639] {strides = array<i32>} : memref<26x128xi32, #tpu.memory_space<vmem>>, vector<16xi32>,
      %add3A_641 = arith.constant 800000 : i32
      %add3A_642 = vector.broadcast %add3A_641 : i32 to vector<16xi32>
      %add3A_643 = arith.addi %get3A_640, %add3A_642 : vector<16xi32>
      %swap3A_644 = arith.constant 8 : i32
      %swap3A_645 = arith.index_cast %swap3A_644 : i32 to index
      %swap3A_646 = arith.constant 16 : index
      %swap3A_647 = tpu.vector_load %arg5[%swap3A_645, %swap3A_646] {strides = array<i32>} : memref<26x128xi32, #tpu.memory_space<vmem>>, vector<16xi32>,
      tpu.vector_store %arg5[%swap3A_645, %swap3A_646], %add3A_643 {strides = array<i32>} : memref<26x128xi32, #tpu.memory_space<vmem>>, vector<16xi32>,
      %get3A_648 = arith.constant 8 : i32
      %get3A_649 = arith.index_cast %get3A_648 : i32 to index
      %get3A_650 = arith.constant 32 : index
      %get3A_651 = tpu.vector_load %arg5[%get3A_649, %get3A_650] {strides = array<i32>} : memref<26x128xi32, #tpu.memory_space<vmem>>, vector<16xi32>,
      %add3A_652 = arith.constant 800000 : i32
      %add3A_653 = vector.broadcast %add3A_652 : i32 to vector<16xi32>
      %add3A_654 = arith.addi %get3A_651, %add3A_653 : vector<16xi32>
      %swap3A_655 = arith.constant 8 : i32
      %swap3A_656 = arith.index_cast %swap3A_655 : i32 to index
      %swap3A_657 = arith.constant 32 : index
      %swap3A_658 = tpu.vector_load %arg5[%swap3A_656, %swap3A_657] {strides = array<i32>} : memref<26x128xi32, #tpu.memory_space<vmem>>, vector<16xi32>,
      tpu.vector_store %arg5[%swap3A_656, %swap3A_657], %add3A_654 {strides = array<i32>} : memref<26x128xi32, #tpu.memory_space<vmem>>, vector<16xi32>,
      %get3A_659 = arith.constant 8 : i32
      %get3A_660 = arith.index_cast %get3A_659 : i32 to index
      %get3A_661 = arith.constant 48 : index
      %get3A_662 = tpu.vector_load %arg5[%get3A_660, %get3A_661] {strides = array<i32>} : memref<26x128xi32, #tpu.memory_space<vmem>>, vector<16xi32>,
      %add3A_663 = arith.constant 800000 : i32
      %add3A_664 = vector.broadcast %add3A_663 : i32 to vector<16xi32>
      %add3A_665 = arith.addi %get3A_662, %add3A_664 : vector<16xi32>
      %swap3A_666 = arith.constant 8 : i32
      %swap3A_667 = arith.index_cast %swap3A_666 : i32 to index
      %swap3A_668 = arith.constant 48 : index
      %swap3A_669 = tpu.vector_load %arg5[%swap3A_667, %swap3A_668] {strides = array<i32>} : memref<26x128xi32, #tpu.memory_space<vmem>>, vector<16xi32>,
      tpu.vector_store %arg5[%swap3A_667, %swap3A_668], %add3A_665 {strides = array<i32>} : memref<26x128xi32, #tpu.memory_space<vmem>>, vector<16xi32>,
      %get3A_670 = arith.constant 8 : i32
      %get3A_671 = arith.index_cast %get3A_670 : i32 to index
      %get3A_672 = arith.constant 64 : index
      %get3A_673 = tpu.vector_load %arg5[%get3A_671, %get3A_672] {strides = array<i32>} : memref<26x128xi32, #tpu.memory_space<vmem>>, vector<16xi32>,
      %add3A_674 = arith.constant 800000 : i32
      %add3A_675 = vector.broadcast %add3A_674 : i32 to vector<16xi32>
      %add3A_676 = arith.addi %get3A_673, %add3A_675 : vector<16xi32>
      %swap3A_677 = arith.constant 8 : i32
      %swap3A_678 = arith.index_cast %swap3A_677 : i32 to index
      %swap3A_679 = arith.constant 64 : index
      %swap3A_680 = tpu.vector_load %arg5[%swap3A_678, %swap3A_679] {strides = array<i32>} : memref<26x128xi32, #tpu.memory_space<vmem>>, vector<16xi32>,
      tpu.vector_store %arg5[%swap3A_678, %swap3A_679], %add3A_676 {strides = array<i32>} : memref<26x128xi32, #tpu.memory_space<vmem>>, vector<16xi32>,
      %get3A_681 = arith.constant 8 : i32
      %get3A_682 = arith.index_cast %get3A_681 : i32 to index
      %get3A_683 = arith.constant 80 : index
      %get3A_684 = tpu.vector_load %arg5[%get3A_682, %get3A_683] {strides = array<i32>} : memref<26x128xi32, #tpu.memory_space<vmem>>, vector<16xi32>,
      %add3A_685 = arith.constant 800000 : i32
      %add3A_686 = vector.broadcast %add3A_685 : i32 to vector<16xi32>
      %add3A_687 = arith.addi %get3A_684, %add3A_686 : vector<16xi32>
      %swap3A_688 = arith.constant 8 : i32
      %swap3A_689 = arith.index_cast %swap3A_688 : i32 to index
      %swap3A_690 = arith.constant 80 : index
      %swap3A_691 = tpu.vector_load %arg5[%swap3A_689, %swap3A_690] {strides = array<i32>} : memref<26x128xi32, #tpu.memory_space<vmem>>, vector<16xi32>,
      tpu.vector_store %arg5[%swap3A_689, %swap3A_690], %add3A_687 {strides = array<i32>} : memref<26x128xi32, #tpu.memory_space<vmem>>, vector<16xi32>,
      %get3A_692 = arith.constant 8 : i32
      %get3A_693 = arith.index_cast %get3A_692 : i32 to index
      %get3A_694 = arith.constant 96 : index
      %get3A_695 = tpu.vector_load %arg5[%get3A_693, %get3A_694] {strides = array<i32>} : memref<26x128xi32, #tpu.memory_space<vmem>>, vector<16xi32>,
      %add3A_696 = arith.constant 800000 : i32
      %add3A_697 = vector.broadcast %add3A_696 : i32 to vector<16xi32>
      %add3A_698 = arith.addi %get3A_695, %add3A_697 : vector<16xi32>
      %swap3A_699 = arith.constant 8 : i32
      %swap3A_700 = arith.index_cast %swap3A_699 : i32 to index
      %swap3A_701 = arith.constant 96 : index
      %swap3A_702 = tpu.vector_load %arg5[%swap3A_700, %swap3A_701] {strides = array<i32>} : memref<26x128xi32, #tpu.memory_space<vmem>>, vector<16xi32>,
      tpu.vector_store %arg5[%swap3A_700, %swap3A_701], %add3A_698 {strides = array<i32>} : memref<26x128xi32, #tpu.memory_space<vmem>>, vector<16xi32>,
      %get3A_703 = arith.constant 8 : i32
      %get3A_704 = arith.index_cast %get3A_703 : i32 to index
      %get3A_705 = arith.constant 112 : index
      %get3A_706 = tpu.vector_load %arg5[%get3A_704, %get3A_705] {strides = array<i32>} : memref<26x128xi32, #tpu.memory_space<vmem>>, vector<16xi32>,
      %add3A_707 = arith.constant 800000 : i32
      %add3A_708 = vector.broadcast %add3A_707 : i32 to vector<16xi32>
      %add3A_709 = arith.addi %get3A_706, %add3A_708 : vector<16xi32>
      %swap3A_710 = arith.constant 8 : i32
      %swap3A_711 = arith.index_cast %swap3A_710 : i32 to index
      %swap3A_712 = arith.constant 112 : index
      %swap3A_713 = tpu.vector_load %arg5[%swap3A_711, %swap3A_712] {strides = array<i32>} : memref<26x128xi32, #tpu.memory_space<vmem>>, vector<16xi32>,
      tpu.vector_store %arg5[%swap3A_711, %swap3A_712], %add3A_709 {strides = array<i32>} : memref<26x128xi32, #tpu.memory_space<vmem>>, vector<16xi32>,
      %get3A_714 = arith.constant 9 : i32
      %get3A_715 = arith.index_cast %get3A_714 : i32 to index
      %get3A_716 = arith.constant 0 : index
      %get3A_717 = tpu.vector_load %arg5[%get3A_715, %get3A_716] {strides = array<i32>} : memref<26x128xi32, #tpu.memory_space<vmem>>, vector<16xi32>,
      %add3A_718 = arith.constant 900000 : i32
      %add3A_719 = vector.broadcast %add3A_718 : i32 to vector<16xi32>
      %add3A_720 = arith.addi %get3A_717, %add3A_719 : vector<16xi32>
      %swap3A_721 = arith.constant 9 : i32
      %swap3A_722 = arith.index_cast %swap3A_721 : i32 to index
      %swap3A_723 = arith.constant 0 : index
      %swap3A_724 = tpu.vector_load %arg5[%swap3A_722, %swap3A_723] {strides = array<i32>} : memref<26x128xi32, #tpu.memory_space<vmem>>, vector<16xi32>,
      tpu.vector_store %arg5[%swap3A_722, %swap3A_723], %add3A_720 {strides = array<i32>} : memref<26x128xi32, #tpu.memory_space<vmem>>, vector<16xi32>,
      %get3A_725 = arith.constant 9 : i32
      %get3A_726 = arith.index_cast %get3A_725 : i32 to index
      %get3A_727 = arith.constant 16 : index
      %get3A_728 = tpu.vector_load %arg5[%get3A_726, %get3A_727] {strides = array<i32>} : memref<26x128xi32, #tpu.memory_space<vmem>>, vector<16xi32>,
      %add3A_729 = arith.constant 900000 : i32
      %add3A_730 = vector.broadcast %add3A_729 : i32 to vector<16xi32>
      %add3A_731 = arith.addi %get3A_728, %add3A_730 : vector<16xi32>
      %swap3A_732 = arith.constant 9 : i32
      %swap3A_733 = arith.index_cast %swap3A_732 : i32 to index
      %swap3A_734 = arith.constant 16 : index
      %swap3A_735 = tpu.vector_load %arg5[%swap3A_733, %swap3A_734] {strides = array<i32>} : memref<26x128xi32, #tpu.memory_space<vmem>>, vector<16xi32>,
      tpu.vector_store %arg5[%swap3A_733, %swap3A_734], %add3A_731 {strides = array<i32>} : memref<26x128xi32, #tpu.memory_space<vmem>>, vector<16xi32>,
      %get3A_736 = arith.constant 9 : i32
      %get3A_737 = arith.index_cast %get3A_736 : i32 to index
      %get3A_738 = arith.constant 32 : index
      %get3A_739 = tpu.vector_load %arg5[%get3A_737, %get3A_738] {strides = array<i32>} : memref<26x128xi32, #tpu.memory_space<vmem>>, vector<16xi32>,
      %add3A_740 = arith.constant 900000 : i32
      %add3A_741 = vector.broadcast %add3A_740 : i32 to vector<16xi32>
      %add3A_742 = arith.addi %get3A_739, %add3A_741 : vector<16xi32>
      %swap3A_743 = arith.constant 9 : i32
      %swap3A_744 = arith.index_cast %swap3A_743 : i32 to index
      %swap3A_745 = arith.constant 32 : index
      %swap3A_746 = tpu.vector_load %arg5[%swap3A_744, %swap3A_745] {strides = array<i32>} : memref<26x128xi32, #tpu.memory_space<vmem>>, vector<16xi32>,
      tpu.vector_store %arg5[%swap3A_744, %swap3A_745], %add3A_742 {strides = array<i32>} : memref<26x128xi32, #tpu.memory_space<vmem>>, vector<16xi32>,
      %get3A_747 = arith.constant 9 : i32
      %get3A_748 = arith.index_cast %get3A_747 : i32 to index
      %get3A_749 = arith.constant 48 : index
      %get3A_750 = tpu.vector_load %arg5[%get3A_748, %get3A_749] {strides = array<i32>} : memref<26x128xi32, #tpu.memory_space<vmem>>, vector<16xi32>,
      %add3A_751 = arith.constant 900000 : i32
      %add3A_752 = vector.broadcast %add3A_751 : i32 to vector<16xi32>
      %add3A_753 = arith.addi %get3A_750, %add3A_752 : vector<16xi32>
      %swap3A_754 = arith.constant 9 : i32
      %swap3A_755 = arith.index_cast %swap3A_754 : i32 to index
      %swap3A_756 = arith.constant 48 : index
      %swap3A_757 = tpu.vector_load %arg5[%swap3A_755, %swap3A_756] {strides = array<i32>} : memref<26x128xi32, #tpu.memory_space<vmem>>, vector<16xi32>,
      tpu.vector_store %arg5[%swap3A_755, %swap3A_756], %add3A_753 {strides = array<i32>} : memref<26x128xi32, #tpu.memory_space<vmem>>, vector<16xi32>,
      %get3A_758 = arith.constant 9 : i32
      %get3A_759 = arith.index_cast %get3A_758 : i32 to index
      %get3A_760 = arith.constant 64 : index
      %get3A_761 = tpu.vector_load %arg5[%get3A_759, %get3A_760] {strides = array<i32>} : memref<26x128xi32, #tpu.memory_space<vmem>>, vector<16xi32>,
      %add3A_762 = arith.constant 900000 : i32
      %add3A_763 = vector.broadcast %add3A_762 : i32 to vector<16xi32>
      %add3A_764 = arith.addi %get3A_761, %add3A_763 : vector<16xi32>
      %swap3A_765 = arith.constant 9 : i32
      %swap3A_766 = arith.index_cast %swap3A_765 : i32 to index
      %swap3A_767 = arith.constant 64 : index
      %swap3A_768 = tpu.vector_load %arg5[%swap3A_766, %swap3A_767] {strides = array<i32>} : memref<26x128xi32, #tpu.memory_space<vmem>>, vector<16xi32>,
      tpu.vector_store %arg5[%swap3A_766, %swap3A_767], %add3A_764 {strides = array<i32>} : memref<26x128xi32, #tpu.memory_space<vmem>>, vector<16xi32>,
      %get3A_769 = arith.constant 9 : i32
      %get3A_770 = arith.index_cast %get3A_769 : i32 to index
      %get3A_771 = arith.constant 80 : index
      %get3A_772 = tpu.vector_load %arg5[%get3A_770, %get3A_771] {strides = array<i32>} : memref<26x128xi32, #tpu.memory_space<vmem>>, vector<16xi32>,
      %add3A_773 = arith.constant 900000 : i32
      %add3A_774 = vector.broadcast %add3A_773 : i32 to vector<16xi32>
      %add3A_775 = arith.addi %get3A_772, %add3A_774 : vector<16xi32>
      %swap3A_776 = arith.constant 9 : i32
      %swap3A_777 = arith.index_cast %swap3A_776 : i32 to index
      %swap3A_778 = arith.constant 80 : index
      %swap3A_779 = tpu.vector_load %arg5[%swap3A_777, %swap3A_778] {strides = array<i32>} : memref<26x128xi32, #tpu.memory_space<vmem>>, vector<16xi32>,
      tpu.vector_store %arg5[%swap3A_777, %swap3A_778], %add3A_775 {strides = array<i32>} : memref<26x128xi32, #tpu.memory_space<vmem>>, vector<16xi32>,
      %get3A_780 = arith.constant 9 : i32
      %get3A_781 = arith.index_cast %get3A_780 : i32 to index
      %get3A_782 = arith.constant 96 : index
      %get3A_783 = tpu.vector_load %arg5[%get3A_781, %get3A_782] {strides = array<i32>} : memref<26x128xi32, #tpu.memory_space<vmem>>, vector<16xi32>,
      %add3A_784 = arith.constant 900000 : i32
      %add3A_785 = vector.broadcast %add3A_784 : i32 to vector<16xi32>
      %add3A_786 = arith.addi %get3A_783, %add3A_785 : vector<16xi32>
      %swap3A_787 = arith.constant 9 : i32
      %swap3A_788 = arith.index_cast %swap3A_787 : i32 to index
      %swap3A_789 = arith.constant 96 : index
      %swap3A_790 = tpu.vector_load %arg5[%swap3A_788, %swap3A_789] {strides = array<i32>} : memref<26x128xi32, #tpu.memory_space<vmem>>, vector<16xi32>,
      tpu.vector_store %arg5[%swap3A_788, %swap3A_789], %add3A_786 {strides = array<i32>} : memref<26x128xi32, #tpu.memory_space<vmem>>, vector<16xi32>,
      %get3A_791 = arith.constant 9 : i32
      %get3A_792 = arith.index_cast %get3A_791 : i32 to index
      %get3A_793 = arith.constant 112 : index
      %get3A_794 = tpu.vector_load %arg5[%get3A_792, %get3A_793] {strides = array<i32>} : memref<26x128xi32, #tpu.memory_space<vmem>>, vector<16xi32>,
      %add3A_795 = arith.constant 900000 : i32
      %add3A_796 = vector.broadcast %add3A_795 : i32 to vector<16xi32>
      %add3A_797 = arith.addi %get3A_794, %add3A_796 : vector<16xi32>
      %swap3A_798 = arith.constant 9 : i32
      %swap3A_799 = arith.index_cast %swap3A_798 : i32 to index
      %swap3A_800 = arith.constant 112 : index
      %swap3A_801 = tpu.vector_load %arg5[%swap3A_799, %swap3A_800] {strides = array<i32>} : memref<26x128xi32, #tpu.memory_space<vmem>>, vector<16xi32>,
      tpu.vector_store %arg5[%swap3A_799, %swap3A_800], %add3A_797 {strides = array<i32>} : memref<26x128xi32, #tpu.memory_space<vmem>>, vector<16xi32>,
      %get3A_802 = arith.constant 10 : i32
      %get3A_803 = arith.index_cast %get3A_802 : i32 to index
      %get3A_804 = arith.constant 0 : index
      %get3A_805 = tpu.vector_load %arg5[%get3A_803, %get3A_804] {strides = array<i32>} : memref<26x128xi32, #tpu.memory_space<vmem>>, vector<16xi32>,
      %add3A_806 = arith.constant 1000000 : i32
      %add3A_807 = vector.broadcast %add3A_806 : i32 to vector<16xi32>
      %add3A_808 = arith.addi %get3A_805, %add3A_807 : vector<16xi32>
      %swap3A_809 = arith.constant 10 : i32
      %swap3A_810 = arith.index_cast %swap3A_809 : i32 to index
      %swap3A_811 = arith.constant 0 : index
      %swap3A_812 = tpu.vector_load %arg5[%swap3A_810, %swap3A_811] {strides = array<i32>} : memref<26x128xi32, #tpu.memory_space<vmem>>, vector<16xi32>,
      tpu.vector_store %arg5[%swap3A_810, %swap3A_811], %add3A_808 {strides = array<i32>} : memref<26x128xi32, #tpu.memory_space<vmem>>, vector<16xi32>,
      %get3A_813 = arith.constant 10 : i32
      %get3A_814 = arith.index_cast %get3A_813 : i32 to index
      %get3A_815 = arith.constant 16 : index
      %get3A_816 = tpu.vector_load %arg5[%get3A_814, %get3A_815] {strides = array<i32>} : memref<26x128xi32, #tpu.memory_space<vmem>>, vector<16xi32>,
      %add3A_817 = arith.constant 1000000 : i32
      %add3A_818 = vector.broadcast %add3A_817 : i32 to vector<16xi32>
      %add3A_819 = arith.addi %get3A_816, %add3A_818 : vector<16xi32>
      %swap3A_820 = arith.constant 10 : i32
      %swap3A_821 = arith.index_cast %swap3A_820 : i32 to index
      %swap3A_822 = arith.constant 16 : index
      %swap3A_823 = tpu.vector_load %arg5[%swap3A_821, %swap3A_822] {strides = array<i32>} : memref<26x128xi32, #tpu.memory_space<vmem>>, vector<16xi32>,
      tpu.vector_store %arg5[%swap3A_821, %swap3A_822], %add3A_819 {strides = array<i32>} : memref<26x128xi32, #tpu.memory_space<vmem>>, vector<16xi32>,
      %get3A_824 = arith.constant 10 : i32
      %get3A_825 = arith.index_cast %get3A_824 : i32 to index
      %get3A_826 = arith.constant 32 : index
      %get3A_827 = tpu.vector_load %arg5[%get3A_825, %get3A_826] {strides = array<i32>} : memref<26x128xi32, #tpu.memory_space<vmem>>, vector<16xi32>,
      %add3A_828 = arith.constant 1000000 : i32
      %add3A_829 = vector.broadcast %add3A_828 : i32 to vector<16xi32>
      %add3A_830 = arith.addi %get3A_827, %add3A_829 : vector<16xi32>
      %swap3A_831 = arith.constant 10 : i32
      %swap3A_832 = arith.index_cast %swap3A_831 : i32 to index
      %swap3A_833 = arith.constant 32 : index
      %swap3A_834 = tpu.vector_load %arg5[%swap3A_832, %swap3A_833] {strides = array<i32>} : memref<26x128xi32, #tpu.memory_space<vmem>>, vector<16xi32>,
      tpu.vector_store %arg5[%swap3A_832, %swap3A_833], %add3A_830 {strides = array<i32>} : memref<26x128xi32, #tpu.memory_space<vmem>>, vector<16xi32>,
      %get3A_835 = arith.constant 10 : i32
      %get3A_836 = arith.index_cast %get3A_835 : i32 to index
      %get3A_837 = arith.constant 48 : index
      %get3A_838 = tpu.vector_load %arg5[%get3A_836, %get3A_837] {strides = array<i32>} : memref<26x128xi32, #tpu.memory_space<vmem>>, vector<16xi32>,
      %add3A_839 = arith.constant 1000000 : i32
      %add3A_840 = vector.broadcast %add3A_839 : i32 to vector<16xi32>
      %add3A_841 = arith.addi %get3A_838, %add3A_840 : vector<16xi32>
      %swap3A_842 = arith.constant 10 : i32
      %swap3A_843 = arith.index_cast %swap3A_842 : i32 to index
      %swap3A_844 = arith.constant 48 : index
      %swap3A_845 = tpu.vector_load %arg5[%swap3A_843, %swap3A_844] {strides = array<i32>} : memref<26x128xi32, #tpu.memory_space<vmem>>, vector<16xi32>,
      tpu.vector_store %arg5[%swap3A_843, %swap3A_844], %add3A_841 {strides = array<i32>} : memref<26x128xi32, #tpu.memory_space<vmem>>, vector<16xi32>,
      %get3A_846 = arith.constant 10 : i32
      %get3A_847 = arith.index_cast %get3A_846 : i32 to index
      %get3A_848 = arith.constant 64 : index
      %get3A_849 = tpu.vector_load %arg5[%get3A_847, %get3A_848] {strides = array<i32>} : memref<26x128xi32, #tpu.memory_space<vmem>>, vector<16xi32>,
      %add3A_850 = arith.constant 1000000 : i32
      %add3A_851 = vector.broadcast %add3A_850 : i32 to vector<16xi32>
      %add3A_852 = arith.addi %get3A_849, %add3A_851 : vector<16xi32>
      %swap3A_853 = arith.constant 10 : i32
      %swap3A_854 = arith.index_cast %swap3A_853 : i32 to index
      %swap3A_855 = arith.constant 64 : index
      %swap3A_856 = tpu.vector_load %arg5[%swap3A_854, %swap3A_855] {strides = array<i32>} : memref<26x128xi32, #tpu.memory_space<vmem>>, vector<16xi32>,
      tpu.vector_store %arg5[%swap3A_854, %swap3A_855], %add3A_852 {strides = array<i32>} : memref<26x128xi32, #tpu.memory_space<vmem>>, vector<16xi32>,
      %get3A_857 = arith.constant 10 : i32
      %get3A_858 = arith.index_cast %get3A_857 : i32 to index
      %get3A_859 = arith.constant 80 : index
      %get3A_860 = tpu.vector_load %arg5[%get3A_858, %get3A_859] {strides = array<i32>} : memref<26x128xi32, #tpu.memory_space<vmem>>, vector<16xi32>,
      %add3A_861 = arith.constant 1000000 : i32
      %add3A_862 = vector.broadcast %add3A_861 : i32 to vector<16xi32>
      %add3A_863 = arith.addi %get3A_860, %add3A_862 : vector<16xi32>
      %swap3A_864 = arith.constant 10 : i32
      %swap3A_865 = arith.index_cast %swap3A_864 : i32 to index
      %swap3A_866 = arith.constant 80 : index
      %swap3A_867 = tpu.vector_load %arg5[%swap3A_865, %swap3A_866] {strides = array<i32>} : memref<26x128xi32, #tpu.memory_space<vmem>>, vector<16xi32>,
      tpu.vector_store %arg5[%swap3A_865, %swap3A_866], %add3A_863 {strides = array<i32>} : memref<26x128xi32, #tpu.memory_space<vmem>>, vector<16xi32>,
      %get3A_868 = arith.constant 10 : i32
      %get3A_869 = arith.index_cast %get3A_868 : i32 to index
      %get3A_870 = arith.constant 96 : index
      %get3A_871 = tpu.vector_load %arg5[%get3A_869, %get3A_870] {strides = array<i32>} : memref<26x128xi32, #tpu.memory_space<vmem>>, vector<16xi32>,
      %add3A_872 = arith.constant 1000000 : i32
      %add3A_873 = vector.broadcast %add3A_872 : i32 to vector<16xi32>
      %add3A_874 = arith.addi %get3A_871, %add3A_873 : vector<16xi32>
      %swap3A_875 = arith.constant 10 : i32
      %swap3A_876 = arith.index_cast %swap3A_875 : i32 to index
      %swap3A_877 = arith.constant 96 : index
      %swap3A_878 = tpu.vector_load %arg5[%swap3A_876, %swap3A_877] {strides = array<i32>} : memref<26x128xi32, #tpu.memory_space<vmem>>, vector<16xi32>,
      tpu.vector_store %arg5[%swap3A_876, %swap3A_877], %add3A_874 {strides = array<i32>} : memref<26x128xi32, #tpu.memory_space<vmem>>, vector<16xi32>,
      %get3A_879 = arith.constant 10 : i32
      %get3A_880 = arith.index_cast %get3A_879 : i32 to index
      %get3A_881 = arith.constant 112 : index
      %get3A_882 = tpu.vector_load %arg5[%get3A_880, %get3A_881] {strides = array<i32>} : memref<26x128xi32, #tpu.memory_space<vmem>>, vector<16xi32>,
      %add3A_883 = arith.constant 1000000 : i32
      %add3A_884 = vector.broadcast %add3A_883 : i32 to vector<16xi32>
      %add3A_885 = arith.addi %get3A_882, %add3A_884 : vector<16xi32>
      %swap3A_886 = arith.constant 10 : i32
      %swap3A_887 = arith.index_cast %swap3A_886 : i32 to index
      %swap3A_888 = arith.constant 112 : index
      %swap3A_889 = tpu.vector_load %arg5[%swap3A_887, %swap3A_888] {strides = array<i32>} : memref<26x128xi32, #tpu.memory_space<vmem>>, vector<16xi32>,
      tpu.vector_store %arg5[%swap3A_887, %swap3A_888], %add3A_885 {strides = array<i32>} : memref<26x128xi32, #tpu.memory_space<vmem>>, vector<16xi32>,
      %get3A_890 = arith.constant 11 : i32
      %get3A_891 = arith.index_cast %get3A_890 : i32 to index
      %get3A_892 = arith.constant 0 : index
      %get3A_893 = tpu.vector_load %arg5[%get3A_891, %get3A_892] {strides = array<i32>} : memref<26x128xi32, #tpu.memory_space<vmem>>, vector<16xi32>,
      %add3A_894 = arith.constant 1100000 : i32
      %add3A_895 = vector.broadcast %add3A_894 : i32 to vector<16xi32>
      %add3A_896 = arith.addi %get3A_893, %add3A_895 : vector<16xi32>
      %swap3A_897 = arith.constant 11 : i32
      %swap3A_898 = arith.index_cast %swap3A_897 : i32 to index
      %swap3A_899 = arith.constant 0 : index
      %swap3A_900 = tpu.vector_load %arg5[%swap3A_898, %swap3A_899] {strides = array<i32>} : memref<26x128xi32, #tpu.memory_space<vmem>>, vector<16xi32>,
      tpu.vector_store %arg5[%swap3A_898, %swap3A_899], %add3A_896 {strides = array<i32>} : memref<26x128xi32, #tpu.memory_space<vmem>>, vector<16xi32>,
      %get3A_901 = arith.constant 11 : i32
      %get3A_902 = arith.index_cast %get3A_901 : i32 to index
      %get3A_903 = arith.constant 16 : index
      %get3A_904 = tpu.vector_load %arg5[%get3A_902, %get3A_903] {strides = array<i32>} : memref<26x128xi32, #tpu.memory_space<vmem>>, vector<16xi32>,
      %add3A_905 = arith.constant 1100000 : i32
      %add3A_906 = vector.broadcast %add3A_905 : i32 to vector<16xi32>
      %add3A_907 = arith.addi %get3A_904, %add3A_906 : vector<16xi32>
      %swap3A_908 = arith.constant 11 : i32
      %swap3A_909 = arith.index_cast %swap3A_908 : i32 to index
      %swap3A_910 = arith.constant 16 : index
      %swap3A_911 = tpu.vector_load %arg5[%swap3A_909, %swap3A_910] {strides = array<i32>} : memref<26x128xi32, #tpu.memory_space<vmem>>, vector<16xi32>,
      tpu.vector_store %arg5[%swap3A_909, %swap3A_910], %add3A_907 {strides = array<i32>} : memref<26x128xi32, #tpu.memory_space<vmem>>, vector<16xi32>,
      %get3A_912 = arith.constant 11 : i32
      %get3A_913 = arith.index_cast %get3A_912 : i32 to index
      %get3A_914 = arith.constant 32 : index
      %get3A_915 = tpu.vector_load %arg5[%get3A_913, %get3A_914] {strides = array<i32>} : memref<26x128xi32, #tpu.memory_space<vmem>>, vector<16xi32>,
      %add3A_916 = arith.constant 1100000 : i32
      %add3A_917 = vector.broadcast %add3A_916 : i32 to vector<16xi32>
      %add3A_918 = arith.addi %get3A_915, %add3A_917 : vector<16xi32>
      %swap3A_919 = arith.constant 11 : i32
      %swap3A_920 = arith.index_cast %swap3A_919 : i32 to index
      %swap3A_921 = arith.constant 32 : index
      %swap3A_922 = tpu.vector_load %arg5[%swap3A_920, %swap3A_921] {strides = array<i32>} : memref<26x128xi32, #tpu.memory_space<vmem>>, vector<16xi32>,
      tpu.vector_store %arg5[%swap3A_920, %swap3A_921], %add3A_918 {strides = array<i32>} : memref<26x128xi32, #tpu.memory_space<vmem>>, vector<16xi32>,
      %get3A_923 = arith.constant 11 : i32
      %get3A_924 = arith.index_cast %get3A_923 : i32 to index
      %get3A_925 = arith.constant 48 : index
      %get3A_926 = tpu.vector_load %arg5[%get3A_924, %get3A_925] {strides = array<i32>} : memref<26x128xi32, #tpu.memory_space<vmem>>, vector<16xi32>,
      %add3A_927 = arith.constant 1100000 : i32
      %add3A_928 = vector.broadcast %add3A_927 : i32 to vector<16xi32>
      %add3A_929 = arith.addi %get3A_926, %add3A_928 : vector<16xi32>
      %swap3A_930 = arith.constant 11 : i32
      %swap3A_931 = arith.index_cast %swap3A_930 : i32 to index
      %swap3A_932 = arith.constant 48 : index
      %swap3A_933 = tpu.vector_load %arg5[%swap3A_931, %swap3A_932] {strides = array<i32>} : memref<26x128xi32, #tpu.memory_space<vmem>>, vector<16xi32>,
      tpu.vector_store %arg5[%swap3A_931, %swap3A_932], %add3A_929 {strides = array<i32>} : memref<26x128xi32, #tpu.memory_space<vmem>>, vector<16xi32>,
      %get3A_934 = arith.constant 11 : i32
      %get3A_935 = arith.index_cast %get3A_934 : i32 to index
      %get3A_936 = arith.constant 64 : index
      %get3A_937 = tpu.vector_load %arg5[%get3A_935, %get3A_936] {strides = array<i32>} : memref<26x128xi32, #tpu.memory_space<vmem>>, vector<16xi32>,
      %add3A_938 = arith.constant 1100000 : i32
      %add3A_939 = vector.broadcast %add3A_938 : i32 to vector<16xi32>
      %add3A_940 = arith.addi %get3A_937, %add3A_939 : vector<16xi32>
      %swap3A_941 = arith.constant 11 : i32
      %swap3A_942 = arith.index_cast %swap3A_941 : i32 to index
      %swap3A_943 = arith.constant 64 : index
      %swap3A_944 = tpu.vector_load %arg5[%swap3A_942, %swap3A_943] {strides = array<i32>} : memref<26x128xi32, #tpu.memory_space<vmem>>, vector<16xi32>,
      tpu.vector_store %arg5[%swap3A_942, %swap3A_943], %add3A_940 {strides = array<i32>} : memref<26x128xi32, #tpu.memory_space<vmem>>, vector<16xi32>,
      %get3A_945 = arith.constant 11 : i32
      %get3A_946 = arith.index_cast %get3A_945 : i32 to index
      %get3A_947 = arith.constant 80 : index
      %get3A_948 = tpu.vector_load %arg5[%get3A_946, %get3A_947] {strides = array<i32>} : memref<26x128xi32, #tpu.memory_space<vmem>>, vector<16xi32>,
      %add3A_949 = arith.constant 1100000 : i32
      %add3A_950 = vector.broadcast %add3A_949 : i32 to vector<16xi32>
      %add3A_951 = arith.addi %get3A_948, %add3A_950 : vector<16xi32>
      %swap3A_952 = arith.constant 11 : i32
      %swap3A_953 = arith.index_cast %swap3A_952 : i32 to index
      %swap3A_954 = arith.constant 80 : index
      %swap3A_955 = tpu.vector_load %arg5[%swap3A_953, %swap3A_954] {strides = array<i32>} : memref<26x128xi32, #tpu.memory_space<vmem>>, vector<16xi32>,
      tpu.vector_store %arg5[%swap3A_953, %swap3A_954], %add3A_951 {strides = array<i32>} : memref<26x128xi32, #tpu.memory_space<vmem>>, vector<16xi32>,
      %get3A_956 = arith.constant 11 : i32
      %get3A_957 = arith.index_cast %get3A_956 : i32 to index
      %get3A_958 = arith.constant 96 : index
      %get3A_959 = tpu.vector_load %arg5[%get3A_957, %get3A_958] {strides = array<i32>} : memref<26x128xi32, #tpu.memory_space<vmem>>, vector<16xi32>,
      %add3A_960 = arith.constant 1100000 : i32
      %add3A_961 = vector.broadcast %add3A_960 : i32 to vector<16xi32>
      %add3A_962 = arith.addi %get3A_959, %add3A_961 : vector<16xi32>
      %swap3A_963 = arith.constant 11 : i32
      %swap3A_964 = arith.index_cast %swap3A_963 : i32 to index
      %swap3A_965 = arith.constant 96 : index
      %swap3A_966 = tpu.vector_load %arg5[%swap3A_964, %swap3A_965] {strides = array<i32>} : memref<26x128xi32, #tpu.memory_space<vmem>>, vector<16xi32>,
      tpu.vector_store %arg5[%swap3A_964, %swap3A_965], %add3A_962 {strides = array<i32>} : memref<26x128xi32, #tpu.memory_space<vmem>>, vector<16xi32>,
      %get3A_967 = arith.constant 11 : i32
      %get3A_968 = arith.index_cast %get3A_967 : i32 to index
      %get3A_969 = arith.constant 112 : index
      %get3A_970 = tpu.vector_load %arg5[%get3A_968, %get3A_969] {strides = array<i32>} : memref<26x128xi32, #tpu.memory_space<vmem>>, vector<16xi32>,
      %add3A_971 = arith.constant 1100000 : i32
      %add3A_972 = vector.broadcast %add3A_971 : i32 to vector<16xi32>
      %add3A_973 = arith.addi %get3A_970, %add3A_972 : vector<16xi32>
      %swap3A_974 = arith.constant 11 : i32
      %swap3A_975 = arith.index_cast %swap3A_974 : i32 to index
      %swap3A_976 = arith.constant 112 : index
      %swap3A_977 = tpu.vector_load %arg5[%swap3A_975, %swap3A_976] {strides = array<i32>} : memref<26x128xi32, #tpu.memory_space<vmem>>, vector<16xi32>,
      tpu.vector_store %arg5[%swap3A_975, %swap3A_976], %add3A_973 {strides = array<i32>} : memref<26x128xi32, #tpu.memory_space<vmem>>, vector<16xi32>,
      %get3A_978 = arith.constant 12 : i32
      %get3A_979 = arith.index_cast %get3A_978 : i32 to index
      %get3A_980 = arith.constant 0 : index
      %get3A_981 = tpu.vector_load %arg5[%get3A_979, %get3A_980] {strides = array<i32>} : memref<26x128xi32, #tpu.memory_space<vmem>>, vector<16xi32>,
      %add3A_982 = arith.constant 1200000 : i32
      %add3A_983 = vector.broadcast %add3A_982 : i32 to vector<16xi32>
      %add3A_984 = arith.addi %get3A_981, %add3A_983 : vector<16xi32>
      %swap3A_985 = arith.constant 12 : i32
      %swap3A_986 = arith.index_cast %swap3A_985 : i32 to index
      %swap3A_987 = arith.constant 0 : index
      %swap3A_988 = tpu.vector_load %arg5[%swap3A_986, %swap3A_987] {strides = array<i32>} : memref<26x128xi32, #tpu.memory_space<vmem>>, vector<16xi32>,
      tpu.vector_store %arg5[%swap3A_986, %swap3A_987], %add3A_984 {strides = array<i32>} : memref<26x128xi32, #tpu.memory_space<vmem>>, vector<16xi32>,
      %get3A_989 = arith.constant 12 : i32
      %get3A_990 = arith.index_cast %get3A_989 : i32 to index
      %get3A_991 = arith.constant 16 : index
      %get3A_992 = tpu.vector_load %arg5[%get3A_990, %get3A_991] {strides = array<i32>} : memref<26x128xi32, #tpu.memory_space<vmem>>, vector<16xi32>,
      %add3A_993 = arith.constant 1200000 : i32
      %add3A_994 = vector.broadcast %add3A_993 : i32 to vector<16xi32>
      %add3A_995 = arith.addi %get3A_992, %add3A_994 : vector<16xi32>
      %swap3A_996 = arith.constant 12 : i32
      %swap3A_997 = arith.index_cast %swap3A_996 : i32 to index
      %swap3A_998 = arith.constant 16 : index
      %swap3A_999 = tpu.vector_load %arg5[%swap3A_997, %swap3A_998] {strides = array<i32>} : memref<26x128xi32, #tpu.memory_space<vmem>>, vector<16xi32>,
      tpu.vector_store %arg5[%swap3A_997, %swap3A_998], %add3A_995 {strides = array<i32>} : memref<26x128xi32, #tpu.memory_space<vmem>>, vector<16xi32>,
      %get3A_1000 = arith.constant 12 : i32
      %get3A_1001 = arith.index_cast %get3A_1000 : i32 to index
      %get3A_1002 = arith.constant 32 : index
      %get3A_1003 = tpu.vector_load %arg5[%get3A_1001, %get3A_1002] {strides = array<i32>} : memref<26x128xi32, #tpu.memory_space<vmem>>, vector<16xi32>,
      %add3A_1004 = arith.constant 1200000 : i32
      %add3A_1005 = vector.broadcast %add3A_1004 : i32 to vector<16xi32>
      %add3A_1006 = arith.addi %get3A_1003, %add3A_1005 : vector<16xi32>
      %swap3A_1007 = arith.constant 12 : i32
      %swap3A_1008 = arith.index_cast %swap3A_1007 : i32 to index
      %swap3A_1009 = arith.constant 32 : index
      %swap3A_1010 = tpu.vector_load %arg5[%swap3A_1008, %swap3A_1009] {strides = array<i32>} : memref<26x128xi32, #tpu.memory_space<vmem>>, vector<16xi32>,
      tpu.vector_store %arg5[%swap3A_1008, %swap3A_1009], %add3A_1006 {strides = array<i32>} : memref<26x128xi32, #tpu.memory_space<vmem>>, vector<16xi32>,
      %get3A_1011 = arith.constant 12 : i32
      %get3A_1012 = arith.index_cast %get3A_1011 : i32 to index
      %get3A_1013 = arith.constant 48 : index
      %get3A_1014 = tpu.vector_load %arg5[%get3A_1012, %get3A_1013] {strides = array<i32>} : memref<26x128xi32, #tpu.memory_space<vmem>>, vector<16xi32>,
      %add3A_1015 = arith.constant 1200000 : i32
      %add3A_1016 = vector.broadcast %add3A_1015 : i32 to vector<16xi32>
      %add3A_1017 = arith.addi %get3A_1014, %add3A_1016 : vector<16xi32>
      %swap3A_1018 = arith.constant 12 : i32
      %swap3A_1019 = arith.index_cast %swap3A_1018 : i32 to index
      %swap3A_1020 = arith.constant 48 : index
      %swap3A_1021 = tpu.vector_load %arg5[%swap3A_1019, %swap3A_1020] {strides = array<i32>} : memref<26x128xi32, #tpu.memory_space<vmem>>, vector<16xi32>,
      tpu.vector_store %arg5[%swap3A_1019, %swap3A_1020], %add3A_1017 {strides = array<i32>} : memref<26x128xi32, #tpu.memory_space<vmem>>, vector<16xi32>,
      %get3A_1022 = arith.constant 12 : i32
      %get3A_1023 = arith.index_cast %get3A_1022 : i32 to index
      %get3A_1024 = arith.constant 64 : index
      %get3A_1025 = tpu.vector_load %arg5[%get3A_1023, %get3A_1024] {strides = array<i32>} : memref<26x128xi32, #tpu.memory_space<vmem>>, vector<16xi32>,
      %add3A_1026 = arith.constant 1200000 : i32
      %add3A_1027 = vector.broadcast %add3A_1026 : i32 to vector<16xi32>
      %add3A_1028 = arith.addi %get3A_1025, %add3A_1027 : vector<16xi32>
      %swap3A_1029 = arith.constant 12 : i32
      %swap3A_1030 = arith.index_cast %swap3A_1029 : i32 to index
      %swap3A_1031 = arith.constant 64 : index
      %swap3A_1032 = tpu.vector_load %arg5[%swap3A_1030, %swap3A_1031] {strides = array<i32>} : memref<26x128xi32, #tpu.memory_space<vmem>>, vector<16xi32>,
      tpu.vector_store %arg5[%swap3A_1030, %swap3A_1031], %add3A_1028 {strides = array<i32>} : memref<26x128xi32, #tpu.memory_space<vmem>>, vector<16xi32>,
      %get3A_1033 = arith.constant 12 : i32
      %get3A_1034 = arith.index_cast %get3A_1033 : i32 to index
      %get3A_1035 = arith.constant 80 : index
      %get3A_1036 = tpu.vector_load %arg5[%get3A_1034, %get3A_1035] {strides = array<i32>} : memref<26x128xi32, #tpu.memory_space<vmem>>, vector<16xi32>,
      %add3A_1037 = arith.constant 1200000 : i32
      %add3A_1038 = vector.broadcast %add3A_1037 : i32 to vector<16xi32>
      %add3A_1039 = arith.addi %get3A_1036, %add3A_1038 : vector<16xi32>
      %swap3A_1040 = arith.constant 12 : i32
      %swap3A_1041 = arith.index_cast %swap3A_1040 : i32 to index
      %swap3A_1042 = arith.constant 80 : index
      %swap3A_1043 = tpu.vector_load %arg5[%swap3A_1041, %swap3A_1042] {strides = array<i32>} : memref<26x128xi32, #tpu.memory_space<vmem>>, vector<16xi32>,
      tpu.vector_store %arg5[%swap3A_1041, %swap3A_1042], %add3A_1039 {strides = array<i32>} : memref<26x128xi32, #tpu.memory_space<vmem>>, vector<16xi32>,
      %get3A_1044 = arith.constant 12 : i32
      %get3A_1045 = arith.index_cast %get3A_1044 : i32 to index
      %get3A_1046 = arith.constant 96 : index
      %get3A_1047 = tpu.vector_load %arg5[%get3A_1045, %get3A_1046] {strides = array<i32>} : memref<26x128xi32, #tpu.memory_space<vmem>>, vector<16xi32>,
      %add3A_1048 = arith.constant 1200000 : i32
      %add3A_1049 = vector.broadcast %add3A_1048 : i32 to vector<16xi32>
      %add3A_1050 = arith.addi %get3A_1047, %add3A_1049 : vector<16xi32>
      %swap3A_1051 = arith.constant 12 : i32
      %swap3A_1052 = arith.index_cast %swap3A_1051 : i32 to index
      %swap3A_1053 = arith.constant 96 : index
      %swap3A_1054 = tpu.vector_load %arg5[%swap3A_1052, %swap3A_1053] {strides = array<i32>} : memref<26x128xi32, #tpu.memory_space<vmem>>, vector<16xi32>,
      tpu.vector_store %arg5[%swap3A_1052, %swap3A_1053], %add3A_1050 {strides = array<i32>} : memref<26x128xi32, #tpu.memory_space<vmem>>, vector<16xi32>,
      %get3A_1055 = arith.constant 12 : i32
      %get3A_1056 = arith.index_cast %get3A_1055 : i32 to index
      %get3A_1057 = arith.constant 112 : index
      %get3A_1058 = tpu.vector_load %arg5[%get3A_1056, %get3A_1057] {strides = array<i32>} : memref<26x128xi32, #tpu.memory_space<vmem>>, vector<16xi32>,
      %add3A_1059 = arith.constant 1200000 : i32
      %add3A_1060 = vector.broadcast %add3A_1059 : i32 to vector<16xi32>
      %add3A_1061 = arith.addi %get3A_1058, %add3A_1060 : vector<16xi32>
      %swap3A_1062 = arith.constant 12 : i32
      %swap3A_1063 = arith.index_cast %swap3A_1062 : i32 to index
      %swap3A_1064 = arith.constant 112 : index
      %swap3A_1065 = tpu.vector_load %arg5[%swap3A_1063, %swap3A_1064] {strides = array<i32>} : memref<26x128xi32, #tpu.memory_space<vmem>>, vector<16xi32>,
      tpu.vector_store %arg5[%swap3A_1063, %swap3A_1064], %add3A_1061 {strides = array<i32>} : memref<26x128xi32, #tpu.memory_space<vmem>>, vector<16xi32>,
      %get3A_1066 = arith.constant 13 : i32
      %get3A_1067 = arith.index_cast %get3A_1066 : i32 to index
      %get3A_1068 = arith.constant 0 : index
      %get3A_1069 = tpu.vector_load %arg5[%get3A_1067, %get3A_1068] {strides = array<i32>} : memref<26x128xi32, #tpu.memory_space<vmem>>, vector<16xi32>,
      %add3A_1070 = arith.constant 1300000 : i32
      %add3A_1071 = vector.broadcast %add3A_1070 : i32 to vector<16xi32>
      %add3A_1072 = arith.addi %get3A_1069, %add3A_1071 : vector<16xi32>
      %swap3A_1073 = arith.constant 13 : i32
      %swap3A_1074 = arith.index_cast %swap3A_1073 : i32 to index
      %swap3A_1075 = arith.constant 0 : index
      %swap3A_1076 = tpu.vector_load %arg5[%swap3A_1074, %swap3A_1075] {strides = array<i32>} : memref<26x128xi32, #tpu.memory_space<vmem>>, vector<16xi32>,
      tpu.vector_store %arg5[%swap3A_1074, %swap3A_1075], %add3A_1072 {strides = array<i32>} : memref<26x128xi32, #tpu.memory_space<vmem>>, vector<16xi32>,
      %get3A_1077 = arith.constant 13 : i32
      %get3A_1078 = arith.index_cast %get3A_1077 : i32 to index
      %get3A_1079 = arith.constant 16 : index
      %get3A_1080 = tpu.vector_load %arg5[%get3A_1078, %get3A_1079] {strides = array<i32>} : memref<26x128xi32, #tpu.memory_space<vmem>>, vector<16xi32>,
      %add3A_1081 = arith.constant 1300000 : i32
      %add3A_1082 = vector.broadcast %add3A_1081 : i32 to vector<16xi32>
      %add3A_1083 = arith.addi %get3A_1080, %add3A_1082 : vector<16xi32>
      %swap3A_1084 = arith.constant 13 : i32
      %swap3A_1085 = arith.index_cast %swap3A_1084 : i32 to index
      %swap3A_1086 = arith.constant 16 : index
      %swap3A_1087 = tpu.vector_load %arg5[%swap3A_1085, %swap3A_1086] {strides = array<i32>} : memref<26x128xi32, #tpu.memory_space<vmem>>, vector<16xi32>,
      tpu.vector_store %arg5[%swap3A_1085, %swap3A_1086], %add3A_1083 {strides = array<i32>} : memref<26x128xi32, #tpu.memory_space<vmem>>, vector<16xi32>,
      %get3A_1088 = arith.constant 13 : i32
      %get3A_1089 = arith.index_cast %get3A_1088 : i32 to index
      %get3A_1090 = arith.constant 32 : index
      %get3A_1091 = tpu.vector_load %arg5[%get3A_1089, %get3A_1090] {strides = array<i32>} : memref<26x128xi32, #tpu.memory_space<vmem>>, vector<16xi32>,
      %add3A_1092 = arith.constant 1300000 : i32
      %add3A_1093 = vector.broadcast %add3A_1092 : i32 to vector<16xi32>
      %add3A_1094 = arith.addi %get3A_1091, %add3A_1093 : vector<16xi32>
      %swap3A_1095 = arith.constant 13 : i32
      %swap3A_1096 = arith.index_cast %swap3A_1095 : i32 to index
      %swap3A_1097 = arith.constant 32 : index
      %swap3A_1098 = tpu.vector_load %arg5[%swap3A_1096, %swap3A_1097] {strides = array<i32>} : memref<26x128xi32, #tpu.memory_space<vmem>>, vector<16xi32>,
      tpu.vector_store %arg5[%swap3A_1096, %swap3A_1097], %add3A_1094 {strides = array<i32>} : memref<26x128xi32, #tpu.memory_space<vmem>>, vector<16xi32>,
      %get3A_1099 = arith.constant 13 : i32
      %get3A_1100 = arith.index_cast %get3A_1099 : i32 to index
      %get3A_1101 = arith.constant 48 : index
      %get3A_1102 = tpu.vector_load %arg5[%get3A_1100, %get3A_1101] {strides = array<i32>} : memref<26x128xi32, #tpu.memory_space<vmem>>, vector<16xi32>,
      %add3A_1103 = arith.constant 1300000 : i32
      %add3A_1104 = vector.broadcast %add3A_1103 : i32 to vector<16xi32>
      %add3A_1105 = arith.addi %get3A_1102, %add3A_1104 : vector<16xi32>
      %swap3A_1106 = arith.constant 13 : i32
      %swap3A_1107 = arith.index_cast %swap3A_1106 : i32 to index
      %swap3A_1108 = arith.constant 48 : index
      %swap3A_1109 = tpu.vector_load %arg5[%swap3A_1107, %swap3A_1108] {strides = array<i32>} : memref<26x128xi32, #tpu.memory_space<vmem>>, vector<16xi32>,
      tpu.vector_store %arg5[%swap3A_1107, %swap3A_1108], %add3A_1105 {strides = array<i32>} : memref<26x128xi32, #tpu.memory_space<vmem>>, vector<16xi32>,
      %get3A_1110 = arith.constant 13 : i32
      %get3A_1111 = arith.index_cast %get3A_1110 : i32 to index
      %get3A_1112 = arith.constant 64 : index
      %get3A_1113 = tpu.vector_load %arg5[%get3A_1111, %get3A_1112] {strides = array<i32>} : memref<26x128xi32, #tpu.memory_space<vmem>>, vector<16xi32>,
      %add3A_1114 = arith.constant 1300000 : i32
      %add3A_1115 = vector.broadcast %add3A_1114 : i32 to vector<16xi32>
      %add3A_1116 = arith.addi %get3A_1113, %add3A_1115 : vector<16xi32>
      %swap3A_1117 = arith.constant 13 : i32
      %swap3A_1118 = arith.index_cast %swap3A_1117 : i32 to index
      %swap3A_1119 = arith.constant 64 : index
      %swap3A_1120 = tpu.vector_load %arg5[%swap3A_1118, %swap3A_1119] {strides = array<i32>} : memref<26x128xi32, #tpu.memory_space<vmem>>, vector<16xi32>,
      tpu.vector_store %arg5[%swap3A_1118, %swap3A_1119], %add3A_1116 {strides = array<i32>} : memref<26x128xi32, #tpu.memory_space<vmem>>, vector<16xi32>,
      %get3A_1121 = arith.constant 13 : i32
      %get3A_1122 = arith.index_cast %get3A_1121 : i32 to index
      %get3A_1123 = arith.constant 80 : index
      %get3A_1124 = tpu.vector_load %arg5[%get3A_1122, %get3A_1123] {strides = array<i32>} : memref<26x128xi32, #tpu.memory_space<vmem>>, vector<16xi32>,
      %add3A_1125 = arith.constant 1300000 : i32
      %add3A_1126 = vector.broadcast %add3A_1125 : i32 to vector<16xi32>
      %add3A_1127 = arith.addi %get3A_1124, %add3A_1126 : vector<16xi32>
      %swap3A_1128 = arith.constant 13 : i32
      %swap3A_1129 = arith.index_cast %swap3A_1128 : i32 to index
      %swap3A_1130 = arith.constant 80 : index
      %swap3A_1131 = tpu.vector_load %arg5[%swap3A_1129, %swap3A_1130] {strides = array<i32>} : memref<26x128xi32, #tpu.memory_space<vmem>>, vector<16xi32>,
      tpu.vector_store %arg5[%swap3A_1129, %swap3A_1130], %add3A_1127 {strides = array<i32>} : memref<26x128xi32, #tpu.memory_space<vmem>>, vector<16xi32>,
      %get3A_1132 = arith.constant 13 : i32
      %get3A_1133 = arith.index_cast %get3A_1132 : i32 to index
      %get3A_1134 = arith.constant 96 : index
      %get3A_1135 = tpu.vector_load %arg5[%get3A_1133, %get3A_1134] {strides = array<i32>} : memref<26x128xi32, #tpu.memory_space<vmem>>, vector<16xi32>,
      %add3A_1136 = arith.constant 1300000 : i32
      %add3A_1137 = vector.broadcast %add3A_1136 : i32 to vector<16xi32>
      %add3A_1138 = arith.addi %get3A_1135, %add3A_1137 : vector<16xi32>
      %swap3A_1139 = arith.constant 13 : i32
      %swap3A_1140 = arith.index_cast %swap3A_1139 : i32 to index
      %swap3A_1141 = arith.constant 96 : index
      %swap3A_1142 = tpu.vector_load %arg5[%swap3A_1140, %swap3A_1141] {strides = array<i32>} : memref<26x128xi32, #tpu.memory_space<vmem>>, vector<16xi32>,
      tpu.vector_store %arg5[%swap3A_1140, %swap3A_1141], %add3A_1138 {strides = array<i32>} : memref<26x128xi32, #tpu.memory_space<vmem>>, vector<16xi32>,
      %get3A_1143 = arith.constant 13 : i32
      %get3A_1144 = arith.index_cast %get3A_1143 : i32 to index
      %get3A_1145 = arith.constant 112 : index
      %get3A_1146 = tpu.vector_load %arg5[%get3A_1144, %get3A_1145] {strides = array<i32>} : memref<26x128xi32, #tpu.memory_space<vmem>>, vector<16xi32>,
      %add3A_1147 = arith.constant 1300000 : i32
      %add3A_1148 = vector.broadcast %add3A_1147 : i32 to vector<16xi32>
      %add3A_1149 = arith.addi %get3A_1146, %add3A_1148 : vector<16xi32>
      %swap3A_1150 = arith.constant 13 : i32
      %swap3A_1151 = arith.index_cast %swap3A_1150 : i32 to index
      %swap3A_1152 = arith.constant 112 : index
      %swap3A_1153 = tpu.vector_load %arg5[%swap3A_1151, %swap3A_1152] {strides = array<i32>} : memref<26x128xi32, #tpu.memory_space<vmem>>, vector<16xi32>,
      tpu.vector_store %arg5[%swap3A_1151, %swap3A_1152], %add3A_1149 {strides = array<i32>} : memref<26x128xi32, #tpu.memory_space<vmem>>, vector<16xi32>,
      %get3A_1154 = arith.constant 14 : i32
      %get3A_1155 = arith.index_cast %get3A_1154 : i32 to index
      %get3A_1156 = arith.constant 0 : index
      %get3A_1157 = tpu.vector_load %arg5[%get3A_1155, %get3A_1156] {strides = array<i32>} : memref<26x128xi32, #tpu.memory_space<vmem>>, vector<16xi32>,
      %add3A_1158 = arith.constant 1400000 : i32
      %add3A_1159 = vector.broadcast %add3A_1158 : i32 to vector<16xi32>
      %add3A_1160 = arith.addi %get3A_1157, %add3A_1159 : vector<16xi32>
      %swap3A_1161 = arith.constant 14 : i32
      %swap3A_1162 = arith.index_cast %swap3A_1161 : i32 to index
      %swap3A_1163 = arith.constant 0 : index
      %swap3A_1164 = tpu.vector_load %arg5[%swap3A_1162, %swap3A_1163] {strides = array<i32>} : memref<26x128xi32, #tpu.memory_space<vmem>>, vector<16xi32>,
      tpu.vector_store %arg5[%swap3A_1162, %swap3A_1163], %add3A_1160 {strides = array<i32>} : memref<26x128xi32, #tpu.memory_space<vmem>>, vector<16xi32>,
      %get3A_1165 = arith.constant 14 : i32
      %get3A_1166 = arith.index_cast %get3A_1165 : i32 to index
      %get3A_1167 = arith.constant 16 : index
      %get3A_1168 = tpu.vector_load %arg5[%get3A_1166, %get3A_1167] {strides = array<i32>} : memref<26x128xi32, #tpu.memory_space<vmem>>, vector<16xi32>,
      %add3A_1169 = arith.constant 1400000 : i32
      %add3A_1170 = vector.broadcast %add3A_1169 : i32 to vector<16xi32>
      %add3A_1171 = arith.addi %get3A_1168, %add3A_1170 : vector<16xi32>
      %swap3A_1172 = arith.constant 14 : i32
      %swap3A_1173 = arith.index_cast %swap3A_1172 : i32 to index
      %swap3A_1174 = arith.constant 16 : index
      %swap3A_1175 = tpu.vector_load %arg5[%swap3A_1173, %swap3A_1174] {strides = array<i32>} : memref<26x128xi32, #tpu.memory_space<vmem>>, vector<16xi32>,
      tpu.vector_store %arg5[%swap3A_1173, %swap3A_1174], %add3A_1171 {strides = array<i32>} : memref<26x128xi32, #tpu.memory_space<vmem>>, vector<16xi32>,
      %get3A_1176 = arith.constant 14 : i32
      %get3A_1177 = arith.index_cast %get3A_1176 : i32 to index
      %get3A_1178 = arith.constant 32 : index
      %get3A_1179 = tpu.vector_load %arg5[%get3A_1177, %get3A_1178] {strides = array<i32>} : memref<26x128xi32, #tpu.memory_space<vmem>>, vector<16xi32>,
      %add3A_1180 = arith.constant 1400000 : i32
      %add3A_1181 = vector.broadcast %add3A_1180 : i32 to vector<16xi32>
      %add3A_1182 = arith.addi %get3A_1179, %add3A_1181 : vector<16xi32>
      %swap3A_1183 = arith.constant 14 : i32
      %swap3A_1184 = arith.index_cast %swap3A_1183 : i32 to index
      %swap3A_1185 = arith.constant 32 : index
      %swap3A_1186 = tpu.vector_load %arg5[%swap3A_1184, %swap3A_1185] {strides = array<i32>} : memref<26x128xi32, #tpu.memory_space<vmem>>, vector<16xi32>,
      tpu.vector_store %arg5[%swap3A_1184, %swap3A_1185], %add3A_1182 {strides = array<i32>} : memref<26x128xi32, #tpu.memory_space<vmem>>, vector<16xi32>,
      %get3A_1187 = arith.constant 14 : i32
      %get3A_1188 = arith.index_cast %get3A_1187 : i32 to index
      %get3A_1189 = arith.constant 48 : index
      %get3A_1190 = tpu.vector_load %arg5[%get3A_1188, %get3A_1189] {strides = array<i32>} : memref<26x128xi32, #tpu.memory_space<vmem>>, vector<16xi32>,
      %add3A_1191 = arith.constant 1400000 : i32
      %add3A_1192 = vector.broadcast %add3A_1191 : i32 to vector<16xi32>
      %add3A_1193 = arith.addi %get3A_1190, %add3A_1192 : vector<16xi32>
      %swap3A_1194 = arith.constant 14 : i32
      %swap3A_1195 = arith.index_cast %swap3A_1194 : i32 to index
      %swap3A_1196 = arith.constant 48 : index
      %swap3A_1197 = tpu.vector_load %arg5[%swap3A_1195, %swap3A_1196] {strides = array<i32>} : memref<26x128xi32, #tpu.memory_space<vmem>>, vector<16xi32>,
      tpu.vector_store %arg5[%swap3A_1195, %swap3A_1196], %add3A_1193 {strides = array<i32>} : memref<26x128xi32, #tpu.memory_space<vmem>>, vector<16xi32>,
      %get3A_1198 = arith.constant 14 : i32
      %get3A_1199 = arith.index_cast %get3A_1198 : i32 to index
      %get3A_1200 = arith.constant 64 : index
      %get3A_1201 = tpu.vector_load %arg5[%get3A_1199, %get3A_1200] {strides = array<i32>} : memref<26x128xi32, #tpu.memory_space<vmem>>, vector<16xi32>,
      %add3A_1202 = arith.constant 1400000 : i32
      %add3A_1203 = vector.broadcast %add3A_1202 : i32 to vector<16xi32>
      %add3A_1204 = arith.addi %get3A_1201, %add3A_1203 : vector<16xi32>
      %swap3A_1205 = arith.constant 14 : i32
      %swap3A_1206 = arith.index_cast %swap3A_1205 : i32 to index
      %swap3A_1207 = arith.constant 64 : index
      %swap3A_1208 = tpu.vector_load %arg5[%swap3A_1206, %swap3A_1207] {strides = array<i32>} : memref<26x128xi32, #tpu.memory_space<vmem>>, vector<16xi32>,
      tpu.vector_store %arg5[%swap3A_1206, %swap3A_1207], %add3A_1204 {strides = array<i32>} : memref<26x128xi32, #tpu.memory_space<vmem>>, vector<16xi32>,
      %get3A_1209 = arith.constant 14 : i32
      %get3A_1210 = arith.index_cast %get3A_1209 : i32 to index
      %get3A_1211 = arith.constant 80 : index
      %get3A_1212 = tpu.vector_load %arg5[%get3A_1210, %get3A_1211] {strides = array<i32>} : memref<26x128xi32, #tpu.memory_space<vmem>>, vector<16xi32>,
      %add3A_1213 = arith.constant 1400000 : i32
      %add3A_1214 = vector.broadcast %add3A_1213 : i32 to vector<16xi32>
      %add3A_1215 = arith.addi %get3A_1212, %add3A_1214 : vector<16xi32>
      %swap3A_1216 = arith.constant 14 : i32
      %swap3A_1217 = arith.index_cast %swap3A_1216 : i32 to index
      %swap3A_1218 = arith.constant 80 : index
      %swap3A_1219 = tpu.vector_load %arg5[%swap3A_1217, %swap3A_1218] {strides = array<i32>} : memref<26x128xi32, #tpu.memory_space<vmem>>, vector<16xi32>,
      tpu.vector_store %arg5[%swap3A_1217, %swap3A_1218], %add3A_1215 {strides = array<i32>} : memref<26x128xi32, #tpu.memory_space<vmem>>, vector<16xi32>,
      %get3A_1220 = arith.constant 14 : i32
      %get3A_1221 = arith.index_cast %get3A_1220 : i32 to index
      %get3A_1222 = arith.constant 96 : index
      %get3A_1223 = tpu.vector_load %arg5[%get3A_1221, %get3A_1222] {strides = array<i32>} : memref<26x128xi32, #tpu.memory_space<vmem>>, vector<16xi32>,
      %add3A_1224 = arith.constant 1400000 : i32
      %add3A_1225 = vector.broadcast %add3A_1224 : i32 to vector<16xi32>
      %add3A_1226 = arith.addi %get3A_1223, %add3A_1225 : vector<16xi32>
      %swap3A_1227 = arith.constant 14 : i32
      %swap3A_1228 = arith.index_cast %swap3A_1227 : i32 to index
      %swap3A_1229 = arith.constant 96 : index
      %swap3A_1230 = tpu.vector_load %arg5[%swap3A_1228, %swap3A_1229] {strides = array<i32>} : memref<26x128xi32, #tpu.memory_space<vmem>>, vector<16xi32>,
      tpu.vector_store %arg5[%swap3A_1228, %swap3A_1229], %add3A_1226 {strides = array<i32>} : memref<26x128xi32, #tpu.memory_space<vmem>>, vector<16xi32>,
      %get3A_1231 = arith.constant 14 : i32
      %get3A_1232 = arith.index_cast %get3A_1231 : i32 to index
      %get3A_1233 = arith.constant 112 : index
      %get3A_1234 = tpu.vector_load %arg5[%get3A_1232, %get3A_1233] {strides = array<i32>} : memref<26x128xi32, #tpu.memory_space<vmem>>, vector<16xi32>,
      %add3A_1235 = arith.constant 1400000 : i32
      %add3A_1236 = vector.broadcast %add3A_1235 : i32 to vector<16xi32>
      %add3A_1237 = arith.addi %get3A_1234, %add3A_1236 : vector<16xi32>
      %swap3A_1238 = arith.constant 14 : i32
      %swap3A_1239 = arith.index_cast %swap3A_1238 : i32 to index
      %swap3A_1240 = arith.constant 112 : index
      %swap3A_1241 = tpu.vector_load %arg5[%swap3A_1239, %swap3A_1240] {strides = array<i32>} : memref<26x128xi32, #tpu.memory_space<vmem>>, vector<16xi32>,
      tpu.vector_store %arg5[%swap3A_1239, %swap3A_1240], %add3A_1237 {strides = array<i32>} : memref<26x128xi32, #tpu.memory_space<vmem>>, vector<16xi32>,
      %get3A_1242 = arith.constant 15 : i32
      %get3A_1243 = arith.index_cast %get3A_1242 : i32 to index
      %get3A_1244 = arith.constant 0 : index
      %get3A_1245 = tpu.vector_load %arg5[%get3A_1243, %get3A_1244] {strides = array<i32>} : memref<26x128xi32, #tpu.memory_space<vmem>>, vector<16xi32>,
      %add3A_1246 = arith.constant 1500000 : i32
      %add3A_1247 = vector.broadcast %add3A_1246 : i32 to vector<16xi32>
      %add3A_1248 = arith.addi %get3A_1245, %add3A_1247 : vector<16xi32>
      %swap3A_1249 = arith.constant 15 : i32
      %swap3A_1250 = arith.index_cast %swap3A_1249 : i32 to index
      %swap3A_1251 = arith.constant 0 : index
      %swap3A_1252 = tpu.vector_load %arg5[%swap3A_1250, %swap3A_1251] {strides = array<i32>} : memref<26x128xi32, #tpu.memory_space<vmem>>, vector<16xi32>,
      tpu.vector_store %arg5[%swap3A_1250, %swap3A_1251], %add3A_1248 {strides = array<i32>} : memref<26x128xi32, #tpu.memory_space<vmem>>, vector<16xi32>,
      %get3A_1253 = arith.constant 15 : i32
      %get3A_1254 = arith.index_cast %get3A_1253 : i32 to index
      %get3A_1255 = arith.constant 16 : index
      %get3A_1256 = tpu.vector_load %arg5[%get3A_1254, %get3A_1255] {strides = array<i32>} : memref<26x128xi32, #tpu.memory_space<vmem>>, vector<16xi32>,
      %add3A_1257 = arith.constant 1500000 : i32
      %add3A_1258 = vector.broadcast %add3A_1257 : i32 to vector<16xi32>
      %add3A_1259 = arith.addi %get3A_1256, %add3A_1258 : vector<16xi32>
      %swap3A_1260 = arith.constant 15 : i32
      %swap3A_1261 = arith.index_cast %swap3A_1260 : i32 to index
      %swap3A_1262 = arith.constant 16 : index
      %swap3A_1263 = tpu.vector_load %arg5[%swap3A_1261, %swap3A_1262] {strides = array<i32>} : memref<26x128xi32, #tpu.memory_space<vmem>>, vector<16xi32>,
      tpu.vector_store %arg5[%swap3A_1261, %swap3A_1262], %add3A_1259 {strides = array<i32>} : memref<26x128xi32, #tpu.memory_space<vmem>>, vector<16xi32>,
      %get3A_1264 = arith.constant 15 : i32
      %get3A_1265 = arith.index_cast %get3A_1264 : i32 to index
      %get3A_1266 = arith.constant 32 : index
      %get3A_1267 = tpu.vector_load %arg5[%get3A_1265, %get3A_1266] {strides = array<i32>} : memref<26x128xi32, #tpu.memory_space<vmem>>, vector<16xi32>,
      %add3A_1268 = arith.constant 1500000 : i32
      %add3A_1269 = vector.broadcast %add3A_1268 : i32 to vector<16xi32>
      %add3A_1270 = arith.addi %get3A_1267, %add3A_1269 : vector<16xi32>
      %swap3A_1271 = arith.constant 15 : i32
      %swap3A_1272 = arith.index_cast %swap3A_1271 : i32 to index
      %swap3A_1273 = arith.constant 32 : index
      %swap3A_1274 = tpu.vector_load %arg5[%swap3A_1272, %swap3A_1273] {strides = array<i32>} : memref<26x128xi32, #tpu.memory_space<vmem>>, vector<16xi32>,
      tpu.vector_store %arg5[%swap3A_1272, %swap3A_1273], %add3A_1270 {strides = array<i32>} : memref<26x128xi32, #tpu.memory_space<vmem>>, vector<16xi32>,
      %get3A_1275 = arith.constant 15 : i32
      %get3A_1276 = arith.index_cast %get3A_1275 : i32 to index
      %get3A_1277 = arith.constant 48 : index
      %get3A_1278 = tpu.vector_load %arg5[%get3A_1276, %get3A_1277] {strides = array<i32>} : memref<26x128xi32, #tpu.memory_space<vmem>>, vector<16xi32>,
      %add3A_1279 = arith.constant 1500000 : i32
      %add3A_1280 = vector.broadcast %add3A_1279 : i32 to vector<16xi32>
      %add3A_1281 = arith.addi %get3A_1278, %add3A_1280 : vector<16xi32>
      %swap3A_1282 = arith.constant 15 : i32
      %swap3A_1283 = arith.index_cast %swap3A_1282 : i32 to index
      %swap3A_1284 = arith.constant 48 : index
      %swap3A_1285 = tpu.vector_load %arg5[%swap3A_1283, %swap3A_1284] {strides = array<i32>} : memref<26x128xi32, #tpu.memory_space<vmem>>, vector<16xi32>,
      tpu.vector_store %arg5[%swap3A_1283, %swap3A_1284], %add3A_1281 {strides = array<i32>} : memref<26x128xi32, #tpu.memory_space<vmem>>, vector<16xi32>,
      %get3A_1286 = arith.constant 15 : i32
      %get3A_1287 = arith.index_cast %get3A_1286 : i32 to index
      %get3A_1288 = arith.constant 64 : index
      %get3A_1289 = tpu.vector_load %arg5[%get3A_1287, %get3A_1288] {strides = array<i32>} : memref<26x128xi32, #tpu.memory_space<vmem>>, vector<16xi32>,
      %add3A_1290 = arith.constant 1500000 : i32
      %add3A_1291 = vector.broadcast %add3A_1290 : i32 to vector<16xi32>
      %add3A_1292 = arith.addi %get3A_1289, %add3A_1291 : vector<16xi32>
      %swap3A_1293 = arith.constant 15 : i32
      %swap3A_1294 = arith.index_cast %swap3A_1293 : i32 to index
      %swap3A_1295 = arith.constant 64 : index
      %swap3A_1296 = tpu.vector_load %arg5[%swap3A_1294, %swap3A_1295] {strides = array<i32>} : memref<26x128xi32, #tpu.memory_space<vmem>>, vector<16xi32>,
      tpu.vector_store %arg5[%swap3A_1294, %swap3A_1295], %add3A_1292 {strides = array<i32>} : memref<26x128xi32, #tpu.memory_space<vmem>>, vector<16xi32>,
      %get3A_1297 = arith.constant 15 : i32
      %get3A_1298 = arith.index_cast %get3A_1297 : i32 to index
      %get3A_1299 = arith.constant 80 : index
      %get3A_1300 = tpu.vector_load %arg5[%get3A_1298, %get3A_1299] {strides = array<i32>} : memref<26x128xi32, #tpu.memory_space<vmem>>, vector<16xi32>,
      %add3A_1301 = arith.constant 1500000 : i32
      %add3A_1302 = vector.broadcast %add3A_1301 : i32 to vector<16xi32>
      %add3A_1303 = arith.addi %get3A_1300, %add3A_1302 : vector<16xi32>
      %swap3A_1304 = arith.constant 15 : i32
      %swap3A_1305 = arith.index_cast %swap3A_1304 : i32 to index
      %swap3A_1306 = arith.constant 80 : index
      %swap3A_1307 = tpu.vector_load %arg5[%swap3A_1305, %swap3A_1306] {strides = array<i32>} : memref<26x128xi32, #tpu.memory_space<vmem>>, vector<16xi32>,
      tpu.vector_store %arg5[%swap3A_1305, %swap3A_1306], %add3A_1303 {strides = array<i32>} : memref<26x128xi32, #tpu.memory_space<vmem>>, vector<16xi32>,
      %get3A_1308 = arith.constant 15 : i32
      %get3A_1309 = arith.index_cast %get3A_1308 : i32 to index
      %get3A_1310 = arith.constant 96 : index
      %get3A_1311 = tpu.vector_load %arg5[%get3A_1309, %get3A_1310] {strides = array<i32>} : memref<26x128xi32, #tpu.memory_space<vmem>>, vector<16xi32>,
      %add3A_1312 = arith.constant 1500000 : i32
      %add3A_1313 = vector.broadcast %add3A_1312 : i32 to vector<16xi32>
      %add3A_1314 = arith.addi %get3A_1311, %add3A_1313 : vector<16xi32>
      %swap3A_1315 = arith.constant 15 : i32
      %swap3A_1316 = arith.index_cast %swap3A_1315 : i32 to index
      %swap3A_1317 = arith.constant 96 : index
      %swap3A_1318 = tpu.vector_load %arg5[%swap3A_1316, %swap3A_1317] {strides = array<i32>} : memref<26x128xi32, #tpu.memory_space<vmem>>, vector<16xi32>,
      tpu.vector_store %arg5[%swap3A_1316, %swap3A_1317], %add3A_1314 {strides = array<i32>} : memref<26x128xi32, #tpu.memory_space<vmem>>, vector<16xi32>,
      %get3A_1319 = arith.constant 15 : i32
      %get3A_1320 = arith.index_cast %get3A_1319 : i32 to index
      %get3A_1321 = arith.constant 112 : index
      %get3A_1322 = tpu.vector_load %arg5[%get3A_1320, %get3A_1321] {strides = array<i32>} : memref<26x128xi32, #tpu.memory_space<vmem>>, vector<16xi32>,
      %add3A_1323 = arith.constant 1500000 : i32
      %add3A_1324 = vector.broadcast %add3A_1323 : i32 to vector<16xi32>
      %add3A_1325 = arith.addi %get3A_1322, %add3A_1324 : vector<16xi32>
      %swap3A_1326 = arith.constant 15 : i32
      %swap3A_1327 = arith.index_cast %swap3A_1326 : i32 to index
      %swap3A_1328 = arith.constant 112 : index
      %swap3A_1329 = tpu.vector_load %arg5[%swap3A_1327, %swap3A_1328] {strides = array<i32>} : memref<26x128xi32, #tpu.memory_space<vmem>>, vector<16xi32>,
      tpu.vector_store %arg5[%swap3A_1327, %swap3A_1328], %add3A_1325 {strides = array<i32>} : memref<26x128xi32, #tpu.memory_space<vmem>>, vector<16xi32>,
      %get3A_1330 = arith.constant 16 : i32
      %get3A_1331 = arith.index_cast %get3A_1330 : i32 to index
      %get3A_1332 = arith.constant 0 : index
      %get3A_1333 = tpu.vector_load %arg5[%get3A_1331, %get3A_1332] {strides = array<i32>} : memref<26x128xi32, #tpu.memory_space<vmem>>, vector<16xi32>,
      %add3A_1334 = arith.constant 1600000 : i32
      %add3A_1335 = vector.broadcast %add3A_1334 : i32 to vector<16xi32>
      %add3A_1336 = arith.addi %get3A_1333, %add3A_1335 : vector<16xi32>
      %swap3A_1337 = arith.constant 16 : i32
      %swap3A_1338 = arith.index_cast %swap3A_1337 : i32 to index
      %swap3A_1339 = arith.constant 0 : index
      %swap3A_1340 = tpu.vector_load %arg5[%swap3A_1338, %swap3A_1339] {strides = array<i32>} : memref<26x128xi32, #tpu.memory_space<vmem>>, vector<16xi32>,
      tpu.vector_store %arg5[%swap3A_1338, %swap3A_1339], %add3A_1336 {strides = array<i32>} : memref<26x128xi32, #tpu.memory_space<vmem>>, vector<16xi32>,
      %get3A_1341 = arith.constant 16 : i32
      %get3A_1342 = arith.index_cast %get3A_1341 : i32 to index
      %get3A_1343 = arith.constant 16 : index
      %get3A_1344 = tpu.vector_load %arg5[%get3A_1342, %get3A_1343] {strides = array<i32>} : memref<26x128xi32, #tpu.memory_space<vmem>>, vector<16xi32>,
      %add3A_1345 = arith.constant 1600000 : i32
      %add3A_1346 = vector.broadcast %add3A_1345 : i32 to vector<16xi32>
      %add3A_1347 = arith.addi %get3A_1344, %add3A_1346 : vector<16xi32>
      %swap3A_1348 = arith.constant 16 : i32
      %swap3A_1349 = arith.index_cast %swap3A_1348 : i32 to index
      %swap3A_1350 = arith.constant 16 : index
      %swap3A_1351 = tpu.vector_load %arg5[%swap3A_1349, %swap3A_1350] {strides = array<i32>} : memref<26x128xi32, #tpu.memory_space<vmem>>, vector<16xi32>,
      tpu.vector_store %arg5[%swap3A_1349, %swap3A_1350], %add3A_1347 {strides = array<i32>} : memref<26x128xi32, #tpu.memory_space<vmem>>, vector<16xi32>,
      %get3A_1352 = arith.constant 16 : i32
      %get3A_1353 = arith.index_cast %get3A_1352 : i32 to index
      %get3A_1354 = arith.constant 32 : index
      %get3A_1355 = tpu.vector_load %arg5[%get3A_1353, %get3A_1354] {strides = array<i32>} : memref<26x128xi32, #tpu.memory_space<vmem>>, vector<16xi32>,
      %add3A_1356 = arith.constant 1600000 : i32
      %add3A_1357 = vector.broadcast %add3A_1356 : i32 to vector<16xi32>
      %add3A_1358 = arith.addi %get3A_1355, %add3A_1357 : vector<16xi32>
      %swap3A_1359 = arith.constant 16 : i32
      %swap3A_1360 = arith.index_cast %swap3A_1359 : i32 to index
      %swap3A_1361 = arith.constant 32 : index
      %swap3A_1362 = tpu.vector_load %arg5[%swap3A_1360, %swap3A_1361] {strides = array<i32>} : memref<26x128xi32, #tpu.memory_space<vmem>>, vector<16xi32>,
      tpu.vector_store %arg5[%swap3A_1360, %swap3A_1361], %add3A_1358 {strides = array<i32>} : memref<26x128xi32, #tpu.memory_space<vmem>>, vector<16xi32>,
      %get3A_1363 = arith.constant 16 : i32
      %get3A_1364 = arith.index_cast %get3A_1363 : i32 to index
      %get3A_1365 = arith.constant 48 : index
      %get3A_1366 = tpu.vector_load %arg5[%get3A_1364, %get3A_1365] {strides = array<i32>} : memref<26x128xi32, #tpu.memory_space<vmem>>, vector<16xi32>,
      %add3A_1367 = arith.constant 1600000 : i32
      %add3A_1368 = vector.broadcast %add3A_1367 : i32 to vector<16xi32>
      %add3A_1369 = arith.addi %get3A_1366, %add3A_1368 : vector<16xi32>
      %swap3A_1370 = arith.constant 16 : i32
      %swap3A_1371 = arith.index_cast %swap3A_1370 : i32 to index
      %swap3A_1372 = arith.constant 48 : index
      %swap3A_1373 = tpu.vector_load %arg5[%swap3A_1371, %swap3A_1372] {strides = array<i32>} : memref<26x128xi32, #tpu.memory_space<vmem>>, vector<16xi32>,
      tpu.vector_store %arg5[%swap3A_1371, %swap3A_1372], %add3A_1369 {strides = array<i32>} : memref<26x128xi32, #tpu.memory_space<vmem>>, vector<16xi32>,
      %get3A_1374 = arith.constant 16 : i32
      %get3A_1375 = arith.index_cast %get3A_1374 : i32 to index
      %get3A_1376 = arith.constant 64 : index
      %get3A_1377 = tpu.vector_load %arg5[%get3A_1375, %get3A_1376] {strides = array<i32>} : memref<26x128xi32, #tpu.memory_space<vmem>>, vector<16xi32>,
      %add3A_1378 = arith.constant 1600000 : i32
      %add3A_1379 = vector.broadcast %add3A_1378 : i32 to vector<16xi32>
      %add3A_1380 = arith.addi %get3A_1377, %add3A_1379 : vector<16xi32>
      %swap3A_1381 = arith.constant 16 : i32
      %swap3A_1382 = arith.index_cast %swap3A_1381 : i32 to index
      %swap3A_1383 = arith.constant 64 : index
      %swap3A_1384 = tpu.vector_load %arg5[%swap3A_1382, %swap3A_1383] {strides = array<i32>} : memref<26x128xi32, #tpu.memory_space<vmem>>, vector<16xi32>,
      tpu.vector_store %arg5[%swap3A_1382, %swap3A_1383], %add3A_1380 {strides = array<i32>} : memref<26x128xi32, #tpu.memory_space<vmem>>, vector<16xi32>,
      %get3A_1385 = arith.constant 16 : i32
      %get3A_1386 = arith.index_cast %get3A_1385 : i32 to index
      %get3A_1387 = arith.constant 80 : index
      %get3A_1388 = tpu.vector_load %arg5[%get3A_1386, %get3A_1387] {strides = array<i32>} : memref<26x128xi32, #tpu.memory_space<vmem>>, vector<16xi32>,
      %add3A_1389 = arith.constant 1600000 : i32
      %add3A_1390 = vector.broadcast %add3A_1389 : i32 to vector<16xi32>
      %add3A_1391 = arith.addi %get3A_1388, %add3A_1390 : vector<16xi32>
      %swap3A_1392 = arith.constant 16 : i32
      %swap3A_1393 = arith.index_cast %swap3A_1392 : i32 to index
      %swap3A_1394 = arith.constant 80 : index
      %swap3A_1395 = tpu.vector_load %arg5[%swap3A_1393, %swap3A_1394] {strides = array<i32>} : memref<26x128xi32, #tpu.memory_space<vmem>>, vector<16xi32>,
      tpu.vector_store %arg5[%swap3A_1393, %swap3A_1394], %add3A_1391 {strides = array<i32>} : memref<26x128xi32, #tpu.memory_space<vmem>>, vector<16xi32>,
      %get3A_1396 = arith.constant 16 : i32
      %get3A_1397 = arith.index_cast %get3A_1396 : i32 to index
      %get3A_1398 = arith.constant 96 : index
      %get3A_1399 = tpu.vector_load %arg5[%get3A_1397, %get3A_1398] {strides = array<i32>} : memref<26x128xi32, #tpu.memory_space<vmem>>, vector<16xi32>,
      %add3A_1400 = arith.constant 1600000 : i32
      %add3A_1401 = vector.broadcast %add3A_1400 : i32 to vector<16xi32>
      %add3A_1402 = arith.addi %get3A_1399, %add3A_1401 : vector<16xi32>
      %swap3A_1403 = arith.constant 16 : i32
      %swap3A_1404 = arith.index_cast %swap3A_1403 : i32 to index
      %swap3A_1405 = arith.constant 96 : index
      %swap3A_1406 = tpu.vector_load %arg5[%swap3A_1404, %swap3A_1405] {strides = array<i32>} : memref<26x128xi32, #tpu.memory_space<vmem>>, vector<16xi32>,
      tpu.vector_store %arg5[%swap3A_1404, %swap3A_1405], %add3A_1402 {strides = array<i32>} : memref<26x128xi32, #tpu.memory_space<vmem>>, vector<16xi32>,
      %get3A_1407 = arith.constant 16 : i32
      %get3A_1408 = arith.index_cast %get3A_1407 : i32 to index
      %get3A_1409 = arith.constant 112 : index
      %get3A_1410 = tpu.vector_load %arg5[%get3A_1408, %get3A_1409] {strides = array<i32>} : memref<26x128xi32, #tpu.memory_space<vmem>>, vector<16xi32>,
      %add3A_1411 = arith.constant 1600000 : i32
      %add3A_1412 = vector.broadcast %add3A_1411 : i32 to vector<16xi32>
      %add3A_1413 = arith.addi %get3A_1410, %add3A_1412 : vector<16xi32>
      %swap3A_1414 = arith.constant 16 : i32
      %swap3A_1415 = arith.index_cast %swap3A_1414 : i32 to index
      %swap3A_1416 = arith.constant 112 : index
      %swap3A_1417 = tpu.vector_load %arg5[%swap3A_1415, %swap3A_1416] {strides = array<i32>} : memref<26x128xi32, #tpu.memory_space<vmem>>, vector<16xi32>,
      tpu.vector_store %arg5[%swap3A_1415, %swap3A_1416], %add3A_1413 {strides = array<i32>} : memref<26x128xi32, #tpu.memory_space<vmem>>, vector<16xi32>,
      %get3A_1418 = arith.constant 17 : i32
      %get3A_1419 = arith.index_cast %get3A_1418 : i32 to index
      %get3A_1420 = arith.constant 0 : index
      %get3A_1421 = tpu.vector_load %arg5[%get3A_1419, %get3A_1420] {strides = array<i32>} : memref<26x128xi32, #tpu.memory_space<vmem>>, vector<16xi32>,
      %add3A_1422 = arith.constant 1700000 : i32
      %add3A_1423 = vector.broadcast %add3A_1422 : i32 to vector<16xi32>
      %add3A_1424 = arith.addi %get3A_1421, %add3A_1423 : vector<16xi32>
      %swap3A_1425 = arith.constant 17 : i32
      %swap3A_1426 = arith.index_cast %swap3A_1425 : i32 to index
      %swap3A_1427 = arith.constant 0 : index
      %swap3A_1428 = tpu.vector_load %arg5[%swap3A_1426, %swap3A_1427] {strides = array<i32>} : memref<26x128xi32, #tpu.memory_space<vmem>>, vector<16xi32>,
      tpu.vector_store %arg5[%swap3A_1426, %swap3A_1427], %add3A_1424 {strides = array<i32>} : memref<26x128xi32, #tpu.memory_space<vmem>>, vector<16xi32>,
      %get3A_1429 = arith.constant 17 : i32
      %get3A_1430 = arith.index_cast %get3A_1429 : i32 to index
      %get3A_1431 = arith.constant 16 : index
      %get3A_1432 = tpu.vector_load %arg5[%get3A_1430, %get3A_1431] {strides = array<i32>} : memref<26x128xi32, #tpu.memory_space<vmem>>, vector<16xi32>,
      %add3A_1433 = arith.constant 1700000 : i32
      %add3A_1434 = vector.broadcast %add3A_1433 : i32 to vector<16xi32>
      %add3A_1435 = arith.addi %get3A_1432, %add3A_1434 : vector<16xi32>
      %swap3A_1436 = arith.constant 17 : i32
      %swap3A_1437 = arith.index_cast %swap3A_1436 : i32 to index
      %swap3A_1438 = arith.constant 16 : index
      %swap3A_1439 = tpu.vector_load %arg5[%swap3A_1437, %swap3A_1438] {strides = array<i32>} : memref<26x128xi32, #tpu.memory_space<vmem>>, vector<16xi32>,
      tpu.vector_store %arg5[%swap3A_1437, %swap3A_1438], %add3A_1435 {strides = array<i32>} : memref<26x128xi32, #tpu.memory_space<vmem>>, vector<16xi32>,
      %get3A_1440 = arith.constant 17 : i32
      %get3A_1441 = arith.index_cast %get3A_1440 : i32 to index
      %get3A_1442 = arith.constant 32 : index
      %get3A_1443 = tpu.vector_load %arg5[%get3A_1441, %get3A_1442] {strides = array<i32>} : memref<26x128xi32, #tpu.memory_space<vmem>>, vector<16xi32>,
      %add3A_1444 = arith.constant 1700000 : i32
      %add3A_1445 = vector.broadcast %add3A_1444 : i32 to vector<16xi32>
      %add3A_1446 = arith.addi %get3A_1443, %add3A_1445 : vector<16xi32>
      %swap3A_1447 = arith.constant 17 : i32
      %swap3A_1448 = arith.index_cast %swap3A_1447 : i32 to index
      %swap3A_1449 = arith.constant 32 : index
      %swap3A_1450 = tpu.vector_load %arg5[%swap3A_1448, %swap3A_1449] {strides = array<i32>} : memref<26x128xi32, #tpu.memory_space<vmem>>, vector<16xi32>,
      tpu.vector_store %arg5[%swap3A_1448, %swap3A_1449], %add3A_1446 {strides = array<i32>} : memref<26x128xi32, #tpu.memory_space<vmem>>, vector<16xi32>,
      %get3A_1451 = arith.constant 17 : i32
      %get3A_1452 = arith.index_cast %get3A_1451 : i32 to index
      %get3A_1453 = arith.constant 48 : index
      %get3A_1454 = tpu.vector_load %arg5[%get3A_1452, %get3A_1453] {strides = array<i32>} : memref<26x128xi32, #tpu.memory_space<vmem>>, vector<16xi32>,
      %add3A_1455 = arith.constant 1700000 : i32
      %add3A_1456 = vector.broadcast %add3A_1455 : i32 to vector<16xi32>
      %add3A_1457 = arith.addi %get3A_1454, %add3A_1456 : vector<16xi32>
      %swap3A_1458 = arith.constant 17 : i32
      %swap3A_1459 = arith.index_cast %swap3A_1458 : i32 to index
      %swap3A_1460 = arith.constant 48 : index
      %swap3A_1461 = tpu.vector_load %arg5[%swap3A_1459, %swap3A_1460] {strides = array<i32>} : memref<26x128xi32, #tpu.memory_space<vmem>>, vector<16xi32>,
      tpu.vector_store %arg5[%swap3A_1459, %swap3A_1460], %add3A_1457 {strides = array<i32>} : memref<26x128xi32, #tpu.memory_space<vmem>>, vector<16xi32>,
      %get3A_1462 = arith.constant 17 : i32
      %get3A_1463 = arith.index_cast %get3A_1462 : i32 to index
      %get3A_1464 = arith.constant 64 : index
      %get3A_1465 = tpu.vector_load %arg5[%get3A_1463, %get3A_1464] {strides = array<i32>} : memref<26x128xi32, #tpu.memory_space<vmem>>, vector<16xi32>,
      %add3A_1466 = arith.constant 1700000 : i32
      %add3A_1467 = vector.broadcast %add3A_1466 : i32 to vector<16xi32>
      %add3A_1468 = arith.addi %get3A_1465, %add3A_1467 : vector<16xi32>
      %swap3A_1469 = arith.constant 17 : i32
      %swap3A_1470 = arith.index_cast %swap3A_1469 : i32 to index
      %swap3A_1471 = arith.constant 64 : index
      %swap3A_1472 = tpu.vector_load %arg5[%swap3A_1470, %swap3A_1471] {strides = array<i32>} : memref<26x128xi32, #tpu.memory_space<vmem>>, vector<16xi32>,
      tpu.vector_store %arg5[%swap3A_1470, %swap3A_1471], %add3A_1468 {strides = array<i32>} : memref<26x128xi32, #tpu.memory_space<vmem>>, vector<16xi32>,
      %get3A_1473 = arith.constant 17 : i32
      %get3A_1474 = arith.index_cast %get3A_1473 : i32 to index
      %get3A_1475 = arith.constant 80 : index
      %get3A_1476 = tpu.vector_load %arg5[%get3A_1474, %get3A_1475] {strides = array<i32>} : memref<26x128xi32, #tpu.memory_space<vmem>>, vector<16xi32>,
      %add3A_1477 = arith.constant 1700000 : i32
      %add3A_1478 = vector.broadcast %add3A_1477 : i32 to vector<16xi32>
      %add3A_1479 = arith.addi %get3A_1476, %add3A_1478 : vector<16xi32>
      %swap3A_1480 = arith.constant 17 : i32
      %swap3A_1481 = arith.index_cast %swap3A_1480 : i32 to index
      %swap3A_1482 = arith.constant 80 : index
      %swap3A_1483 = tpu.vector_load %arg5[%swap3A_1481, %swap3A_1482] {strides = array<i32>} : memref<26x128xi32, #tpu.memory_space<vmem>>, vector<16xi32>,
      tpu.vector_store %arg5[%swap3A_1481, %swap3A_1482], %add3A_1479 {strides = array<i32>} : memref<26x128xi32, #tpu.memory_space<vmem>>, vector<16xi32>,
      %get3A_1484 = arith.constant 17 : i32
      %get3A_1485 = arith.index_cast %get3A_1484 : i32 to index
      %get3A_1486 = arith.constant 96 : index
      %get3A_1487 = tpu.vector_load %arg5[%get3A_1485, %get3A_1486] {strides = array<i32>} : memref<26x128xi32, #tpu.memory_space<vmem>>, vector<16xi32>,
      %add3A_1488 = arith.constant 1700000 : i32
      %add3A_1489 = vector.broadcast %add3A_1488 : i32 to vector<16xi32>
      %add3A_1490 = arith.addi %get3A_1487, %add3A_1489 : vector<16xi32>
      %swap3A_1491 = arith.constant 17 : i32
      %swap3A_1492 = arith.index_cast %swap3A_1491 : i32 to index
      %swap3A_1493 = arith.constant 96 : index
      %swap3A_1494 = tpu.vector_load %arg5[%swap3A_1492, %swap3A_1493] {strides = array<i32>} : memref<26x128xi32, #tpu.memory_space<vmem>>, vector<16xi32>,
      tpu.vector_store %arg5[%swap3A_1492, %swap3A_1493], %add3A_1490 {strides = array<i32>} : memref<26x128xi32, #tpu.memory_space<vmem>>, vector<16xi32>,
      %get3A_1495 = arith.constant 17 : i32
      %get3A_1496 = arith.index_cast %get3A_1495 : i32 to index
      %get3A_1497 = arith.constant 112 : index
      %get3A_1498 = tpu.vector_load %arg5[%get3A_1496, %get3A_1497] {strides = array<i32>} : memref<26x128xi32, #tpu.memory_space<vmem>>, vector<16xi32>,
      %add3A_1499 = arith.constant 1700000 : i32
      %add3A_1500 = vector.broadcast %add3A_1499 : i32 to vector<16xi32>
      %add3A_1501 = arith.addi %get3A_1498, %add3A_1500 : vector<16xi32>
      %swap3A_1502 = arith.constant 17 : i32
      %swap3A_1503 = arith.index_cast %swap3A_1502 : i32 to index
      %swap3A_1504 = arith.constant 112 : index
      %swap3A_1505 = tpu.vector_load %arg5[%swap3A_1503, %swap3A_1504] {strides = array<i32>} : memref<26x128xi32, #tpu.memory_space<vmem>>, vector<16xi32>,
      tpu.vector_store %arg5[%swap3A_1503, %swap3A_1504], %add3A_1501 {strides = array<i32>} : memref<26x128xi32, #tpu.memory_space<vmem>>, vector<16xi32>,
      %get3A_1506 = arith.constant 18 : i32
      %get3A_1507 = arith.index_cast %get3A_1506 : i32 to index
      %get3A_1508 = arith.constant 0 : index
      %get3A_1509 = tpu.vector_load %arg5[%get3A_1507, %get3A_1508] {strides = array<i32>} : memref<26x128xi32, #tpu.memory_space<vmem>>, vector<16xi32>,
      %add3A_1510 = arith.constant 1800000 : i32
      %add3A_1511 = vector.broadcast %add3A_1510 : i32 to vector<16xi32>
      %add3A_1512 = arith.addi %get3A_1509, %add3A_1511 : vector<16xi32>
      %swap3A_1513 = arith.constant 18 : i32
      %swap3A_1514 = arith.index_cast %swap3A_1513 : i32 to index
      %swap3A_1515 = arith.constant 0 : index
      %swap3A_1516 = tpu.vector_load %arg5[%swap3A_1514, %swap3A_1515] {strides = array<i32>} : memref<26x128xi32, #tpu.memory_space<vmem>>, vector<16xi32>,
      tpu.vector_store %arg5[%swap3A_1514, %swap3A_1515], %add3A_1512 {strides = array<i32>} : memref<26x128xi32, #tpu.memory_space<vmem>>, vector<16xi32>,
      %get3A_1517 = arith.constant 18 : i32
      %get3A_1518 = arith.index_cast %get3A_1517 : i32 to index
      %get3A_1519 = arith.constant 16 : index
      %get3A_1520 = tpu.vector_load %arg5[%get3A_1518, %get3A_1519] {strides = array<i32>} : memref<26x128xi32, #tpu.memory_space<vmem>>, vector<16xi32>,
      %add3A_1521 = arith.constant 1800000 : i32
      %add3A_1522 = vector.broadcast %add3A_1521 : i32 to vector<16xi32>
      %add3A_1523 = arith.addi %get3A_1520, %add3A_1522 : vector<16xi32>
      %swap3A_1524 = arith.constant 18 : i32
      %swap3A_1525 = arith.index_cast %swap3A_1524 : i32 to index
      %swap3A_1526 = arith.constant 16 : index
      %swap3A_1527 = tpu.vector_load %arg5[%swap3A_1525, %swap3A_1526] {strides = array<i32>} : memref<26x128xi32, #tpu.memory_space<vmem>>, vector<16xi32>,
      tpu.vector_store %arg5[%swap3A_1525, %swap3A_1526], %add3A_1523 {strides = array<i32>} : memref<26x128xi32, #tpu.memory_space<vmem>>, vector<16xi32>,
      %get3A_1528 = arith.constant 18 : i32
      %get3A_1529 = arith.index_cast %get3A_1528 : i32 to index
      %get3A_1530 = arith.constant 32 : index
      %get3A_1531 = tpu.vector_load %arg5[%get3A_1529, %get3A_1530] {strides = array<i32>} : memref<26x128xi32, #tpu.memory_space<vmem>>, vector<16xi32>,
      %add3A_1532 = arith.constant 1800000 : i32
      %add3A_1533 = vector.broadcast %add3A_1532 : i32 to vector<16xi32>
      %add3A_1534 = arith.addi %get3A_1531, %add3A_1533 : vector<16xi32>
      %swap3A_1535 = arith.constant 18 : i32
      %swap3A_1536 = arith.index_cast %swap3A_1535 : i32 to index
      %swap3A_1537 = arith.constant 32 : index
      %swap3A_1538 = tpu.vector_load %arg5[%swap3A_1536, %swap3A_1537] {strides = array<i32>} : memref<26x128xi32, #tpu.memory_space<vmem>>, vector<16xi32>,
      tpu.vector_store %arg5[%swap3A_1536, %swap3A_1537], %add3A_1534 {strides = array<i32>} : memref<26x128xi32, #tpu.memory_space<vmem>>, vector<16xi32>,
      %get3A_1539 = arith.constant 18 : i32
      %get3A_1540 = arith.index_cast %get3A_1539 : i32 to index
      %get3A_1541 = arith.constant 48 : index
      %get3A_1542 = tpu.vector_load %arg5[%get3A_1540, %get3A_1541] {strides = array<i32>} : memref<26x128xi32, #tpu.memory_space<vmem>>, vector<16xi32>,
      %add3A_1543 = arith.constant 1800000 : i32
      %add3A_1544 = vector.broadcast %add3A_1543 : i32 to vector<16xi32>
      %add3A_1545 = arith.addi %get3A_1542, %add3A_1544 : vector<16xi32>
      %swap3A_1546 = arith.constant 18 : i32
      %swap3A_1547 = arith.index_cast %swap3A_1546 : i32 to index
      %swap3A_1548 = arith.constant 48 : index
      %swap3A_1549 = tpu.vector_load %arg5[%swap3A_1547, %swap3A_1548] {strides = array<i32>} : memref<26x128xi32, #tpu.memory_space<vmem>>, vector<16xi32>,
      tpu.vector_store %arg5[%swap3A_1547, %swap3A_1548], %add3A_1545 {strides = array<i32>} : memref<26x128xi32, #tpu.memory_space<vmem>>, vector<16xi32>,
      %get3A_1550 = arith.constant 18 : i32
      %get3A_1551 = arith.index_cast %get3A_1550 : i32 to index
      %get3A_1552 = arith.constant 64 : index
      %get3A_1553 = tpu.vector_load %arg5[%get3A_1551, %get3A_1552] {strides = array<i32>} : memref<26x128xi32, #tpu.memory_space<vmem>>, vector<16xi32>,
      %add3A_1554 = arith.constant 1800000 : i32
      %add3A_1555 = vector.broadcast %add3A_1554 : i32 to vector<16xi32>
      %add3A_1556 = arith.addi %get3A_1553, %add3A_1555 : vector<16xi32>
      %swap3A_1557 = arith.constant 18 : i32
      %swap3A_1558 = arith.index_cast %swap3A_1557 : i32 to index
      %swap3A_1559 = arith.constant 64 : index
      %swap3A_1560 = tpu.vector_load %arg5[%swap3A_1558, %swap3A_1559] {strides = array<i32>} : memref<26x128xi32, #tpu.memory_space<vmem>>, vector<16xi32>,
      tpu.vector_store %arg5[%swap3A_1558, %swap3A_1559], %add3A_1556 {strides = array<i32>} : memref<26x128xi32, #tpu.memory_space<vmem>>, vector<16xi32>,
      %get3A_1561 = arith.constant 18 : i32
      %get3A_1562 = arith.index_cast %get3A_1561 : i32 to index
      %get3A_1563 = arith.constant 80 : index
      %get3A_1564 = tpu.vector_load %arg5[%get3A_1562, %get3A_1563] {strides = array<i32>} : memref<26x128xi32, #tpu.memory_space<vmem>>, vector<16xi32>,
      %add3A_1565 = arith.constant 1800000 : i32
      %add3A_1566 = vector.broadcast %add3A_1565 : i32 to vector<16xi32>
      %add3A_1567 = arith.addi %get3A_1564, %add3A_1566 : vector<16xi32>
      %swap3A_1568 = arith.constant 18 : i32
      %swap3A_1569 = arith.index_cast %swap3A_1568 : i32 to index
      %swap3A_1570 = arith.constant 80 : index
      %swap3A_1571 = tpu.vector_load %arg5[%swap3A_1569, %swap3A_1570] {strides = array<i32>} : memref<26x128xi32, #tpu.memory_space<vmem>>, vector<16xi32>,
      tpu.vector_store %arg5[%swap3A_1569, %swap3A_1570], %add3A_1567 {strides = array<i32>} : memref<26x128xi32, #tpu.memory_space<vmem>>, vector<16xi32>,
      %get3A_1572 = arith.constant 18 : i32
      %get3A_1573 = arith.index_cast %get3A_1572 : i32 to index
      %get3A_1574 = arith.constant 96 : index
      %get3A_1575 = tpu.vector_load %arg5[%get3A_1573, %get3A_1574] {strides = array<i32>} : memref<26x128xi32, #tpu.memory_space<vmem>>, vector<16xi32>,
      %add3A_1576 = arith.constant 1800000 : i32
      %add3A_1577 = vector.broadcast %add3A_1576 : i32 to vector<16xi32>
      %add3A_1578 = arith.addi %get3A_1575, %add3A_1577 : vector<16xi32>
      %swap3A_1579 = arith.constant 18 : i32
      %swap3A_1580 = arith.index_cast %swap3A_1579 : i32 to index
      %swap3A_1581 = arith.constant 96 : index
      %swap3A_1582 = tpu.vector_load %arg5[%swap3A_1580, %swap3A_1581] {strides = array<i32>} : memref<26x128xi32, #tpu.memory_space<vmem>>, vector<16xi32>,
      tpu.vector_store %arg5[%swap3A_1580, %swap3A_1581], %add3A_1578 {strides = array<i32>} : memref<26x128xi32, #tpu.memory_space<vmem>>, vector<16xi32>,
      %get3A_1583 = arith.constant 18 : i32
      %get3A_1584 = arith.index_cast %get3A_1583 : i32 to index
      %get3A_1585 = arith.constant 112 : index
      %get3A_1586 = tpu.vector_load %arg5[%get3A_1584, %get3A_1585] {strides = array<i32>} : memref<26x128xi32, #tpu.memory_space<vmem>>, vector<16xi32>,
      %add3A_1587 = arith.constant 1800000 : i32
      %add3A_1588 = vector.broadcast %add3A_1587 : i32 to vector<16xi32>
      %add3A_1589 = arith.addi %get3A_1586, %add3A_1588 : vector<16xi32>
      %swap3A_1590 = arith.constant 18 : i32
      %swap3A_1591 = arith.index_cast %swap3A_1590 : i32 to index
      %swap3A_1592 = arith.constant 112 : index
      %swap3A_1593 = tpu.vector_load %arg5[%swap3A_1591, %swap3A_1592] {strides = array<i32>} : memref<26x128xi32, #tpu.memory_space<vmem>>, vector<16xi32>,
      tpu.vector_store %arg5[%swap3A_1591, %swap3A_1592], %add3A_1589 {strides = array<i32>} : memref<26x128xi32, #tpu.memory_space<vmem>>, vector<16xi32>,
      %get3A_1594 = arith.constant 19 : i32
      %get3A_1595 = arith.index_cast %get3A_1594 : i32 to index
      %get3A_1596 = arith.constant 0 : index
      %get3A_1597 = tpu.vector_load %arg5[%get3A_1595, %get3A_1596] {strides = array<i32>} : memref<26x128xi32, #tpu.memory_space<vmem>>, vector<16xi32>,
      %add3A_1598 = arith.constant 1900000 : i32
      %add3A_1599 = vector.broadcast %add3A_1598 : i32 to vector<16xi32>
      %add3A_1600 = arith.addi %get3A_1597, %add3A_1599 : vector<16xi32>
      %swap3A_1601 = arith.constant 19 : i32
      %swap3A_1602 = arith.index_cast %swap3A_1601 : i32 to index
      %swap3A_1603 = arith.constant 0 : index
      %swap3A_1604 = tpu.vector_load %arg5[%swap3A_1602, %swap3A_1603] {strides = array<i32>} : memref<26x128xi32, #tpu.memory_space<vmem>>, vector<16xi32>,
      tpu.vector_store %arg5[%swap3A_1602, %swap3A_1603], %add3A_1600 {strides = array<i32>} : memref<26x128xi32, #tpu.memory_space<vmem>>, vector<16xi32>,
      %get3A_1605 = arith.constant 19 : i32
      %get3A_1606 = arith.index_cast %get3A_1605 : i32 to index
      %get3A_1607 = arith.constant 16 : index
      %get3A_1608 = tpu.vector_load %arg5[%get3A_1606, %get3A_1607] {strides = array<i32>} : memref<26x128xi32, #tpu.memory_space<vmem>>, vector<16xi32>,
      %add3A_1609 = arith.constant 1900000 : i32
      %add3A_1610 = vector.broadcast %add3A_1609 : i32 to vector<16xi32>
      %add3A_1611 = arith.addi %get3A_1608, %add3A_1610 : vector<16xi32>
      %swap3A_1612 = arith.constant 19 : i32
      %swap3A_1613 = arith.index_cast %swap3A_1612 : i32 to index
      %swap3A_1614 = arith.constant 16 : index
      %swap3A_1615 = tpu.vector_load %arg5[%swap3A_1613, %swap3A_1614] {strides = array<i32>} : memref<26x128xi32, #tpu.memory_space<vmem>>, vector<16xi32>,
      tpu.vector_store %arg5[%swap3A_1613, %swap3A_1614], %add3A_1611 {strides = array<i32>} : memref<26x128xi32, #tpu.memory_space<vmem>>, vector<16xi32>,
      %get3A_1616 = arith.constant 19 : i32
      %get3A_1617 = arith.index_cast %get3A_1616 : i32 to index
      %get3A_1618 = arith.constant 32 : index
      %get3A_1619 = tpu.vector_load %arg5[%get3A_1617, %get3A_1618] {strides = array<i32>} : memref<26x128xi32, #tpu.memory_space<vmem>>, vector<16xi32>,
      %add3A_1620 = arith.constant 1900000 : i32
      %add3A_1621 = vector.broadcast %add3A_1620 : i32 to vector<16xi32>
      %add3A_1622 = arith.addi %get3A_1619, %add3A_1621 : vector<16xi32>
      %swap3A_1623 = arith.constant 19 : i32
      %swap3A_1624 = arith.index_cast %swap3A_1623 : i32 to index
      %swap3A_1625 = arith.constant 32 : index
      %swap3A_1626 = tpu.vector_load %arg5[%swap3A_1624, %swap3A_1625] {strides = array<i32>} : memref<26x128xi32, #tpu.memory_space<vmem>>, vector<16xi32>,
      tpu.vector_store %arg5[%swap3A_1624, %swap3A_1625], %add3A_1622 {strides = array<i32>} : memref<26x128xi32, #tpu.memory_space<vmem>>, vector<16xi32>,
      %get3A_1627 = arith.constant 19 : i32
      %get3A_1628 = arith.index_cast %get3A_1627 : i32 to index
      %get3A_1629 = arith.constant 48 : index
      %get3A_1630 = tpu.vector_load %arg5[%get3A_1628, %get3A_1629] {strides = array<i32>} : memref<26x128xi32, #tpu.memory_space<vmem>>, vector<16xi32>,
      %add3A_1631 = arith.constant 1900000 : i32
      %add3A_1632 = vector.broadcast %add3A_1631 : i32 to vector<16xi32>
      %add3A_1633 = arith.addi %get3A_1630, %add3A_1632 : vector<16xi32>
      %swap3A_1634 = arith.constant 19 : i32
      %swap3A_1635 = arith.index_cast %swap3A_1634 : i32 to index
      %swap3A_1636 = arith.constant 48 : index
      %swap3A_1637 = tpu.vector_load %arg5[%swap3A_1635, %swap3A_1636] {strides = array<i32>} : memref<26x128xi32, #tpu.memory_space<vmem>>, vector<16xi32>,
      tpu.vector_store %arg5[%swap3A_1635, %swap3A_1636], %add3A_1633 {strides = array<i32>} : memref<26x128xi32, #tpu.memory_space<vmem>>, vector<16xi32>,
      %get3A_1638 = arith.constant 19 : i32
      %get3A_1639 = arith.index_cast %get3A_1638 : i32 to index
      %get3A_1640 = arith.constant 64 : index
      %get3A_1641 = tpu.vector_load %arg5[%get3A_1639, %get3A_1640] {strides = array<i32>} : memref<26x128xi32, #tpu.memory_space<vmem>>, vector<16xi32>,
      %add3A_1642 = arith.constant 1900000 : i32
      %add3A_1643 = vector.broadcast %add3A_1642 : i32 to vector<16xi32>
      %add3A_1644 = arith.addi %get3A_1641, %add3A_1643 : vector<16xi32>
      %swap3A_1645 = arith.constant 19 : i32
      %swap3A_1646 = arith.index_cast %swap3A_1645 : i32 to index
      %swap3A_1647 = arith.constant 64 : index
      %swap3A_1648 = tpu.vector_load %arg5[%swap3A_1646, %swap3A_1647] {strides = array<i32>} : memref<26x128xi32, #tpu.memory_space<vmem>>, vector<16xi32>,
      tpu.vector_store %arg5[%swap3A_1646, %swap3A_1647], %add3A_1644 {strides = array<i32>} : memref<26x128xi32, #tpu.memory_space<vmem>>, vector<16xi32>,
      %get3A_1649 = arith.constant 19 : i32
      %get3A_1650 = arith.index_cast %get3A_1649 : i32 to index
      %get3A_1651 = arith.constant 80 : index
      %get3A_1652 = tpu.vector_load %arg5[%get3A_1650, %get3A_1651] {strides = array<i32>} : memref<26x128xi32, #tpu.memory_space<vmem>>, vector<16xi32>,
      %add3A_1653 = arith.constant 1900000 : i32
      %add3A_1654 = vector.broadcast %add3A_1653 : i32 to vector<16xi32>
      %add3A_1655 = arith.addi %get3A_1652, %add3A_1654 : vector<16xi32>
      %swap3A_1656 = arith.constant 19 : i32
      %swap3A_1657 = arith.index_cast %swap3A_1656 : i32 to index
      %swap3A_1658 = arith.constant 80 : index
      %swap3A_1659 = tpu.vector_load %arg5[%swap3A_1657, %swap3A_1658] {strides = array<i32>} : memref<26x128xi32, #tpu.memory_space<vmem>>, vector<16xi32>,
      tpu.vector_store %arg5[%swap3A_1657, %swap3A_1658], %add3A_1655 {strides = array<i32>} : memref<26x128xi32, #tpu.memory_space<vmem>>, vector<16xi32>,
      %get3A_1660 = arith.constant 19 : i32
      %get3A_1661 = arith.index_cast %get3A_1660 : i32 to index
      %get3A_1662 = arith.constant 96 : index
      %get3A_1663 = tpu.vector_load %arg5[%get3A_1661, %get3A_1662] {strides = array<i32>} : memref<26x128xi32, #tpu.memory_space<vmem>>, vector<16xi32>,
      %add3A_1664 = arith.constant 1900000 : i32
      %add3A_1665 = vector.broadcast %add3A_1664 : i32 to vector<16xi32>
      %add3A_1666 = arith.addi %get3A_1663, %add3A_1665 : vector<16xi32>
      %swap3A_1667 = arith.constant 19 : i32
      %swap3A_1668 = arith.index_cast %swap3A_1667 : i32 to index
      %swap3A_1669 = arith.constant 96 : index
      %swap3A_1670 = tpu.vector_load %arg5[%swap3A_1668, %swap3A_1669] {strides = array<i32>} : memref<26x128xi32, #tpu.memory_space<vmem>>, vector<16xi32>,
      tpu.vector_store %arg5[%swap3A_1668, %swap3A_1669], %add3A_1666 {strides = array<i32>} : memref<26x128xi32, #tpu.memory_space<vmem>>, vector<16xi32>,
      %get3A_1671 = arith.constant 19 : i32
      %get3A_1672 = arith.index_cast %get3A_1671 : i32 to index
      %get3A_1673 = arith.constant 112 : index
      %get3A_1674 = tpu.vector_load %arg5[%get3A_1672, %get3A_1673] {strides = array<i32>} : memref<26x128xi32, #tpu.memory_space<vmem>>, vector<16xi32>,
      %add3A_1675 = arith.constant 1900000 : i32
      %add3A_1676 = vector.broadcast %add3A_1675 : i32 to vector<16xi32>
      %add3A_1677 = arith.addi %get3A_1674, %add3A_1676 : vector<16xi32>
      %swap3A_1678 = arith.constant 19 : i32
      %swap3A_1679 = arith.index_cast %swap3A_1678 : i32 to index
      %swap3A_1680 = arith.constant 112 : index
      %swap3A_1681 = tpu.vector_load %arg5[%swap3A_1679, %swap3A_1680] {strides = array<i32>} : memref<26x128xi32, #tpu.memory_space<vmem>>, vector<16xi32>,
      tpu.vector_store %arg5[%swap3A_1679, %swap3A_1680], %add3A_1677 {strides = array<i32>} : memref<26x128xi32, #tpu.memory_space<vmem>>, vector<16xi32>,
      %get3A_1682 = arith.constant 20 : i32
      %get3A_1683 = arith.index_cast %get3A_1682 : i32 to index
      %get3A_1684 = arith.constant 0 : index
      %get3A_1685 = tpu.vector_load %arg5[%get3A_1683, %get3A_1684] {strides = array<i32>} : memref<26x128xi32, #tpu.memory_space<vmem>>, vector<16xi32>,
      %add3A_1686 = arith.constant 2000000 : i32
      %add3A_1687 = vector.broadcast %add3A_1686 : i32 to vector<16xi32>
      %add3A_1688 = arith.addi %get3A_1685, %add3A_1687 : vector<16xi32>
      %swap3A_1689 = arith.constant 20 : i32
      %swap3A_1690 = arith.index_cast %swap3A_1689 : i32 to index
      %swap3A_1691 = arith.constant 0 : index
      %swap3A_1692 = tpu.vector_load %arg5[%swap3A_1690, %swap3A_1691] {strides = array<i32>} : memref<26x128xi32, #tpu.memory_space<vmem>>, vector<16xi32>,
      tpu.vector_store %arg5[%swap3A_1690, %swap3A_1691], %add3A_1688 {strides = array<i32>} : memref<26x128xi32, #tpu.memory_space<vmem>>, vector<16xi32>,
      %get3A_1693 = arith.constant 20 : i32
      %get3A_1694 = arith.index_cast %get3A_1693 : i32 to index
      %get3A_1695 = arith.constant 16 : index
      %get3A_1696 = tpu.vector_load %arg5[%get3A_1694, %get3A_1695] {strides = array<i32>} : memref<26x128xi32, #tpu.memory_space<vmem>>, vector<16xi32>,
      %add3A_1697 = arith.constant 2000000 : i32
      %add3A_1698 = vector.broadcast %add3A_1697 : i32 to vector<16xi32>
      %add3A_1699 = arith.addi %get3A_1696, %add3A_1698 : vector<16xi32>
      %swap3A_1700 = arith.constant 20 : i32
      %swap3A_1701 = arith.index_cast %swap3A_1700 : i32 to index
      %swap3A_1702 = arith.constant 16 : index
      %swap3A_1703 = tpu.vector_load %arg5[%swap3A_1701, %swap3A_1702] {strides = array<i32>} : memref<26x128xi32, #tpu.memory_space<vmem>>, vector<16xi32>,
      tpu.vector_store %arg5[%swap3A_1701, %swap3A_1702], %add3A_1699 {strides = array<i32>} : memref<26x128xi32, #tpu.memory_space<vmem>>, vector<16xi32>,
      %get3A_1704 = arith.constant 20 : i32
      %get3A_1705 = arith.index_cast %get3A_1704 : i32 to index
      %get3A_1706 = arith.constant 32 : index
      %get3A_1707 = tpu.vector_load %arg5[%get3A_1705, %get3A_1706] {strides = array<i32>} : memref<26x128xi32, #tpu.memory_space<vmem>>, vector<16xi32>,
      %add3A_1708 = arith.constant 2000000 : i32
      %add3A_1709 = vector.broadcast %add3A_1708 : i32 to vector<16xi32>
      %add3A_1710 = arith.addi %get3A_1707, %add3A_1709 : vector<16xi32>
      %swap3A_1711 = arith.constant 20 : i32
      %swap3A_1712 = arith.index_cast %swap3A_1711 : i32 to index
      %swap3A_1713 = arith.constant 32 : index
      %swap3A_1714 = tpu.vector_load %arg5[%swap3A_1712, %swap3A_1713] {strides = array<i32>} : memref<26x128xi32, #tpu.memory_space<vmem>>, vector<16xi32>,
      tpu.vector_store %arg5[%swap3A_1712, %swap3A_1713], %add3A_1710 {strides = array<i32>} : memref<26x128xi32, #tpu.memory_space<vmem>>, vector<16xi32>,
      %get3A_1715 = arith.constant 20 : i32
      %get3A_1716 = arith.index_cast %get3A_1715 : i32 to index
      %get3A_1717 = arith.constant 48 : index
      %get3A_1718 = tpu.vector_load %arg5[%get3A_1716, %get3A_1717] {strides = array<i32>} : memref<26x128xi32, #tpu.memory_space<vmem>>, vector<16xi32>,
      %add3A_1719 = arith.constant 2000000 : i32
      %add3A_1720 = vector.broadcast %add3A_1719 : i32 to vector<16xi32>
      %add3A_1721 = arith.addi %get3A_1718, %add3A_1720 : vector<16xi32>
      %swap3A_1722 = arith.constant 20 : i32
      %swap3A_1723 = arith.index_cast %swap3A_1722 : i32 to index
      %swap3A_1724 = arith.constant 48 : index
      %swap3A_1725 = tpu.vector_load %arg5[%swap3A_1723, %swap3A_1724] {strides = array<i32>} : memref<26x128xi32, #tpu.memory_space<vmem>>, vector<16xi32>,
      tpu.vector_store %arg5[%swap3A_1723, %swap3A_1724], %add3A_1721 {strides = array<i32>} : memref<26x128xi32, #tpu.memory_space<vmem>>, vector<16xi32>,
      %get3A_1726 = arith.constant 20 : i32
      %get3A_1727 = arith.index_cast %get3A_1726 : i32 to index
      %get3A_1728 = arith.constant 64 : index
      %get3A_1729 = tpu.vector_load %arg5[%get3A_1727, %get3A_1728] {strides = array<i32>} : memref<26x128xi32, #tpu.memory_space<vmem>>, vector<16xi32>,
      %add3A_1730 = arith.constant 2000000 : i32
      %add3A_1731 = vector.broadcast %add3A_1730 : i32 to vector<16xi32>
      %add3A_1732 = arith.addi %get3A_1729, %add3A_1731 : vector<16xi32>
      %swap3A_1733 = arith.constant 20 : i32
      %swap3A_1734 = arith.index_cast %swap3A_1733 : i32 to index
      %swap3A_1735 = arith.constant 64 : index
      %swap3A_1736 = tpu.vector_load %arg5[%swap3A_1734, %swap3A_1735] {strides = array<i32>} : memref<26x128xi32, #tpu.memory_space<vmem>>, vector<16xi32>,
      tpu.vector_store %arg5[%swap3A_1734, %swap3A_1735], %add3A_1732 {strides = array<i32>} : memref<26x128xi32, #tpu.memory_space<vmem>>, vector<16xi32>,
      %get3A_1737 = arith.constant 20 : i32
      %get3A_1738 = arith.index_cast %get3A_1737 : i32 to index
      %get3A_1739 = arith.constant 80 : index
      %get3A_1740 = tpu.vector_load %arg5[%get3A_1738, %get3A_1739] {strides = array<i32>} : memref<26x128xi32, #tpu.memory_space<vmem>>, vector<16xi32>,
      %add3A_1741 = arith.constant 2000000 : i32
      %add3A_1742 = vector.broadcast %add3A_1741 : i32 to vector<16xi32>
      %add3A_1743 = arith.addi %get3A_1740, %add3A_1742 : vector<16xi32>
      %swap3A_1744 = arith.constant 20 : i32
      %swap3A_1745 = arith.index_cast %swap3A_1744 : i32 to index
      %swap3A_1746 = arith.constant 80 : index
      %swap3A_1747 = tpu.vector_load %arg5[%swap3A_1745, %swap3A_1746] {strides = array<i32>} : memref<26x128xi32, #tpu.memory_space<vmem>>, vector<16xi32>,
      tpu.vector_store %arg5[%swap3A_1745, %swap3A_1746], %add3A_1743 {strides = array<i32>} : memref<26x128xi32, #tpu.memory_space<vmem>>, vector<16xi32>,
      %get3A_1748 = arith.constant 20 : i32
      %get3A_1749 = arith.index_cast %get3A_1748 : i32 to index
      %get3A_1750 = arith.constant 96 : index
      %get3A_1751 = tpu.vector_load %arg5[%get3A_1749, %get3A_1750] {strides = array<i32>} : memref<26x128xi32, #tpu.memory_space<vmem>>, vector<16xi32>,
      %add3A_1752 = arith.constant 2000000 : i32
      %add3A_1753 = vector.broadcast %add3A_1752 : i32 to vector<16xi32>
      %add3A_1754 = arith.addi %get3A_1751, %add3A_1753 : vector<16xi32>
      %swap3A_1755 = arith.constant 20 : i32
      %swap3A_1756 = arith.index_cast %swap3A_1755 : i32 to index
      %swap3A_1757 = arith.constant 96 : index
      %swap3A_1758 = tpu.vector_load %arg5[%swap3A_1756, %swap3A_1757] {strides = array<i32>} : memref<26x128xi32, #tpu.memory_space<vmem>>, vector<16xi32>,
      tpu.vector_store %arg5[%swap3A_1756, %swap3A_1757], %add3A_1754 {strides = array<i32>} : memref<26x128xi32, #tpu.memory_space<vmem>>, vector<16xi32>,
      %get3A_1759 = arith.constant 20 : i32
      %get3A_1760 = arith.index_cast %get3A_1759 : i32 to index
      %get3A_1761 = arith.constant 112 : index
      %get3A_1762 = tpu.vector_load %arg5[%get3A_1760, %get3A_1761] {strides = array<i32>} : memref<26x128xi32, #tpu.memory_space<vmem>>, vector<16xi32>,
      %add3A_1763 = arith.constant 2000000 : i32
      %add3A_1764 = vector.broadcast %add3A_1763 : i32 to vector<16xi32>
      %add3A_1765 = arith.addi %get3A_1762, %add3A_1764 : vector<16xi32>
      %swap3A_1766 = arith.constant 20 : i32
      %swap3A_1767 = arith.index_cast %swap3A_1766 : i32 to index
      %swap3A_1768 = arith.constant 112 : index
      %swap3A_1769 = tpu.vector_load %arg5[%swap3A_1767, %swap3A_1768] {strides = array<i32>} : memref<26x128xi32, #tpu.memory_space<vmem>>, vector<16xi32>,
      tpu.vector_store %arg5[%swap3A_1767, %swap3A_1768], %add3A_1765 {strides = array<i32>} : memref<26x128xi32, #tpu.memory_space<vmem>>, vector<16xi32>,
      %get3A_1770 = arith.constant 21 : i32
      %get3A_1771 = arith.index_cast %get3A_1770 : i32 to index
      %get3A_1772 = arith.constant 0 : index
      %get3A_1773 = tpu.vector_load %arg5[%get3A_1771, %get3A_1772] {strides = array<i32>} : memref<26x128xi32, #tpu.memory_space<vmem>>, vector<16xi32>,
      %add3A_1774 = arith.constant 2100000 : i32
      %add3A_1775 = vector.broadcast %add3A_1774 : i32 to vector<16xi32>
      %add3A_1776 = arith.addi %get3A_1773, %add3A_1775 : vector<16xi32>
      %swap3A_1777 = arith.constant 21 : i32
      %swap3A_1778 = arith.index_cast %swap3A_1777 : i32 to index
      %swap3A_1779 = arith.constant 0 : index
      %swap3A_1780 = tpu.vector_load %arg5[%swap3A_1778, %swap3A_1779] {strides = array<i32>} : memref<26x128xi32, #tpu.memory_space<vmem>>, vector<16xi32>,
      tpu.vector_store %arg5[%swap3A_1778, %swap3A_1779], %add3A_1776 {strides = array<i32>} : memref<26x128xi32, #tpu.memory_space<vmem>>, vector<16xi32>,
      %get3A_1781 = arith.constant 21 : i32
      %get3A_1782 = arith.index_cast %get3A_1781 : i32 to index
      %get3A_1783 = arith.constant 16 : index
      %get3A_1784 = tpu.vector_load %arg5[%get3A_1782, %get3A_1783] {strides = array<i32>} : memref<26x128xi32, #tpu.memory_space<vmem>>, vector<16xi32>,
      %add3A_1785 = arith.constant 2100000 : i32
      %add3A_1786 = vector.broadcast %add3A_1785 : i32 to vector<16xi32>
      %add3A_1787 = arith.addi %get3A_1784, %add3A_1786 : vector<16xi32>
      %swap3A_1788 = arith.constant 21 : i32
      %swap3A_1789 = arith.index_cast %swap3A_1788 : i32 to index
      %swap3A_1790 = arith.constant 16 : index
      %swap3A_1791 = tpu.vector_load %arg5[%swap3A_1789, %swap3A_1790] {strides = array<i32>} : memref<26x128xi32, #tpu.memory_space<vmem>>, vector<16xi32>,
      tpu.vector_store %arg5[%swap3A_1789, %swap3A_1790], %add3A_1787 {strides = array<i32>} : memref<26x128xi32, #tpu.memory_space<vmem>>, vector<16xi32>,
      %get3A_1792 = arith.constant 21 : i32
      %get3A_1793 = arith.index_cast %get3A_1792 : i32 to index
      %get3A_1794 = arith.constant 32 : index
      %get3A_1795 = tpu.vector_load %arg5[%get3A_1793, %get3A_1794] {strides = array<i32>} : memref<26x128xi32, #tpu.memory_space<vmem>>, vector<16xi32>,
      %add3A_1796 = arith.constant 2100000 : i32
      %add3A_1797 = vector.broadcast %add3A_1796 : i32 to vector<16xi32>
      %add3A_1798 = arith.addi %get3A_1795, %add3A_1797 : vector<16xi32>
      %swap3A_1799 = arith.constant 21 : i32
      %swap3A_1800 = arith.index_cast %swap3A_1799 : i32 to index
      %swap3A_1801 = arith.constant 32 : index
      %swap3A_1802 = tpu.vector_load %arg5[%swap3A_1800, %swap3A_1801] {strides = array<i32>} : memref<26x128xi32, #tpu.memory_space<vmem>>, vector<16xi32>,
      tpu.vector_store %arg5[%swap3A_1800, %swap3A_1801], %add3A_1798 {strides = array<i32>} : memref<26x128xi32, #tpu.memory_space<vmem>>, vector<16xi32>,
      %get3A_1803 = arith.constant 21 : i32
      %get3A_1804 = arith.index_cast %get3A_1803 : i32 to index
      %get3A_1805 = arith.constant 48 : index
      %get3A_1806 = tpu.vector_load %arg5[%get3A_1804, %get3A_1805] {strides = array<i32>} : memref<26x128xi32, #tpu.memory_space<vmem>>, vector<16xi32>,
      %add3A_1807 = arith.constant 2100000 : i32
      %add3A_1808 = vector.broadcast %add3A_1807 : i32 to vector<16xi32>
      %add3A_1809 = arith.addi %get3A_1806, %add3A_1808 : vector<16xi32>
      %swap3A_1810 = arith.constant 21 : i32
      %swap3A_1811 = arith.index_cast %swap3A_1810 : i32 to index
      %swap3A_1812 = arith.constant 48 : index
      %swap3A_1813 = tpu.vector_load %arg5[%swap3A_1811, %swap3A_1812] {strides = array<i32>} : memref<26x128xi32, #tpu.memory_space<vmem>>, vector<16xi32>,
      tpu.vector_store %arg5[%swap3A_1811, %swap3A_1812], %add3A_1809 {strides = array<i32>} : memref<26x128xi32, #tpu.memory_space<vmem>>, vector<16xi32>,
      %get3A_1814 = arith.constant 21 : i32
      %get3A_1815 = arith.index_cast %get3A_1814 : i32 to index
      %get3A_1816 = arith.constant 64 : index
      %get3A_1817 = tpu.vector_load %arg5[%get3A_1815, %get3A_1816] {strides = array<i32>} : memref<26x128xi32, #tpu.memory_space<vmem>>, vector<16xi32>,
      %add3A_1818 = arith.constant 2100000 : i32
      %add3A_1819 = vector.broadcast %add3A_1818 : i32 to vector<16xi32>
      %add3A_1820 = arith.addi %get3A_1817, %add3A_1819 : vector<16xi32>
      %swap3A_1821 = arith.constant 21 : i32
      %swap3A_1822 = arith.index_cast %swap3A_1821 : i32 to index
      %swap3A_1823 = arith.constant 64 : index
      %swap3A_1824 = tpu.vector_load %arg5[%swap3A_1822, %swap3A_1823] {strides = array<i32>} : memref<26x128xi32, #tpu.memory_space<vmem>>, vector<16xi32>,
      tpu.vector_store %arg5[%swap3A_1822, %swap3A_1823], %add3A_1820 {strides = array<i32>} : memref<26x128xi32, #tpu.memory_space<vmem>>, vector<16xi32>,
      %get3A_1825 = arith.constant 21 : i32
      %get3A_1826 = arith.index_cast %get3A_1825 : i32 to index
      %get3A_1827 = arith.constant 80 : index
      %get3A_1828 = tpu.vector_load %arg5[%get3A_1826, %get3A_1827] {strides = array<i32>} : memref<26x128xi32, #tpu.memory_space<vmem>>, vector<16xi32>,
      %add3A_1829 = arith.constant 2100000 : i32
      %add3A_1830 = vector.broadcast %add3A_1829 : i32 to vector<16xi32>
      %add3A_1831 = arith.addi %get3A_1828, %add3A_1830 : vector<16xi32>
      %swap3A_1832 = arith.constant 21 : i32
      %swap3A_1833 = arith.index_cast %swap3A_1832 : i32 to index
      %swap3A_1834 = arith.constant 80 : index
      %swap3A_1835 = tpu.vector_load %arg5[%swap3A_1833, %swap3A_1834] {strides = array<i32>} : memref<26x128xi32, #tpu.memory_space<vmem>>, vector<16xi32>,
      tpu.vector_store %arg5[%swap3A_1833, %swap3A_1834], %add3A_1831 {strides = array<i32>} : memref<26x128xi32, #tpu.memory_space<vmem>>, vector<16xi32>,
      %get3A_1836 = arith.constant 21 : i32
      %get3A_1837 = arith.index_cast %get3A_1836 : i32 to index
      %get3A_1838 = arith.constant 96 : index
      %get3A_1839 = tpu.vector_load %arg5[%get3A_1837, %get3A_1838] {strides = array<i32>} : memref<26x128xi32, #tpu.memory_space<vmem>>, vector<16xi32>,
      %add3A_1840 = arith.constant 2100000 : i32
      %add3A_1841 = vector.broadcast %add3A_1840 : i32 to vector<16xi32>
      %add3A_1842 = arith.addi %get3A_1839, %add3A_1841 : vector<16xi32>
      %swap3A_1843 = arith.constant 21 : i32
      %swap3A_1844 = arith.index_cast %swap3A_1843 : i32 to index
      %swap3A_1845 = arith.constant 96 : index
      %swap3A_1846 = tpu.vector_load %arg5[%swap3A_1844, %swap3A_1845] {strides = array<i32>} : memref<26x128xi32, #tpu.memory_space<vmem>>, vector<16xi32>,
      tpu.vector_store %arg5[%swap3A_1844, %swap3A_1845], %add3A_1842 {strides = array<i32>} : memref<26x128xi32, #tpu.memory_space<vmem>>, vector<16xi32>,
      %get3A_1847 = arith.constant 21 : i32
      %get3A_1848 = arith.index_cast %get3A_1847 : i32 to index
      %get3A_1849 = arith.constant 112 : index
      %get3A_1850 = tpu.vector_load %arg5[%get3A_1848, %get3A_1849] {strides = array<i32>} : memref<26x128xi32, #tpu.memory_space<vmem>>, vector<16xi32>,
      %add3A_1851 = arith.constant 2100000 : i32
      %add3A_1852 = vector.broadcast %add3A_1851 : i32 to vector<16xi32>
      %add3A_1853 = arith.addi %get3A_1850, %add3A_1852 : vector<16xi32>
      %swap3A_1854 = arith.constant 21 : i32
      %swap3A_1855 = arith.index_cast %swap3A_1854 : i32 to index
      %swap3A_1856 = arith.constant 112 : index
      %swap3A_1857 = tpu.vector_load %arg5[%swap3A_1855, %swap3A_1856] {strides = array<i32>} : memref<26x128xi32, #tpu.memory_space<vmem>>, vector<16xi32>,
      tpu.vector_store %arg5[%swap3A_1855, %swap3A_1856], %add3A_1853 {strides = array<i32>} : memref<26x128xi32, #tpu.memory_space<vmem>>, vector<16xi32>,
      %get3A_1858 = arith.constant 22 : i32
      %get3A_1859 = arith.index_cast %get3A_1858 : i32 to index
      %get3A_1860 = arith.constant 0 : index
      %get3A_1861 = tpu.vector_load %arg5[%get3A_1859, %get3A_1860] {strides = array<i32>} : memref<26x128xi32, #tpu.memory_space<vmem>>, vector<16xi32>,
      %add3A_1862 = arith.constant 2200000 : i32
      %add3A_1863 = vector.broadcast %add3A_1862 : i32 to vector<16xi32>
      %add3A_1864 = arith.addi %get3A_1861, %add3A_1863 : vector<16xi32>
      %swap3A_1865 = arith.constant 22 : i32
      %swap3A_1866 = arith.index_cast %swap3A_1865 : i32 to index
      %swap3A_1867 = arith.constant 0 : index
      %swap3A_1868 = tpu.vector_load %arg5[%swap3A_1866, %swap3A_1867] {strides = array<i32>} : memref<26x128xi32, #tpu.memory_space<vmem>>, vector<16xi32>,
      tpu.vector_store %arg5[%swap3A_1866, %swap3A_1867], %add3A_1864 {strides = array<i32>} : memref<26x128xi32, #tpu.memory_space<vmem>>, vector<16xi32>,
      %get3A_1869 = arith.constant 22 : i32
      %get3A_1870 = arith.index_cast %get3A_1869 : i32 to index
      %get3A_1871 = arith.constant 16 : index
      %get3A_1872 = tpu.vector_load %arg5[%get3A_1870, %get3A_1871] {strides = array<i32>} : memref<26x128xi32, #tpu.memory_space<vmem>>, vector<16xi32>,
      %add3A_1873 = arith.constant 2200000 : i32
      %add3A_1874 = vector.broadcast %add3A_1873 : i32 to vector<16xi32>
      %add3A_1875 = arith.addi %get3A_1872, %add3A_1874 : vector<16xi32>
      %swap3A_1876 = arith.constant 22 : i32
      %swap3A_1877 = arith.index_cast %swap3A_1876 : i32 to index
      %swap3A_1878 = arith.constant 16 : index
      %swap3A_1879 = tpu.vector_load %arg5[%swap3A_1877, %swap3A_1878] {strides = array<i32>} : memref<26x128xi32, #tpu.memory_space<vmem>>, vector<16xi32>,
      tpu.vector_store %arg5[%swap3A_1877, %swap3A_1878], %add3A_1875 {strides = array<i32>} : memref<26x128xi32, #tpu.memory_space<vmem>>, vector<16xi32>,
      %get3A_1880 = arith.constant 22 : i32
      %get3A_1881 = arith.index_cast %get3A_1880 : i32 to index
      %get3A_1882 = arith.constant 32 : index
      %get3A_1883 = tpu.vector_load %arg5[%get3A_1881, %get3A_1882] {strides = array<i32>} : memref<26x128xi32, #tpu.memory_space<vmem>>, vector<16xi32>,
      %add3A_1884 = arith.constant 2200000 : i32
      %add3A_1885 = vector.broadcast %add3A_1884 : i32 to vector<16xi32>
      %add3A_1886 = arith.addi %get3A_1883, %add3A_1885 : vector<16xi32>
      %swap3A_1887 = arith.constant 22 : i32
      %swap3A_1888 = arith.index_cast %swap3A_1887 : i32 to index
      %swap3A_1889 = arith.constant 32 : index
      %swap3A_1890 = tpu.vector_load %arg5[%swap3A_1888, %swap3A_1889] {strides = array<i32>} : memref<26x128xi32, #tpu.memory_space<vmem>>, vector<16xi32>,
      tpu.vector_store %arg5[%swap3A_1888, %swap3A_1889], %add3A_1886 {strides = array<i32>} : memref<26x128xi32, #tpu.memory_space<vmem>>, vector<16xi32>,
      %get3A_1891 = arith.constant 22 : i32
      %get3A_1892 = arith.index_cast %get3A_1891 : i32 to index
      %get3A_1893 = arith.constant 48 : index
      %get3A_1894 = tpu.vector_load %arg5[%get3A_1892, %get3A_1893] {strides = array<i32>} : memref<26x128xi32, #tpu.memory_space<vmem>>, vector<16xi32>,
      %add3A_1895 = arith.constant 2200000 : i32
      %add3A_1896 = vector.broadcast %add3A_1895 : i32 to vector<16xi32>
      %add3A_1897 = arith.addi %get3A_1894, %add3A_1896 : vector<16xi32>
      %swap3A_1898 = arith.constant 22 : i32
      %swap3A_1899 = arith.index_cast %swap3A_1898 : i32 to index
      %swap3A_1900 = arith.constant 48 : index
      %swap3A_1901 = tpu.vector_load %arg5[%swap3A_1899, %swap3A_1900] {strides = array<i32>} : memref<26x128xi32, #tpu.memory_space<vmem>>, vector<16xi32>,
      tpu.vector_store %arg5[%swap3A_1899, %swap3A_1900], %add3A_1897 {strides = array<i32>} : memref<26x128xi32, #tpu.memory_space<vmem>>, vector<16xi32>,
      %get3A_1902 = arith.constant 22 : i32
      %get3A_1903 = arith.index_cast %get3A_1902 : i32 to index
      %get3A_1904 = arith.constant 64 : index
      %get3A_1905 = tpu.vector_load %arg5[%get3A_1903, %get3A_1904] {strides = array<i32>} : memref<26x128xi32, #tpu.memory_space<vmem>>, vector<16xi32>,
      %add3A_1906 = arith.constant 2200000 : i32
      %add3A_1907 = vector.broadcast %add3A_1906 : i32 to vector<16xi32>
      %add3A_1908 = arith.addi %get3A_1905, %add3A_1907 : vector<16xi32>
      %swap3A_1909 = arith.constant 22 : i32
      %swap3A_1910 = arith.index_cast %swap3A_1909 : i32 to index
      %swap3A_1911 = arith.constant 64 : index
      %swap3A_1912 = tpu.vector_load %arg5[%swap3A_1910, %swap3A_1911] {strides = array<i32>} : memref<26x128xi32, #tpu.memory_space<vmem>>, vector<16xi32>,
      tpu.vector_store %arg5[%swap3A_1910, %swap3A_1911], %add3A_1908 {strides = array<i32>} : memref<26x128xi32, #tpu.memory_space<vmem>>, vector<16xi32>,
      %get3A_1913 = arith.constant 22 : i32
      %get3A_1914 = arith.index_cast %get3A_1913 : i32 to index
      %get3A_1915 = arith.constant 80 : index
      %get3A_1916 = tpu.vector_load %arg5[%get3A_1914, %get3A_1915] {strides = array<i32>} : memref<26x128xi32, #tpu.memory_space<vmem>>, vector<16xi32>,
      %add3A_1917 = arith.constant 2200000 : i32
      %add3A_1918 = vector.broadcast %add3A_1917 : i32 to vector<16xi32>
      %add3A_1919 = arith.addi %get3A_1916, %add3A_1918 : vector<16xi32>
      %swap3A_1920 = arith.constant 22 : i32
      %swap3A_1921 = arith.index_cast %swap3A_1920 : i32 to index
      %swap3A_1922 = arith.constant 80 : index
      %swap3A_1923 = tpu.vector_load %arg5[%swap3A_1921, %swap3A_1922] {strides = array<i32>} : memref<26x128xi32, #tpu.memory_space<vmem>>, vector<16xi32>,
      tpu.vector_store %arg5[%swap3A_1921, %swap3A_1922], %add3A_1919 {strides = array<i32>} : memref<26x128xi32, #tpu.memory_space<vmem>>, vector<16xi32>,
      %get3A_1924 = arith.constant 22 : i32
      %get3A_1925 = arith.index_cast %get3A_1924 : i32 to index
      %get3A_1926 = arith.constant 96 : index
      %get3A_1927 = tpu.vector_load %arg5[%get3A_1925, %get3A_1926] {strides = array<i32>} : memref<26x128xi32, #tpu.memory_space<vmem>>, vector<16xi32>,
      %add3A_1928 = arith.constant 2200000 : i32
      %add3A_1929 = vector.broadcast %add3A_1928 : i32 to vector<16xi32>
      %add3A_1930 = arith.addi %get3A_1927, %add3A_1929 : vector<16xi32>
      %swap3A_1931 = arith.constant 22 : i32
      %swap3A_1932 = arith.index_cast %swap3A_1931 : i32 to index
      %swap3A_1933 = arith.constant 96 : index
      %swap3A_1934 = tpu.vector_load %arg5[%swap3A_1932, %swap3A_1933] {strides = array<i32>} : memref<26x128xi32, #tpu.memory_space<vmem>>, vector<16xi32>,
      tpu.vector_store %arg5[%swap3A_1932, %swap3A_1933], %add3A_1930 {strides = array<i32>} : memref<26x128xi32, #tpu.memory_space<vmem>>, vector<16xi32>,
      %get3A_1935 = arith.constant 22 : i32
      %get3A_1936 = arith.index_cast %get3A_1935 : i32 to index
      %get3A_1937 = arith.constant 112 : index
      %get3A_1938 = tpu.vector_load %arg5[%get3A_1936, %get3A_1937] {strides = array<i32>} : memref<26x128xi32, #tpu.memory_space<vmem>>, vector<16xi32>,
      %add3A_1939 = arith.constant 2200000 : i32
      %add3A_1940 = vector.broadcast %add3A_1939 : i32 to vector<16xi32>
      %add3A_1941 = arith.addi %get3A_1938, %add3A_1940 : vector<16xi32>
      %swap3A_1942 = arith.constant 22 : i32
      %swap3A_1943 = arith.index_cast %swap3A_1942 : i32 to index
      %swap3A_1944 = arith.constant 112 : index
      %swap3A_1945 = tpu.vector_load %arg5[%swap3A_1943, %swap3A_1944] {strides = array<i32>} : memref<26x128xi32, #tpu.memory_space<vmem>>, vector<16xi32>,
      tpu.vector_store %arg5[%swap3A_1943, %swap3A_1944], %add3A_1941 {strides = array<i32>} : memref<26x128xi32, #tpu.memory_space<vmem>>, vector<16xi32>,
      %get3A_1946 = arith.constant 23 : i32
      %get3A_1947 = arith.index_cast %get3A_1946 : i32 to index
      %get3A_1948 = arith.constant 0 : index
      %get3A_1949 = tpu.vector_load %arg5[%get3A_1947, %get3A_1948] {strides = array<i32>} : memref<26x128xi32, #tpu.memory_space<vmem>>, vector<16xi32>,
      %add3A_1950 = arith.constant 2300000 : i32
      %add3A_1951 = vector.broadcast %add3A_1950 : i32 to vector<16xi32>
      %add3A_1952 = arith.addi %get3A_1949, %add3A_1951 : vector<16xi32>
      %swap3A_1953 = arith.constant 23 : i32
      %swap3A_1954 = arith.index_cast %swap3A_1953 : i32 to index
      %swap3A_1955 = arith.constant 0 : index
      %swap3A_1956 = tpu.vector_load %arg5[%swap3A_1954, %swap3A_1955] {strides = array<i32>} : memref<26x128xi32, #tpu.memory_space<vmem>>, vector<16xi32>,
      tpu.vector_store %arg5[%swap3A_1954, %swap3A_1955], %add3A_1952 {strides = array<i32>} : memref<26x128xi32, #tpu.memory_space<vmem>>, vector<16xi32>,
      %get3A_1957 = arith.constant 23 : i32
      %get3A_1958 = arith.index_cast %get3A_1957 : i32 to index
      %get3A_1959 = arith.constant 16 : index
      %get3A_1960 = tpu.vector_load %arg5[%get3A_1958, %get3A_1959] {strides = array<i32>} : memref<26x128xi32, #tpu.memory_space<vmem>>, vector<16xi32>,
      %add3A_1961 = arith.constant 2300000 : i32
      %add3A_1962 = vector.broadcast %add3A_1961 : i32 to vector<16xi32>
      %add3A_1963 = arith.addi %get3A_1960, %add3A_1962 : vector<16xi32>
      %swap3A_1964 = arith.constant 23 : i32
      %swap3A_1965 = arith.index_cast %swap3A_1964 : i32 to index
      %swap3A_1966 = arith.constant 16 : index
      %swap3A_1967 = tpu.vector_load %arg5[%swap3A_1965, %swap3A_1966] {strides = array<i32>} : memref<26x128xi32, #tpu.memory_space<vmem>>, vector<16xi32>,
      tpu.vector_store %arg5[%swap3A_1965, %swap3A_1966], %add3A_1963 {strides = array<i32>} : memref<26x128xi32, #tpu.memory_space<vmem>>, vector<16xi32>,
      %get3A_1968 = arith.constant 23 : i32
      %get3A_1969 = arith.index_cast %get3A_1968 : i32 to index
      %get3A_1970 = arith.constant 32 : index
      %get3A_1971 = tpu.vector_load %arg5[%get3A_1969, %get3A_1970] {strides = array<i32>} : memref<26x128xi32, #tpu.memory_space<vmem>>, vector<16xi32>,
      %add3A_1972 = arith.constant 2300000 : i32
      %add3A_1973 = vector.broadcast %add3A_1972 : i32 to vector<16xi32>
      %add3A_1974 = arith.addi %get3A_1971, %add3A_1973 : vector<16xi32>
      %swap3A_1975 = arith.constant 23 : i32
      %swap3A_1976 = arith.index_cast %swap3A_1975 : i32 to index
      %swap3A_1977 = arith.constant 32 : index
      %swap3A_1978 = tpu.vector_load %arg5[%swap3A_1976, %swap3A_1977] {strides = array<i32>} : memref<26x128xi32, #tpu.memory_space<vmem>>, vector<16xi32>,
      tpu.vector_store %arg5[%swap3A_1976, %swap3A_1977], %add3A_1974 {strides = array<i32>} : memref<26x128xi32, #tpu.memory_space<vmem>>, vector<16xi32>,
      %get3A_1979 = arith.constant 23 : i32
      %get3A_1980 = arith.index_cast %get3A_1979 : i32 to index
      %get3A_1981 = arith.constant 48 : index
      %get3A_1982 = tpu.vector_load %arg5[%get3A_1980, %get3A_1981] {strides = array<i32>} : memref<26x128xi32, #tpu.memory_space<vmem>>, vector<16xi32>,
      %add3A_1983 = arith.constant 2300000 : i32
      %add3A_1984 = vector.broadcast %add3A_1983 : i32 to vector<16xi32>
      %add3A_1985 = arith.addi %get3A_1982, %add3A_1984 : vector<16xi32>
      %swap3A_1986 = arith.constant 23 : i32
      %swap3A_1987 = arith.index_cast %swap3A_1986 : i32 to index
      %swap3A_1988 = arith.constant 48 : index
      %swap3A_1989 = tpu.vector_load %arg5[%swap3A_1987, %swap3A_1988] {strides = array<i32>} : memref<26x128xi32, #tpu.memory_space<vmem>>, vector<16xi32>,
      tpu.vector_store %arg5[%swap3A_1987, %swap3A_1988], %add3A_1985 {strides = array<i32>} : memref<26x128xi32, #tpu.memory_space<vmem>>, vector<16xi32>,
      %get3A_1990 = arith.constant 23 : i32
      %get3A_1991 = arith.index_cast %get3A_1990 : i32 to index
      %get3A_1992 = arith.constant 64 : index
      %get3A_1993 = tpu.vector_load %arg5[%get3A_1991, %get3A_1992] {strides = array<i32>} : memref<26x128xi32, #tpu.memory_space<vmem>>, vector<16xi32>,
      %add3A_1994 = arith.constant 2300000 : i32
      %add3A_1995 = vector.broadcast %add3A_1994 : i32 to vector<16xi32>
      %add3A_1996 = arith.addi %get3A_1993, %add3A_1995 : vector<16xi32>
      %swap3A_1997 = arith.constant 23 : i32
      %swap3A_1998 = arith.index_cast %swap3A_1997 : i32 to index
      %swap3A_1999 = arith.constant 64 : index
      %swap3A_2000 = tpu.vector_load %arg5[%swap3A_1998, %swap3A_1999] {strides = array<i32>} : memref<26x128xi32, #tpu.memory_space<vmem>>, vector<16xi32>,
      tpu.vector_store %arg5[%swap3A_1998, %swap3A_1999], %add3A_1996 {strides = array<i32>} : memref<26x128xi32, #tpu.memory_space<vmem>>, vector<16xi32>,
      %get3A_2001 = arith.constant 23 : i32
      %get3A_2002 = arith.index_cast %get3A_2001 : i32 to index
      %get3A_2003 = arith.constant 80 : index
      %get3A_2004 = tpu.vector_load %arg5[%get3A_2002, %get3A_2003] {strides = array<i32>} : memref<26x128xi32, #tpu.memory_space<vmem>>, vector<16xi32>,
      %add3A_2005 = arith.constant 2300000 : i32
      %add3A_2006 = vector.broadcast %add3A_2005 : i32 to vector<16xi32>
      %add3A_2007 = arith.addi %get3A_2004, %add3A_2006 : vector<16xi32>
      %swap3A_2008 = arith.constant 23 : i32
      %swap3A_2009 = arith.index_cast %swap3A_2008 : i32 to index
      %swap3A_2010 = arith.constant 80 : index
      %swap3A_2011 = tpu.vector_load %arg5[%swap3A_2009, %swap3A_2010] {strides = array<i32>} : memref<26x128xi32, #tpu.memory_space<vmem>>, vector<16xi32>,
      tpu.vector_store %arg5[%swap3A_2009, %swap3A_2010], %add3A_2007 {strides = array<i32>} : memref<26x128xi32, #tpu.memory_space<vmem>>, vector<16xi32>,
      %get3A_2012 = arith.constant 23 : i32
      %get3A_2013 = arith.index_cast %get3A_2012 : i32 to index
      %get3A_2014 = arith.constant 96 : index
      %get3A_2015 = tpu.vector_load %arg5[%get3A_2013, %get3A_2014] {strides = array<i32>} : memref<26x128xi32, #tpu.memory_space<vmem>>, vector<16xi32>,
      %add3A_2016 = arith.constant 2300000 : i32
      %add3A_2017 = vector.broadcast %add3A_2016 : i32 to vector<16xi32>
      %add3A_2018 = arith.addi %get3A_2015, %add3A_2017 : vector<16xi32>
      %swap3A_2019 = arith.constant 23 : i32
      %swap3A_2020 = arith.index_cast %swap3A_2019 : i32 to index
      %swap3A_2021 = arith.constant 96 : index
      %swap3A_2022 = tpu.vector_load %arg5[%swap3A_2020, %swap3A_2021] {strides = array<i32>} : memref<26x128xi32, #tpu.memory_space<vmem>>, vector<16xi32>,
      tpu.vector_store %arg5[%swap3A_2020, %swap3A_2021], %add3A_2018 {strides = array<i32>} : memref<26x128xi32, #tpu.memory_space<vmem>>, vector<16xi32>,
      %get3A_2023 = arith.constant 23 : i32
      %get3A_2024 = arith.index_cast %get3A_2023 : i32 to index
      %get3A_2025 = arith.constant 112 : index
      %get3A_2026 = tpu.vector_load %arg5[%get3A_2024, %get3A_2025] {strides = array<i32>} : memref<26x128xi32, #tpu.memory_space<vmem>>, vector<16xi32>,
      %add3A_2027 = arith.constant 2300000 : i32
      %add3A_2028 = vector.broadcast %add3A_2027 : i32 to vector<16xi32>
      %add3A_2029 = arith.addi %get3A_2026, %add3A_2028 : vector<16xi32>
      %swap3A_2030 = arith.constant 23 : i32
      %swap3A_2031 = arith.index_cast %swap3A_2030 : i32 to index
      %swap3A_2032 = arith.constant 112 : index
      %swap3A_2033 = tpu.vector_load %arg5[%swap3A_2031, %swap3A_2032] {strides = array<i32>} : memref<26x128xi32, #tpu.memory_space<vmem>>, vector<16xi32>,
      tpu.vector_store %arg5[%swap3A_2031, %swap3A_2032], %add3A_2029 {strides = array<i32>} : memref<26x128xi32, #tpu.memory_space<vmem>>, vector<16xi32>,
      %get3A_2034 = arith.constant 24 : i32
      %get3A_2035 = arith.index_cast %get3A_2034 : i32 to index
      %get3A_2036 = arith.constant 0 : index
      %get3A_2037 = tpu.vector_load %arg5[%get3A_2035, %get3A_2036] {strides = array<i32>} : memref<26x128xi32, #tpu.memory_space<vmem>>, vector<16xi32>,
      %add3A_2038 = arith.constant 2400000 : i32
      %add3A_2039 = vector.broadcast %add3A_2038 : i32 to vector<16xi32>
      %add3A_2040 = arith.addi %get3A_2037, %add3A_2039 : vector<16xi32>
      %swap3A_2041 = arith.constant 24 : i32
      %swap3A_2042 = arith.index_cast %swap3A_2041 : i32 to index
      %swap3A_2043 = arith.constant 0 : index
      %swap3A_2044 = tpu.vector_load %arg5[%swap3A_2042, %swap3A_2043] {strides = array<i32>} : memref<26x128xi32, #tpu.memory_space<vmem>>, vector<16xi32>,
      tpu.vector_store %arg5[%swap3A_2042, %swap3A_2043], %add3A_2040 {strides = array<i32>} : memref<26x128xi32, #tpu.memory_space<vmem>>, vector<16xi32>,
      %get3A_2045 = arith.constant 24 : i32
      %get3A_2046 = arith.index_cast %get3A_2045 : i32 to index
      %get3A_2047 = arith.constant 16 : index
      %get3A_2048 = tpu.vector_load %arg5[%get3A_2046, %get3A_2047] {strides = array<i32>} : memref<26x128xi32, #tpu.memory_space<vmem>>, vector<16xi32>,
      %add3A_2049 = arith.constant 2400000 : i32
      %add3A_2050 = vector.broadcast %add3A_2049 : i32 to vector<16xi32>
      %add3A_2051 = arith.addi %get3A_2048, %add3A_2050 : vector<16xi32>
      %swap3A_2052 = arith.constant 24 : i32
      %swap3A_2053 = arith.index_cast %swap3A_2052 : i32 to index
      %swap3A_2054 = arith.constant 16 : index
      %swap3A_2055 = tpu.vector_load %arg5[%swap3A_2053, %swap3A_2054] {strides = array<i32>} : memref<26x128xi32, #tpu.memory_space<vmem>>, vector<16xi32>,
      tpu.vector_store %arg5[%swap3A_2053, %swap3A_2054], %add3A_2051 {strides = array<i32>} : memref<26x128xi32, #tpu.memory_space<vmem>>, vector<16xi32>,
      %get3A_2056 = arith.constant 24 : i32
      %get3A_2057 = arith.index_cast %get3A_2056 : i32 to index
      %get3A_2058 = arith.constant 32 : index
      %get3A_2059 = tpu.vector_load %arg5[%get3A_2057, %get3A_2058] {strides = array<i32>} : memref<26x128xi32, #tpu.memory_space<vmem>>, vector<16xi32>,
      %add3A_2060 = arith.constant 2400000 : i32
      %add3A_2061 = vector.broadcast %add3A_2060 : i32 to vector<16xi32>
      %add3A_2062 = arith.addi %get3A_2059, %add3A_2061 : vector<16xi32>
      %swap3A_2063 = arith.constant 24 : i32
      %swap3A_2064 = arith.index_cast %swap3A_2063 : i32 to index
      %swap3A_2065 = arith.constant 32 : index
      %swap3A_2066 = tpu.vector_load %arg5[%swap3A_2064, %swap3A_2065] {strides = array<i32>} : memref<26x128xi32, #tpu.memory_space<vmem>>, vector<16xi32>,
      tpu.vector_store %arg5[%swap3A_2064, %swap3A_2065], %add3A_2062 {strides = array<i32>} : memref<26x128xi32, #tpu.memory_space<vmem>>, vector<16xi32>,
      %get3A_2067 = arith.constant 24 : i32
      %get3A_2068 = arith.index_cast %get3A_2067 : i32 to index
      %get3A_2069 = arith.constant 48 : index
      %get3A_2070 = tpu.vector_load %arg5[%get3A_2068, %get3A_2069] {strides = array<i32>} : memref<26x128xi32, #tpu.memory_space<vmem>>, vector<16xi32>,
      %add3A_2071 = arith.constant 2400000 : i32
      %add3A_2072 = vector.broadcast %add3A_2071 : i32 to vector<16xi32>
      %add3A_2073 = arith.addi %get3A_2070, %add3A_2072 : vector<16xi32>
      %swap3A_2074 = arith.constant 24 : i32
      %swap3A_2075 = arith.index_cast %swap3A_2074 : i32 to index
      %swap3A_2076 = arith.constant 48 : index
      %swap3A_2077 = tpu.vector_load %arg5[%swap3A_2075, %swap3A_2076] {strides = array<i32>} : memref<26x128xi32, #tpu.memory_space<vmem>>, vector<16xi32>,
      tpu.vector_store %arg5[%swap3A_2075, %swap3A_2076], %add3A_2073 {strides = array<i32>} : memref<26x128xi32, #tpu.memory_space<vmem>>, vector<16xi32>,
      %get3A_2078 = arith.constant 24 : i32
      %get3A_2079 = arith.index_cast %get3A_2078 : i32 to index
      %get3A_2080 = arith.constant 64 : index
      %get3A_2081 = tpu.vector_load %arg5[%get3A_2079, %get3A_2080] {strides = array<i32>} : memref<26x128xi32, #tpu.memory_space<vmem>>, vector<16xi32>,
      %add3A_2082 = arith.constant 2400000 : i32
      %add3A_2083 = vector.broadcast %add3A_2082 : i32 to vector<16xi32>
      %add3A_2084 = arith.addi %get3A_2081, %add3A_2083 : vector<16xi32>
      %swap3A_2085 = arith.constant 24 : i32
      %swap3A_2086 = arith.index_cast %swap3A_2085 : i32 to index
      %swap3A_2087 = arith.constant 64 : index
      %swap3A_2088 = tpu.vector_load %arg5[%swap3A_2086, %swap3A_2087] {strides = array<i32>} : memref<26x128xi32, #tpu.memory_space<vmem>>, vector<16xi32>,
      tpu.vector_store %arg5[%swap3A_2086, %swap3A_2087], %add3A_2084 {strides = array<i32>} : memref<26x128xi32, #tpu.memory_space<vmem>>, vector<16xi32>,
      %get3A_2089 = arith.constant 24 : i32
      %get3A_2090 = arith.index_cast %get3A_2089 : i32 to index
      %get3A_2091 = arith.constant 80 : index
      %get3A_2092 = tpu.vector_load %arg5[%get3A_2090, %get3A_2091] {strides = array<i32>} : memref<26x128xi32, #tpu.memory_space<vmem>>, vector<16xi32>,
      %add3A_2093 = arith.constant 2400000 : i32
      %add3A_2094 = vector.broadcast %add3A_2093 : i32 to vector<16xi32>
      %add3A_2095 = arith.addi %get3A_2092, %add3A_2094 : vector<16xi32>
      %swap3A_2096 = arith.constant 24 : i32
      %swap3A_2097 = arith.index_cast %swap3A_2096 : i32 to index
      %swap3A_2098 = arith.constant 80 : index
      %swap3A_2099 = tpu.vector_load %arg5[%swap3A_2097, %swap3A_2098] {strides = array<i32>} : memref<26x128xi32, #tpu.memory_space<vmem>>, vector<16xi32>,
      tpu.vector_store %arg5[%swap3A_2097, %swap3A_2098], %add3A_2095 {strides = array<i32>} : memref<26x128xi32, #tpu.memory_space<vmem>>, vector<16xi32>,
      %get3A_2100 = arith.constant 24 : i32
      %get3A_2101 = arith.index_cast %get3A_2100 : i32 to index
      %get3A_2102 = arith.constant 96 : index
      %get3A_2103 = tpu.vector_load %arg5[%get3A_2101, %get3A_2102] {strides = array<i32>} : memref<26x128xi32, #tpu.memory_space<vmem>>, vector<16xi32>,
      %add3A_2104 = arith.constant 2400000 : i32
      %add3A_2105 = vector.broadcast %add3A_2104 : i32 to vector<16xi32>
      %add3A_2106 = arith.addi %get3A_2103, %add3A_2105 : vector<16xi32>
      %swap3A_2107 = arith.constant 24 : i32
      %swap3A_2108 = arith.index_cast %swap3A_2107 : i32 to index
      %swap3A_2109 = arith.constant 96 : index
      %swap3A_2110 = tpu.vector_load %arg5[%swap3A_2108, %swap3A_2109] {strides = array<i32>} : memref<26x128xi32, #tpu.memory_space<vmem>>, vector<16xi32>,
      tpu.vector_store %arg5[%swap3A_2108, %swap3A_2109], %add3A_2106 {strides = array<i32>} : memref<26x128xi32, #tpu.memory_space<vmem>>, vector<16xi32>,
      %get3A_2111 = arith.constant 24 : i32
      %get3A_2112 = arith.index_cast %get3A_2111 : i32 to index
      %get3A_2113 = arith.constant 112 : index
      %get3A_2114 = tpu.vector_load %arg5[%get3A_2112, %get3A_2113] {strides = array<i32>} : memref<26x128xi32, #tpu.memory_space<vmem>>, vector<16xi32>,
      %add3A_2115 = arith.constant 2400000 : i32
      %add3A_2116 = vector.broadcast %add3A_2115 : i32 to vector<16xi32>
      %add3A_2117 = arith.addi %get3A_2114, %add3A_2116 : vector<16xi32>
      %swap3A_2118 = arith.constant 24 : i32
      %swap3A_2119 = arith.index_cast %swap3A_2118 : i32 to index
      %swap3A_2120 = arith.constant 112 : index
      %swap3A_2121 = tpu.vector_load %arg5[%swap3A_2119, %swap3A_2120] {strides = array<i32>} : memref<26x128xi32, #tpu.memory_space<vmem>>, vector<16xi32>,
      tpu.vector_store %arg5[%swap3A_2119, %swap3A_2120], %add3A_2117 {strides = array<i32>} : memref<26x128xi32, #tpu.memory_space<vmem>>, vector<16xi32>,
      %get3A_2122 = arith.constant 25 : i32
      %get3A_2123 = arith.index_cast %get3A_2122 : i32 to index
      %get3A_2124 = arith.constant 0 : index
      %get3A_2125 = tpu.vector_load %arg5[%get3A_2123, %get3A_2124] {strides = array<i32>} : memref<26x128xi32, #tpu.memory_space<vmem>>, vector<16xi32>,
      %add3A_2126 = arith.constant 2500000 : i32
      %add3A_2127 = vector.broadcast %add3A_2126 : i32 to vector<16xi32>
      %add3A_2128 = arith.addi %get3A_2125, %add3A_2127 : vector<16xi32>
      %swap3A_2129 = arith.constant 25 : i32
      %swap3A_2130 = arith.index_cast %swap3A_2129 : i32 to index
      %swap3A_2131 = arith.constant 0 : index
      %swap3A_2132 = tpu.vector_load %arg5[%swap3A_2130, %swap3A_2131] {strides = array<i32>} : memref<26x128xi32, #tpu.memory_space<vmem>>, vector<16xi32>,
      tpu.vector_store %arg5[%swap3A_2130, %swap3A_2131], %add3A_2128 {strides = array<i32>} : memref<26x128xi32, #tpu.memory_space<vmem>>, vector<16xi32>,
      %get3A_2133 = arith.constant 25 : i32
      %get3A_2134 = arith.index_cast %get3A_2133 : i32 to index
      %get3A_2135 = arith.constant 16 : index
      %get3A_2136 = tpu.vector_load %arg5[%get3A_2134, %get3A_2135] {strides = array<i32>} : memref<26x128xi32, #tpu.memory_space<vmem>>, vector<16xi32>,
      %add3A_2137 = arith.constant 2500000 : i32
      %add3A_2138 = vector.broadcast %add3A_2137 : i32 to vector<16xi32>
      %add3A_2139 = arith.addi %get3A_2136, %add3A_2138 : vector<16xi32>
      %swap3A_2140 = arith.constant 25 : i32
      %swap3A_2141 = arith.index_cast %swap3A_2140 : i32 to index
      %swap3A_2142 = arith.constant 16 : index
      %swap3A_2143 = tpu.vector_load %arg5[%swap3A_2141, %swap3A_2142] {strides = array<i32>} : memref<26x128xi32, #tpu.memory_space<vmem>>, vector<16xi32>,
      tpu.vector_store %arg5[%swap3A_2141, %swap3A_2142], %add3A_2139 {strides = array<i32>} : memref<26x128xi32, #tpu.memory_space<vmem>>, vector<16xi32>,
      %get3A_2144 = arith.constant 25 : i32
      %get3A_2145 = arith.index_cast %get3A_2144 : i32 to index
      %get3A_2146 = arith.constant 32 : index
      %get3A_2147 = tpu.vector_load %arg5[%get3A_2145, %get3A_2146] {strides = array<i32>} : memref<26x128xi32, #tpu.memory_space<vmem>>, vector<16xi32>,
      %add3A_2148 = arith.constant 2500000 : i32
      %add3A_2149 = vector.broadcast %add3A_2148 : i32 to vector<16xi32>
      %add3A_2150 = arith.addi %get3A_2147, %add3A_2149 : vector<16xi32>
      %swap3A_2151 = arith.constant 25 : i32
      %swap3A_2152 = arith.index_cast %swap3A_2151 : i32 to index
      %swap3A_2153 = arith.constant 32 : index
      %swap3A_2154 = tpu.vector_load %arg5[%swap3A_2152, %swap3A_2153] {strides = array<i32>} : memref<26x128xi32, #tpu.memory_space<vmem>>, vector<16xi32>,
      tpu.vector_store %arg5[%swap3A_2152, %swap3A_2153], %add3A_2150 {strides = array<i32>} : memref<26x128xi32, #tpu.memory_space<vmem>>, vector<16xi32>,
      %get3A_2155 = arith.constant 25 : i32
      %get3A_2156 = arith.index_cast %get3A_2155 : i32 to index
      %get3A_2157 = arith.constant 48 : index
      %get3A_2158 = tpu.vector_load %arg5[%get3A_2156, %get3A_2157] {strides = array<i32>} : memref<26x128xi32, #tpu.memory_space<vmem>>, vector<16xi32>,
      %add3A_2159 = arith.constant 2500000 : i32
      %add3A_2160 = vector.broadcast %add3A_2159 : i32 to vector<16xi32>
      %add3A_2161 = arith.addi %get3A_2158, %add3A_2160 : vector<16xi32>
      %swap3A_2162 = arith.constant 25 : i32
      %swap3A_2163 = arith.index_cast %swap3A_2162 : i32 to index
      %swap3A_2164 = arith.constant 48 : index
      %swap3A_2165 = tpu.vector_load %arg5[%swap3A_2163, %swap3A_2164] {strides = array<i32>} : memref<26x128xi32, #tpu.memory_space<vmem>>, vector<16xi32>,
      tpu.vector_store %arg5[%swap3A_2163, %swap3A_2164], %add3A_2161 {strides = array<i32>} : memref<26x128xi32, #tpu.memory_space<vmem>>, vector<16xi32>,
      %get3A_2166 = arith.constant 25 : i32
      %get3A_2167 = arith.index_cast %get3A_2166 : i32 to index
      %get3A_2168 = arith.constant 64 : index
      %get3A_2169 = tpu.vector_load %arg5[%get3A_2167, %get3A_2168] {strides = array<i32>} : memref<26x128xi32, #tpu.memory_space<vmem>>, vector<16xi32>,
      %add3A_2170 = arith.constant 2500000 : i32
      %add3A_2171 = vector.broadcast %add3A_2170 : i32 to vector<16xi32>
      %add3A_2172 = arith.addi %get3A_2169, %add3A_2171 : vector<16xi32>
      %swap3A_2173 = arith.constant 25 : i32
      %swap3A_2174 = arith.index_cast %swap3A_2173 : i32 to index
      %swap3A_2175 = arith.constant 64 : index
      %swap3A_2176 = tpu.vector_load %arg5[%swap3A_2174, %swap3A_2175] {strides = array<i32>} : memref<26x128xi32, #tpu.memory_space<vmem>>, vector<16xi32>,
      tpu.vector_store %arg5[%swap3A_2174, %swap3A_2175], %add3A_2172 {strides = array<i32>} : memref<26x128xi32, #tpu.memory_space<vmem>>, vector<16xi32>,
      %get3A_2177 = arith.constant 25 : i32
      %get3A_2178 = arith.index_cast %get3A_2177 : i32 to index
      %get3A_2179 = arith.constant 80 : index
      %get3A_2180 = tpu.vector_load %arg5[%get3A_2178, %get3A_2179] {strides = array<i32>} : memref<26x128xi32, #tpu.memory_space<vmem>>, vector<16xi32>,
      %add3A_2181 = arith.constant 2500000 : i32
      %add3A_2182 = vector.broadcast %add3A_2181 : i32 to vector<16xi32>
      %add3A_2183 = arith.addi %get3A_2180, %add3A_2182 : vector<16xi32>
      %swap3A_2184 = arith.constant 25 : i32
      %swap3A_2185 = arith.index_cast %swap3A_2184 : i32 to index
      %swap3A_2186 = arith.constant 80 : index
      %swap3A_2187 = tpu.vector_load %arg5[%swap3A_2185, %swap3A_2186] {strides = array<i32>} : memref<26x128xi32, #tpu.memory_space<vmem>>, vector<16xi32>,
      tpu.vector_store %arg5[%swap3A_2185, %swap3A_2186], %add3A_2183 {strides = array<i32>} : memref<26x128xi32, #tpu.memory_space<vmem>>, vector<16xi32>,
      %get3A_2188 = arith.constant 25 : i32
      %get3A_2189 = arith.index_cast %get3A_2188 : i32 to index
      %get3A_2190 = arith.constant 96 : index
      %get3A_2191 = tpu.vector_load %arg5[%get3A_2189, %get3A_2190] {strides = array<i32>} : memref<26x128xi32, #tpu.memory_space<vmem>>, vector<16xi32>,
      %add3A_2192 = arith.constant 2500000 : i32
      %add3A_2193 = vector.broadcast %add3A_2192 : i32 to vector<16xi32>
      %add3A_2194 = arith.addi %get3A_2191, %add3A_2193 : vector<16xi32>
      %swap3A_2195 = arith.constant 25 : i32
      %swap3A_2196 = arith.index_cast %swap3A_2195 : i32 to index
      %swap3A_2197 = arith.constant 96 : index
      %swap3A_2198 = tpu.vector_load %arg5[%swap3A_2196, %swap3A_2197] {strides = array<i32>} : memref<26x128xi32, #tpu.memory_space<vmem>>, vector<16xi32>,
      tpu.vector_store %arg5[%swap3A_2196, %swap3A_2197], %add3A_2194 {strides = array<i32>} : memref<26x128xi32, #tpu.memory_space<vmem>>, vector<16xi32>,
      %get3A_2199 = arith.constant 25 : i32
      %get3A_2200 = arith.index_cast %get3A_2199 : i32 to index
      %get3A_2201 = arith.constant 112 : index
      %get3A_2202 = tpu.vector_load %arg5[%get3A_2200, %get3A_2201] {strides = array<i32>} : memref<26x128xi32, #tpu.memory_space<vmem>>, vector<16xi32>,
      %add3A_2203 = arith.constant 2500000 : i32
      %add3A_2204 = vector.broadcast %add3A_2203 : i32 to vector<16xi32>
      %add3A_2205 = arith.addi %get3A_2202, %add3A_2204 : vector<16xi32>
      %swap3A_2206 = arith.constant 25 : i32
      %swap3A_2207 = arith.index_cast %swap3A_2206 : i32 to index
      %swap3A_2208 = arith.constant 112 : index
      %swap3A_2209 = tpu.vector_load %arg5[%swap3A_2207, %swap3A_2208] {strides = array<i32>} : memref<26x128xi32, #tpu.memory_space<vmem>>, vector<16xi32>,
      tpu.vector_store %arg5[%swap3A_2207, %swap3A_2208], %add3A_2205 {strides = array<i32>} : memref<26x128xi32, #tpu.memory_space<vmem>>, vector<16xi32>,
      %dma_start3A = arith.constant 0 : i32
      %dma_start3A_2210 = arith.constant 0 : i32
      %dma_start3A_2211 = tpu.memref_slice %arg5[%dma_start3A, %dma_start3A_2210] : memref<26x128xi32, #tpu.memory_space<vmem>> -> memref<1x128xi32, #tpu.memory_space<vmem>>
      %dma_start3A_2212 = tpu.memref_squeeze %dma_start3A_2211 : memref<1x128xi32, #tpu.memory_space<vmem>> -> memref<128xi32, #tpu.memory_space<vmem>>
      %dma_start3A_2213 = arith.constant 0 : i32
      %dma_start3A_2214 = arith.constant 0 : i32
      %dma_start3A_2215 = tpu.memref_slice %arg3[%dma_start3A_2213, %dma_start3A_2214] : memref<2600000x32xf32, #tpu.memory_space<hbm>> -> memref<2600000x32xf32, #tpu.memory_space<hbm>>
      tpu.enqueue_indirect_dma source(%dma_start3A_2215 : memref<2600000x32xf32, #tpu.memory_space<hbm>>) target(%arg6 : memref<128x32xf32, #tpu.memory_space<vmem>>) offsets(%dma_start3A_2212 : memref<128xi32, #tpu.memory_space<vmem>>) semaphore(%arg7 : memref<!tpu.dma_semaphore, #tpu.memory_space<semaphore_mem>>)
      %dma_wait3A = arith.constant 0 : i32
      %dma_wait3A_2216 = arith.constant 0 : i32
      %dma_wait3A_2217 = tpu.memref_slice %arg5[%dma_wait3A, %dma_wait3A_2216] : memref<26x128xi32, #tpu.memory_space<vmem>> -> memref<1x128xi32, #tpu.memory_space<vmem>>
      %dma_wait3A_2218 = tpu.memref_squeeze %dma_wait3A_2217 : memref<1x128xi32, #tpu.memory_space<vmem>> -> memref<128xi32, #tpu.memory_space<vmem>>
      %dma_wait3A_2219 = arith.constant 0 : i32
      %dma_wait3A_2220 = arith.constant 0 : i32
      %dma_wait3A_2221 = tpu.memref_slice %arg3[%dma_wait3A_2219, %dma_wait3A_2220] : memref<2600000x32xf32, #tpu.memory_space<hbm>> -> memref<2600000x32xf32, #tpu.memory_space<hbm>>
      tpu.wait_indirect_dma semaphore(%arg7 : memref<!tpu.dma_semaphore, #tpu.memory_space<semaphore_mem>>) src(%dma_wait3A_2221 : memref<2600000x32xf32, #tpu.memory_space<hbm>>) dst(%arg6 : memref<128x32xf32, #tpu.memory_space<vmem>>)
      %dma_start3A_2222 = arith.constant 1 : i32
      %dma_start3A_2223 = arith.constant 0 : i32
      %dma_start3A_2224 = tpu.memref_slice %arg5[%dma_start3A_2222, %dma_start3A_2223] : memref<26x128xi32, #tpu.memory_space<vmem>> -> memref<1x128xi32, #tpu.memory_space<vmem>>
      %dma_start3A_2225 = tpu.memref_squeeze %dma_start3A_2224 : memref<1x128xi32, #tpu.memory_space<vmem>> -> memref<128xi32, #tpu.memory_space<vmem>>
      %dma_start3A_2226 = arith.constant 0 : i32
      %dma_start3A_2227 = arith.constant 0 : i32
      %dma_start3A_2228 = tpu.memref_slice %arg3[%dma_start3A_2226, %dma_start3A_2227] : memref<2600000x32xf32, #tpu.memory_space<hbm>> -> memref<2600000x32xf32, #tpu.memory_space<hbm>>
      tpu.enqueue_indirect_dma source(%dma_start3A_2228 : memref<2600000x32xf32, #tpu.memory_space<hbm>>) target(%arg6 : memref<128x32xf32, #tpu.memory_space<vmem>>) offsets(%dma_start3A_2225 : memref<128xi32, #tpu.memory_space<vmem>>) semaphore(%arg7 : memref<!tpu.dma_semaphore, #tpu.memory_space<semaphore_mem>>) {add = true}
      %dma_start3A_2229 = arith.constant 2 : i32
      %dma_start3A_2230 = arith.constant 0 : i32
      %dma_start3A_2231 = tpu.memref_slice %arg5[%dma_start3A_2229, %dma_start3A_2230] : memref<26x128xi32, #tpu.memory_space<vmem>> -> memref<1x128xi32, #tpu.memory_space<vmem>>
      %dma_start3A_2232 = tpu.memref_squeeze %dma_start3A_2231 : memref<1x128xi32, #tpu.memory_space<vmem>> -> memref<128xi32, #tpu.memory_space<vmem>>
      %dma_start3A_2233 = arith.constant 0 : i32
      %dma_start3A_2234 = arith.constant 0 : i32
      %dma_start3A_2235 = tpu.memref_slice %arg3[%dma_start3A_2233, %dma_start3A_2234] : memref<2600000x32xf32, #tpu.memory_space<hbm>> -> memref<2600000x32xf32, #tpu.memory_space<hbm>>
      tpu.enqueue_indirect_dma source(%dma_start3A_2235 : memref<2600000x32xf32, #tpu.memory_space<hbm>>) target(%arg6 : memref<128x32xf32, #tpu.memory_space<vmem>>) offsets(%dma_start3A_2232 : memref<128xi32, #tpu.memory_space<vmem>>) semaphore(%arg7 : memref<!tpu.dma_semaphore, #tpu.memory_space<semaphore_mem>>) {add = true}
      %dma_start3A_2236 = arith.constant 3 : i32
      %dma_start3A_2237 = arith.constant 0 : i32
      %dma_start3A_2238 = tpu.memref_slice %arg5[%dma_start3A_2236, %dma_start3A_2237] : memref<26x128xi32, #tpu.memory_space<vmem>> -> memref<1x128xi32, #tpu.memory_space<vmem>>
      %dma_start3A_2239 = tpu.memref_squeeze %dma_start3A_2238 : memref<1x128xi32, #tpu.memory_space<vmem>> -> memref<128xi32, #tpu.memory_space<vmem>>
      %dma_start3A_2240 = arith.constant 0 : i32
      %dma_start3A_2241 = arith.constant 0 : i32
      %dma_start3A_2242 = tpu.memref_slice %arg3[%dma_start3A_2240, %dma_start3A_2241] : memref<2600000x32xf32, #tpu.memory_space<hbm>> -> memref<2600000x32xf32, #tpu.memory_space<hbm>>
      tpu.enqueue_indirect_dma source(%dma_start3A_2242 : memref<2600000x32xf32, #tpu.memory_space<hbm>>) target(%arg6 : memref<128x32xf32, #tpu.memory_space<vmem>>) offsets(%dma_start3A_2239 : memref<128xi32, #tpu.memory_space<vmem>>) semaphore(%arg7 : memref<!tpu.dma_semaphore, #tpu.memory_space<semaphore_mem>>) {add = true}
      %dma_start3A_2243 = arith.constant 4 : i32
      %dma_start3A_2244 = arith.constant 0 : i32
      %dma_start3A_2245 = tpu.memref_slice %arg5[%dma_start3A_2243, %dma_start3A_2244] : memref<26x128xi32, #tpu.memory_space<vmem>> -> memref<1x128xi32, #tpu.memory_space<vmem>>
      %dma_start3A_2246 = tpu.memref_squeeze %dma_start3A_2245 : memref<1x128xi32, #tpu.memory_space<vmem>> -> memref<128xi32, #tpu.memory_space<vmem>>
      %dma_start3A_2247 = arith.constant 0 : i32
      %dma_start3A_2248 = arith.constant 0 : i32
      %dma_start3A_2249 = tpu.memref_slice %arg3[%dma_start3A_2247, %dma_start3A_2248] : memref<2600000x32xf32, #tpu.memory_space<hbm>> -> memref<2600000x32xf32, #tpu.memory_space<hbm>>
      tpu.enqueue_indirect_dma source(%dma_start3A_2249 : memref<2600000x32xf32, #tpu.memory_space<hbm>>) target(%arg6 : memref<128x32xf32, #tpu.memory_space<vmem>>) offsets(%dma_start3A_2246 : memref<128xi32, #tpu.memory_space<vmem>>) semaphore(%arg7 : memref<!tpu.dma_semaphore, #tpu.memory_space<semaphore_mem>>) {add = true}
      %dma_start3A_2250 = arith.constant 5 : i32
      %dma_start3A_2251 = arith.constant 0 : i32
      %dma_start3A_2252 = tpu.memref_slice %arg5[%dma_start3A_2250, %dma_start3A_2251] : memref<26x128xi32, #tpu.memory_space<vmem>> -> memref<1x128xi32, #tpu.memory_space<vmem>>
      %dma_start3A_2253 = tpu.memref_squeeze %dma_start3A_2252 : memref<1x128xi32, #tpu.memory_space<vmem>> -> memref<128xi32, #tpu.memory_space<vmem>>
      %dma_start3A_2254 = arith.constant 0 : i32
      %dma_start3A_2255 = arith.constant 0 : i32
      %dma_start3A_2256 = tpu.memref_slice %arg3[%dma_start3A_2254, %dma_start3A_2255] : memref<2600000x32xf32, #tpu.memory_space<hbm>> -> memref<2600000x32xf32, #tpu.memory_space<hbm>>
      tpu.enqueue_indirect_dma source(%dma_start3A_2256 : memref<2600000x32xf32, #tpu.memory_space<hbm>>) target(%arg6 : memref<128x32xf32, #tpu.memory_space<vmem>>) offsets(%dma_start3A_2253 : memref<128xi32, #tpu.memory_space<vmem>>) semaphore(%arg7 : memref<!tpu.dma_semaphore, #tpu.memory_space<semaphore_mem>>) {add = true}
      %dma_start3A_2257 = arith.constant 6 : i32
      %dma_start3A_2258 = arith.constant 0 : i32
      %dma_start3A_2259 = tpu.memref_slice %arg5[%dma_start3A_2257, %dma_start3A_2258] : memref<26x128xi32, #tpu.memory_space<vmem>> -> memref<1x128xi32, #tpu.memory_space<vmem>>
      %dma_start3A_2260 = tpu.memref_squeeze %dma_start3A_2259 : memref<1x128xi32, #tpu.memory_space<vmem>> -> memref<128xi32, #tpu.memory_space<vmem>>
      %dma_start3A_2261 = arith.constant 0 : i32
      %dma_start3A_2262 = arith.constant 0 : i32
      %dma_start3A_2263 = tpu.memref_slice %arg3[%dma_start3A_2261, %dma_start3A_2262] : memref<2600000x32xf32, #tpu.memory_space<hbm>> -> memref<2600000x32xf32, #tpu.memory_space<hbm>>
      tpu.enqueue_indirect_dma source(%dma_start3A_2263 : memref<2600000x32xf32, #tpu.memory_space<hbm>>) target(%arg6 : memref<128x32xf32, #tpu.memory_space<vmem>>) offsets(%dma_start3A_2260 : memref<128xi32, #tpu.memory_space<vmem>>) semaphore(%arg7 : memref<!tpu.dma_semaphore, #tpu.memory_space<semaphore_mem>>) {add = true}
      %dma_start3A_2264 = arith.constant 7 : i32
      %dma_start3A_2265 = arith.constant 0 : i32
      %dma_start3A_2266 = tpu.memref_slice %arg5[%dma_start3A_2264, %dma_start3A_2265] : memref<26x128xi32, #tpu.memory_space<vmem>> -> memref<1x128xi32, #tpu.memory_space<vmem>>
      %dma_start3A_2267 = tpu.memref_squeeze %dma_start3A_2266 : memref<1x128xi32, #tpu.memory_space<vmem>> -> memref<128xi32, #tpu.memory_space<vmem>>
      %dma_start3A_2268 = arith.constant 0 : i32
      %dma_start3A_2269 = arith.constant 0 : i32
      %dma_start3A_2270 = tpu.memref_slice %arg3[%dma_start3A_2268, %dma_start3A_2269] : memref<2600000x32xf32, #tpu.memory_space<hbm>> -> memref<2600000x32xf32, #tpu.memory_space<hbm>>
      tpu.enqueue_indirect_dma source(%dma_start3A_2270 : memref<2600000x32xf32, #tpu.memory_space<hbm>>) target(%arg6 : memref<128x32xf32, #tpu.memory_space<vmem>>) offsets(%dma_start3A_2267 : memref<128xi32, #tpu.memory_space<vmem>>) semaphore(%arg7 : memref<!tpu.dma_semaphore, #tpu.memory_space<semaphore_mem>>) {add = true}
      %dma_start3A_2271 = arith.constant 8 : i32
      %dma_start3A_2272 = arith.constant 0 : i32
      %dma_start3A_2273 = tpu.memref_slice %arg5[%dma_start3A_2271, %dma_start3A_2272] : memref<26x128xi32, #tpu.memory_space<vmem>> -> memref<1x128xi32, #tpu.memory_space<vmem>>
      %dma_start3A_2274 = tpu.memref_squeeze %dma_start3A_2273 : memref<1x128xi32, #tpu.memory_space<vmem>> -> memref<128xi32, #tpu.memory_space<vmem>>
      %dma_start3A_2275 = arith.constant 0 : i32
      %dma_start3A_2276 = arith.constant 0 : i32
      %dma_start3A_2277 = tpu.memref_slice %arg3[%dma_start3A_2275, %dma_start3A_2276] : memref<2600000x32xf32, #tpu.memory_space<hbm>> -> memref<2600000x32xf32, #tpu.memory_space<hbm>>
      tpu.enqueue_indirect_dma source(%dma_start3A_2277 : memref<2600000x32xf32, #tpu.memory_space<hbm>>) target(%arg6 : memref<128x32xf32, #tpu.memory_space<vmem>>) offsets(%dma_start3A_2274 : memref<128xi32, #tpu.memory_space<vmem>>) semaphore(%arg7 : memref<!tpu.dma_semaphore, #tpu.memory_space<semaphore_mem>>) {add = true}
      %dma_start3A_2278 = arith.constant 9 : i32
      %dma_start3A_2279 = arith.constant 0 : i32
      %dma_start3A_2280 = tpu.memref_slice %arg5[%dma_start3A_2278, %dma_start3A_2279] : memref<26x128xi32, #tpu.memory_space<vmem>> -> memref<1x128xi32, #tpu.memory_space<vmem>>
      %dma_start3A_2281 = tpu.memref_squeeze %dma_start3A_2280 : memref<1x128xi32, #tpu.memory_space<vmem>> -> memref<128xi32, #tpu.memory_space<vmem>>
      %dma_start3A_2282 = arith.constant 0 : i32
      %dma_start3A_2283 = arith.constant 0 : i32
      %dma_start3A_2284 = tpu.memref_slice %arg3[%dma_start3A_2282, %dma_start3A_2283] : memref<2600000x32xf32, #tpu.memory_space<hbm>> -> memref<2600000x32xf32, #tpu.memory_space<hbm>>
      tpu.enqueue_indirect_dma source(%dma_start3A_2284 : memref<2600000x32xf32, #tpu.memory_space<hbm>>) target(%arg6 : memref<128x32xf32, #tpu.memory_space<vmem>>) offsets(%dma_start3A_2281 : memref<128xi32, #tpu.memory_space<vmem>>) semaphore(%arg7 : memref<!tpu.dma_semaphore, #tpu.memory_space<semaphore_mem>>) {add = true}
      %dma_start3A_2285 = arith.constant 10 : i32
      %dma_start3A_2286 = arith.constant 0 : i32
      %dma_start3A_2287 = tpu.memref_slice %arg5[%dma_start3A_2285, %dma_start3A_2286] : memref<26x128xi32, #tpu.memory_space<vmem>> -> memref<1x128xi32, #tpu.memory_space<vmem>>
      %dma_start3A_2288 = tpu.memref_squeeze %dma_start3A_2287 : memref<1x128xi32, #tpu.memory_space<vmem>> -> memref<128xi32, #tpu.memory_space<vmem>>
      %dma_start3A_2289 = arith.constant 0 : i32
      %dma_start3A_2290 = arith.constant 0 : i32
      %dma_start3A_2291 = tpu.memref_slice %arg3[%dma_start3A_2289, %dma_start3A_2290] : memref<2600000x32xf32, #tpu.memory_space<hbm>> -> memref<2600000x32xf32, #tpu.memory_space<hbm>>
      tpu.enqueue_indirect_dma source(%dma_start3A_2291 : memref<2600000x32xf32, #tpu.memory_space<hbm>>) target(%arg6 : memref<128x32xf32, #tpu.memory_space<vmem>>) offsets(%dma_start3A_2288 : memref<128xi32, #tpu.memory_space<vmem>>) semaphore(%arg7 : memref<!tpu.dma_semaphore, #tpu.memory_space<semaphore_mem>>) {add = true}
      %dma_start3A_2292 = arith.constant 11 : i32
      %dma_start3A_2293 = arith.constant 0 : i32
      %dma_start3A_2294 = tpu.memref_slice %arg5[%dma_start3A_2292, %dma_start3A_2293] : memref<26x128xi32, #tpu.memory_space<vmem>> -> memref<1x128xi32, #tpu.memory_space<vmem>>
      %dma_start3A_2295 = tpu.memref_squeeze %dma_start3A_2294 : memref<1x128xi32, #tpu.memory_space<vmem>> -> memref<128xi32, #tpu.memory_space<vmem>>
      %dma_start3A_2296 = arith.constant 0 : i32
      %dma_start3A_2297 = arith.constant 0 : i32
      %dma_start3A_2298 = tpu.memref_slice %arg3[%dma_start3A_2296, %dma_start3A_2297] : memref<2600000x32xf32, #tpu.memory_space<hbm>> -> memref<2600000x32xf32, #tpu.memory_space<hbm>>
      tpu.enqueue_indirect_dma source(%dma_start3A_2298 : memref<2600000x32xf32, #tpu.memory_space<hbm>>) target(%arg6 : memref<128x32xf32, #tpu.memory_space<vmem>>) offsets(%dma_start3A_2295 : memref<128xi32, #tpu.memory_space<vmem>>) semaphore(%arg7 : memref<!tpu.dma_semaphore, #tpu.memory_space<semaphore_mem>>) {add = true}
      %dma_start3A_2299 = arith.constant 12 : i32
      %dma_start3A_2300 = arith.constant 0 : i32
      %dma_start3A_2301 = tpu.memref_slice %arg5[%dma_start3A_2299, %dma_start3A_2300] : memref<26x128xi32, #tpu.memory_space<vmem>> -> memref<1x128xi32, #tpu.memory_space<vmem>>
      %dma_start3A_2302 = tpu.memref_squeeze %dma_start3A_2301 : memref<1x128xi32, #tpu.memory_space<vmem>> -> memref<128xi32, #tpu.memory_space<vmem>>
      %dma_start3A_2303 = arith.constant 0 : i32
      %dma_start3A_2304 = arith.constant 0 : i32
      %dma_start3A_2305 = tpu.memref_slice %arg3[%dma_start3A_2303, %dma_start3A_2304] : memref<2600000x32xf32, #tpu.memory_space<hbm>> -> memref<2600000x32xf32, #tpu.memory_space<hbm>>
      tpu.enqueue_indirect_dma source(%dma_start3A_2305 : memref<2600000x32xf32, #tpu.memory_space<hbm>>) target(%arg6 : memref<128x32xf32, #tpu.memory_space<vmem>>) offsets(%dma_start3A_2302 : memref<128xi32, #tpu.memory_space<vmem>>) semaphore(%arg7 : memref<!tpu.dma_semaphore, #tpu.memory_space<semaphore_mem>>) {add = true}
      %dma_start3A_2306 = arith.constant 13 : i32
      %dma_start3A_2307 = arith.constant 0 : i32
      %dma_start3A_2308 = tpu.memref_slice %arg5[%dma_start3A_2306, %dma_start3A_2307] : memref<26x128xi32, #tpu.memory_space<vmem>> -> memref<1x128xi32, #tpu.memory_space<vmem>>
      %dma_start3A_2309 = tpu.memref_squeeze %dma_start3A_2308 : memref<1x128xi32, #tpu.memory_space<vmem>> -> memref<128xi32, #tpu.memory_space<vmem>>
      %dma_start3A_2310 = arith.constant 0 : i32
      %dma_start3A_2311 = arith.constant 0 : i32
      %dma_start3A_2312 = tpu.memref_slice %arg3[%dma_start3A_2310, %dma_start3A_2311] : memref<2600000x32xf32, #tpu.memory_space<hbm>> -> memref<2600000x32xf32, #tpu.memory_space<hbm>>
      tpu.enqueue_indirect_dma source(%dma_start3A_2312 : memref<2600000x32xf32, #tpu.memory_space<hbm>>) target(%arg6 : memref<128x32xf32, #tpu.memory_space<vmem>>) offsets(%dma_start3A_2309 : memref<128xi32, #tpu.memory_space<vmem>>) semaphore(%arg7 : memref<!tpu.dma_semaphore, #tpu.memory_space<semaphore_mem>>) {add = true}
      %dma_start3A_2313 = arith.constant 14 : i32
      %dma_start3A_2314 = arith.constant 0 : i32
      %dma_start3A_2315 = tpu.memref_slice %arg5[%dma_start3A_2313, %dma_start3A_2314] : memref<26x128xi32, #tpu.memory_space<vmem>> -> memref<1x128xi32, #tpu.memory_space<vmem>>
      %dma_start3A_2316 = tpu.memref_squeeze %dma_start3A_2315 : memref<1x128xi32, #tpu.memory_space<vmem>> -> memref<128xi32, #tpu.memory_space<vmem>>
      %dma_start3A_2317 = arith.constant 0 : i32
      %dma_start3A_2318 = arith.constant 0 : i32
      %dma_start3A_2319 = tpu.memref_slice %arg3[%dma_start3A_2317, %dma_start3A_2318] : memref<2600000x32xf32, #tpu.memory_space<hbm>> -> memref<2600000x32xf32, #tpu.memory_space<hbm>>
      tpu.enqueue_indirect_dma source(%dma_start3A_2319 : memref<2600000x32xf32, #tpu.memory_space<hbm>>) target(%arg6 : memref<128x32xf32, #tpu.memory_space<vmem>>) offsets(%dma_start3A_2316 : memref<128xi32, #tpu.memory_space<vmem>>) semaphore(%arg7 : memref<!tpu.dma_semaphore, #tpu.memory_space<semaphore_mem>>) {add = true}
      %dma_start3A_2320 = arith.constant 15 : i32
      %dma_start3A_2321 = arith.constant 0 : i32
      %dma_start3A_2322 = tpu.memref_slice %arg5[%dma_start3A_2320, %dma_start3A_2321] : memref<26x128xi32, #tpu.memory_space<vmem>> -> memref<1x128xi32, #tpu.memory_space<vmem>>
      %dma_start3A_2323 = tpu.memref_squeeze %dma_start3A_2322 : memref<1x128xi32, #tpu.memory_space<vmem>> -> memref<128xi32, #tpu.memory_space<vmem>>
      %dma_start3A_2324 = arith.constant 0 : i32
      %dma_start3A_2325 = arith.constant 0 : i32
      %dma_start3A_2326 = tpu.memref_slice %arg3[%dma_start3A_2324, %dma_start3A_2325] : memref<2600000x32xf32, #tpu.memory_space<hbm>> -> memref<2600000x32xf32, #tpu.memory_space<hbm>>
      tpu.enqueue_indirect_dma source(%dma_start3A_2326 : memref<2600000x32xf32, #tpu.memory_space<hbm>>) target(%arg6 : memref<128x32xf32, #tpu.memory_space<vmem>>) offsets(%dma_start3A_2323 : memref<128xi32, #tpu.memory_space<vmem>>) semaphore(%arg7 : memref<!tpu.dma_semaphore, #tpu.memory_space<semaphore_mem>>) {add = true}
      %dma_start3A_2327 = arith.constant 16 : i32
      %dma_start3A_2328 = arith.constant 0 : i32
      %dma_start3A_2329 = tpu.memref_slice %arg5[%dma_start3A_2327, %dma_start3A_2328] : memref<26x128xi32, #tpu.memory_space<vmem>> -> memref<1x128xi32, #tpu.memory_space<vmem>>
      %dma_start3A_2330 = tpu.memref_squeeze %dma_start3A_2329 : memref<1x128xi32, #tpu.memory_space<vmem>> -> memref<128xi32, #tpu.memory_space<vmem>>
      %dma_start3A_2331 = arith.constant 0 : i32
      %dma_start3A_2332 = arith.constant 0 : i32
      %dma_start3A_2333 = tpu.memref_slice %arg3[%dma_start3A_2331, %dma_start3A_2332] : memref<2600000x32xf32, #tpu.memory_space<hbm>> -> memref<2600000x32xf32, #tpu.memory_space<hbm>>
      tpu.enqueue_indirect_dma source(%dma_start3A_2333 : memref<2600000x32xf32, #tpu.memory_space<hbm>>) target(%arg6 : memref<128x32xf32, #tpu.memory_space<vmem>>) offsets(%dma_start3A_2330 : memref<128xi32, #tpu.memory_space<vmem>>) semaphore(%arg7 : memref<!tpu.dma_semaphore, #tpu.memory_space<semaphore_mem>>) {add = true}
      %dma_start3A_2334 = arith.constant 17 : i32
      %dma_start3A_2335 = arith.constant 0 : i32
      %dma_start3A_2336 = tpu.memref_slice %arg5[%dma_start3A_2334, %dma_start3A_2335] : memref<26x128xi32, #tpu.memory_space<vmem>> -> memref<1x128xi32, #tpu.memory_space<vmem>>
      %dma_start3A_2337 = tpu.memref_squeeze %dma_start3A_2336 : memref<1x128xi32, #tpu.memory_space<vmem>> -> memref<128xi32, #tpu.memory_space<vmem>>
      %dma_start3A_2338 = arith.constant 0 : i32
      %dma_start3A_2339 = arith.constant 0 : i32
      %dma_start3A_2340 = tpu.memref_slice %arg3[%dma_start3A_2338, %dma_start3A_2339] : memref<2600000x32xf32, #tpu.memory_space<hbm>> -> memref<2600000x32xf32, #tpu.memory_space<hbm>>
      tpu.enqueue_indirect_dma source(%dma_start3A_2340 : memref<2600000x32xf32, #tpu.memory_space<hbm>>) target(%arg6 : memref<128x32xf32, #tpu.memory_space<vmem>>) offsets(%dma_start3A_2337 : memref<128xi32, #tpu.memory_space<vmem>>) semaphore(%arg7 : memref<!tpu.dma_semaphore, #tpu.memory_space<semaphore_mem>>) {add = true}
      %dma_start3A_2341 = arith.constant 18 : i32
      %dma_start3A_2342 = arith.constant 0 : i32
      %dma_start3A_2343 = tpu.memref_slice %arg5[%dma_start3A_2341, %dma_start3A_2342] : memref<26x128xi32, #tpu.memory_space<vmem>> -> memref<1x128xi32, #tpu.memory_space<vmem>>
      %dma_start3A_2344 = tpu.memref_squeeze %dma_start3A_2343 : memref<1x128xi32, #tpu.memory_space<vmem>> -> memref<128xi32, #tpu.memory_space<vmem>>
      %dma_start3A_2345 = arith.constant 0 : i32
      %dma_start3A_2346 = arith.constant 0 : i32
      %dma_start3A_2347 = tpu.memref_slice %arg3[%dma_start3A_2345, %dma_start3A_2346] : memref<2600000x32xf32, #tpu.memory_space<hbm>> -> memref<2600000x32xf32, #tpu.memory_space<hbm>>
      tpu.enqueue_indirect_dma source(%dma_start3A_2347 : memref<2600000x32xf32, #tpu.memory_space<hbm>>) target(%arg6 : memref<128x32xf32, #tpu.memory_space<vmem>>) offsets(%dma_start3A_2344 : memref<128xi32, #tpu.memory_space<vmem>>) semaphore(%arg7 : memref<!tpu.dma_semaphore, #tpu.memory_space<semaphore_mem>>) {add = true}
      %dma_start3A_2348 = arith.constant 19 : i32
      %dma_start3A_2349 = arith.constant 0 : i32
      %dma_start3A_2350 = tpu.memref_slice %arg5[%dma_start3A_2348, %dma_start3A_2349] : memref<26x128xi32, #tpu.memory_space<vmem>> -> memref<1x128xi32, #tpu.memory_space<vmem>>
      %dma_start3A_2351 = tpu.memref_squeeze %dma_start3A_2350 : memref<1x128xi32, #tpu.memory_space<vmem>> -> memref<128xi32, #tpu.memory_space<vmem>>
      %dma_start3A_2352 = arith.constant 0 : i32
      %dma_start3A_2353 = arith.constant 0 : i32
      %dma_start3A_2354 = tpu.memref_slice %arg3[%dma_start3A_2352, %dma_start3A_2353] : memref<2600000x32xf32, #tpu.memory_space<hbm>> -> memref<2600000x32xf32, #tpu.memory_space<hbm>>
      tpu.enqueue_indirect_dma source(%dma_start3A_2354 : memref<2600000x32xf32, #tpu.memory_space<hbm>>) target(%arg6 : memref<128x32xf32, #tpu.memory_space<vmem>>) offsets(%dma_start3A_2351 : memref<128xi32, #tpu.memory_space<vmem>>) semaphore(%arg7 : memref<!tpu.dma_semaphore, #tpu.memory_space<semaphore_mem>>) {add = true}
      %dma_start3A_2355 = arith.constant 20 : i32
      %dma_start3A_2356 = arith.constant 0 : i32
      %dma_start3A_2357 = tpu.memref_slice %arg5[%dma_start3A_2355, %dma_start3A_2356] : memref<26x128xi32, #tpu.memory_space<vmem>> -> memref<1x128xi32, #tpu.memory_space<vmem>>
      %dma_start3A_2358 = tpu.memref_squeeze %dma_start3A_2357 : memref<1x128xi32, #tpu.memory_space<vmem>> -> memref<128xi32, #tpu.memory_space<vmem>>
      %dma_start3A_2359 = arith.constant 0 : i32
      %dma_start3A_2360 = arith.constant 0 : i32
      %dma_start3A_2361 = tpu.memref_slice %arg3[%dma_start3A_2359, %dma_start3A_2360] : memref<2600000x32xf32, #tpu.memory_space<hbm>> -> memref<2600000x32xf32, #tpu.memory_space<hbm>>
      tpu.enqueue_indirect_dma source(%dma_start3A_2361 : memref<2600000x32xf32, #tpu.memory_space<hbm>>) target(%arg6 : memref<128x32xf32, #tpu.memory_space<vmem>>) offsets(%dma_start3A_2358 : memref<128xi32, #tpu.memory_space<vmem>>) semaphore(%arg7 : memref<!tpu.dma_semaphore, #tpu.memory_space<semaphore_mem>>) {add = true}
      %dma_start3A_2362 = arith.constant 21 : i32
      %dma_start3A_2363 = arith.constant 0 : i32
      %dma_start3A_2364 = tpu.memref_slice %arg5[%dma_start3A_2362, %dma_start3A_2363] : memref<26x128xi32, #tpu.memory_space<vmem>> -> memref<1x128xi32, #tpu.memory_space<vmem>>
      %dma_start3A_2365 = tpu.memref_squeeze %dma_start3A_2364 : memref<1x128xi32, #tpu.memory_space<vmem>> -> memref<128xi32, #tpu.memory_space<vmem>>
      %dma_start3A_2366 = arith.constant 0 : i32
      %dma_start3A_2367 = arith.constant 0 : i32
      %dma_start3A_2368 = tpu.memref_slice %arg3[%dma_start3A_2366, %dma_start3A_2367] : memref<2600000x32xf32, #tpu.memory_space<hbm>> -> memref<2600000x32xf32, #tpu.memory_space<hbm>>
      tpu.enqueue_indirect_dma source(%dma_start3A_2368 : memref<2600000x32xf32, #tpu.memory_space<hbm>>) target(%arg6 : memref<128x32xf32, #tpu.memory_space<vmem>>) offsets(%dma_start3A_2365 : memref<128xi32, #tpu.memory_space<vmem>>) semaphore(%arg7 : memref<!tpu.dma_semaphore, #tpu.memory_space<semaphore_mem>>) {add = true}
      %dma_start3A_2369 = arith.constant 22 : i32
      %dma_start3A_2370 = arith.constant 0 : i32
      %dma_start3A_2371 = tpu.memref_slice %arg5[%dma_start3A_2369, %dma_start3A_2370] : memref<26x128xi32, #tpu.memory_space<vmem>> -> memref<1x128xi32, #tpu.memory_space<vmem>>
      %dma_start3A_2372 = tpu.memref_squeeze %dma_start3A_2371 : memref<1x128xi32, #tpu.memory_space<vmem>> -> memref<128xi32, #tpu.memory_space<vmem>>
      %dma_start3A_2373 = arith.constant 0 : i32
      %dma_start3A_2374 = arith.constant 0 : i32
      %dma_start3A_2375 = tpu.memref_slice %arg3[%dma_start3A_2373, %dma_start3A_2374] : memref<2600000x32xf32, #tpu.memory_space<hbm>> -> memref<2600000x32xf32, #tpu.memory_space<hbm>>
      tpu.enqueue_indirect_dma source(%dma_start3A_2375 : memref<2600000x32xf32, #tpu.memory_space<hbm>>) target(%arg6 : memref<128x32xf32, #tpu.memory_space<vmem>>) offsets(%dma_start3A_2372 : memref<128xi32, #tpu.memory_space<vmem>>) semaphore(%arg7 : memref<!tpu.dma_semaphore, #tpu.memory_space<semaphore_mem>>) {add = true}
      %dma_start3A_2376 = arith.constant 23 : i32
      %dma_start3A_2377 = arith.constant 0 : i32
      %dma_start3A_2378 = tpu.memref_slice %arg5[%dma_start3A_2376, %dma_start3A_2377] : memref<26x128xi32, #tpu.memory_space<vmem>> -> memref<1x128xi32, #tpu.memory_space<vmem>>
      %dma_start3A_2379 = tpu.memref_squeeze %dma_start3A_2378 : memref<1x128xi32, #tpu.memory_space<vmem>> -> memref<128xi32, #tpu.memory_space<vmem>>
      %dma_start3A_2380 = arith.constant 0 : i32
      %dma_start3A_2381 = arith.constant 0 : i32
      %dma_start3A_2382 = tpu.memref_slice %arg3[%dma_start3A_2380, %dma_start3A_2381] : memref<2600000x32xf32, #tpu.memory_space<hbm>> -> memref<2600000x32xf32, #tpu.memory_space<hbm>>
      tpu.enqueue_indirect_dma source(%dma_start3A_2382 : memref<2600000x32xf32, #tpu.memory_space<hbm>>) target(%arg6 : memref<128x32xf32, #tpu.memory_space<vmem>>) offsets(%dma_start3A_2379 : memref<128xi32, #tpu.memory_space<vmem>>) semaphore(%arg7 : memref<!tpu.dma_semaphore, #tpu.memory_space<semaphore_mem>>) {add = true}
      %dma_start3A_2383 = arith.constant 24 : i32
      %dma_start3A_2384 = arith.constant 0 : i32
      %dma_start3A_2385 = tpu.memref_slice %arg5[%dma_start3A_2383, %dma_start3A_2384] : memref<26x128xi32, #tpu.memory_space<vmem>> -> memref<1x128xi32, #tpu.memory_space<vmem>>
      %dma_start3A_2386 = tpu.memref_squeeze %dma_start3A_2385 : memref<1x128xi32, #tpu.memory_space<vmem>> -> memref<128xi32, #tpu.memory_space<vmem>>
      %dma_start3A_2387 = arith.constant 0 : i32
      %dma_start3A_2388 = arith.constant 0 : i32
      %dma_start3A_2389 = tpu.memref_slice %arg3[%dma_start3A_2387, %dma_start3A_2388] : memref<2600000x32xf32, #tpu.memory_space<hbm>> -> memref<2600000x32xf32, #tpu.memory_space<hbm>>
      tpu.enqueue_indirect_dma source(%dma_start3A_2389 : memref<2600000x32xf32, #tpu.memory_space<hbm>>) target(%arg6 : memref<128x32xf32, #tpu.memory_space<vmem>>) offsets(%dma_start3A_2386 : memref<128xi32, #tpu.memory_space<vmem>>) semaphore(%arg7 : memref<!tpu.dma_semaphore, #tpu.memory_space<semaphore_mem>>) {add = true}
      %dma_start3A_2390 = arith.constant 25 : i32
      %dma_start3A_2391 = arith.constant 0 : i32
      %dma_start3A_2392 = tpu.memref_slice %arg5[%dma_start3A_2390, %dma_start3A_2391] : memref<26x128xi32, #tpu.memory_space<vmem>> -> memref<1x128xi32, #tpu.memory_space<vmem>>
      %dma_start3A_2393 = tpu.memref_squeeze %dma_start3A_2392 : memref<1x128xi32, #tpu.memory_space<vmem>> -> memref<128xi32, #tpu.memory_space<vmem>>
      %dma_start3A_2394 = arith.constant 0 : i32
      %dma_start3A_2395 = arith.constant 0 : i32
      %dma_start3A_2396 = tpu.memref_slice %arg3[%dma_start3A_2394, %dma_start3A_2395] : memref<2600000x32xf32, #tpu.memory_space<hbm>> -> memref<2600000x32xf32, #tpu.memory_space<hbm>>
      tpu.enqueue_indirect_dma source(%dma_start3A_2396 : memref<2600000x32xf32, #tpu.memory_space<hbm>>) target(%arg6 : memref<128x32xf32, #tpu.memory_space<vmem>>) offsets(%dma_start3A_2393 : memref<128xi32, #tpu.memory_space<vmem>>) semaphore(%arg7 : memref<!tpu.dma_semaphore, #tpu.memory_space<semaphore_mem>>) {add = true}
      %dma_wait3A_2397 = arith.constant 1 : i32
      %dma_wait3A_2398 = arith.constant 0 : i32
      %dma_wait3A_2399 = tpu.memref_slice %arg5[%dma_wait3A_2397, %dma_wait3A_2398] : memref<26x128xi32, #tpu.memory_space<vmem>> -> memref<1x128xi32, #tpu.memory_space<vmem>>
      %dma_wait3A_2400 = tpu.memref_squeeze %dma_wait3A_2399 : memref<1x128xi32, #tpu.memory_space<vmem>> -> memref<128xi32, #tpu.memory_space<vmem>>
      %dma_wait3A_2401 = arith.constant 0 : i32
      %dma_wait3A_2402 = arith.constant 0 : i32
      %dma_wait3A_2403 = tpu.memref_slice %arg3[%dma_wait3A_2401, %dma_wait3A_2402] : memref<2600000x32xf32, #tpu.memory_space<hbm>> -> memref<2600000x32xf32, #tpu.memory_space<hbm>>
      tpu.wait_indirect_dma semaphore(%arg7 : memref<!tpu.dma_semaphore, #tpu.memory_space<semaphore_mem>>) src(%dma_wait3A_2403 : memref<2600000x32xf32, #tpu.memory_space<hbm>>) dst(%arg6 : memref<128x32xf32, #tpu.memory_space<vmem>>)
      %dma_wait3A_2404 = arith.constant 2 : i32
      %dma_wait3A_2405 = arith.constant 0 : i32
      %dma_wait3A_2406 = tpu.memref_slice %arg5[%dma_wait3A_2404, %dma_wait3A_2405] : memref<26x128xi32, #tpu.memory_space<vmem>> -> memref<1x128xi32, #tpu.memory_space<vmem>>
      %dma_wait3A_2407 = tpu.memref_squeeze %dma_wait3A_2406 : memref<1x128xi32, #tpu.memory_space<vmem>> -> memref<128xi32, #tpu.memory_space<vmem>>
      %dma_wait3A_2408 = arith.constant 0 : i32
      %dma_wait3A_2409 = arith.constant 0 : i32
      %dma_wait3A_2410 = tpu.memref_slice %arg3[%dma_wait3A_2408, %dma_wait3A_2409] : memref<2600000x32xf32, #tpu.memory_space<hbm>> -> memref<2600000x32xf32, #tpu.memory_space<hbm>>
      tpu.wait_indirect_dma semaphore(%arg7 : memref<!tpu.dma_semaphore, #tpu.memory_space<semaphore_mem>>) src(%dma_wait3A_2410 : memref<2600000x32xf32, #tpu.memory_space<hbm>>) dst(%arg6 : memref<128x32xf32, #tpu.memory_space<vmem>>)
      %dma_wait3A_2411 = arith.constant 3 : i32
      %dma_wait3A_2412 = arith.constant 0 : i32
      %dma_wait3A_2413 = tpu.memref_slice %arg5[%dma_wait3A_2411, %dma_wait3A_2412] : memref<26x128xi32, #tpu.memory_space<vmem>> -> memref<1x128xi32, #tpu.memory_space<vmem>>
      %dma_wait3A_2414 = tpu.memref_squeeze %dma_wait3A_2413 : memref<1x128xi32, #tpu.memory_space<vmem>> -> memref<128xi32, #tpu.memory_space<vmem>>
      %dma_wait3A_2415 = arith.constant 0 : i32
      %dma_wait3A_2416 = arith.constant 0 : i32
      %dma_wait3A_2417 = tpu.memref_slice %arg3[%dma_wait3A_2415, %dma_wait3A_2416] : memref<2600000x32xf32, #tpu.memory_space<hbm>> -> memref<2600000x32xf32, #tpu.memory_space<hbm>>
      tpu.wait_indirect_dma semaphore(%arg7 : memref<!tpu.dma_semaphore, #tpu.memory_space<semaphore_mem>>) src(%dma_wait3A_2417 : memref<2600000x32xf32, #tpu.memory_space<hbm>>) dst(%arg6 : memref<128x32xf32, #tpu.memory_space<vmem>>)
      %dma_wait3A_2418 = arith.constant 4 : i32
      %dma_wait3A_2419 = arith.constant 0 : i32
      %dma_wait3A_2420 = tpu.memref_slice %arg5[%dma_wait3A_2418, %dma_wait3A_2419] : memref<26x128xi32, #tpu.memory_space<vmem>> -> memref<1x128xi32, #tpu.memory_space<vmem>>
      %dma_wait3A_2421 = tpu.memref_squeeze %dma_wait3A_2420 : memref<1x128xi32, #tpu.memory_space<vmem>> -> memref<128xi32, #tpu.memory_space<vmem>>
      %dma_wait3A_2422 = arith.constant 0 : i32
      %dma_wait3A_2423 = arith.constant 0 : i32
      %dma_wait3A_2424 = tpu.memref_slice %arg3[%dma_wait3A_2422, %dma_wait3A_2423] : memref<2600000x32xf32, #tpu.memory_space<hbm>> -> memref<2600000x32xf32, #tpu.memory_space<hbm>>
      tpu.wait_indirect_dma semaphore(%arg7 : memref<!tpu.dma_semaphore, #tpu.memory_space<semaphore_mem>>) src(%dma_wait3A_2424 : memref<2600000x32xf32, #tpu.memory_space<hbm>>) dst(%arg6 : memref<128x32xf32, #tpu.memory_space<vmem>>)
      %dma_wait3A_2425 = arith.constant 5 : i32
      %dma_wait3A_2426 = arith.constant 0 : i32
      %dma_wait3A_2427 = tpu.memref_slice %arg5[%dma_wait3A_2425, %dma_wait3A_2426] : memref<26x128xi32, #tpu.memory_space<vmem>> -> memref<1x128xi32, #tpu.memory_space<vmem>>
      %dma_wait3A_2428 = tpu.memref_squeeze %dma_wait3A_2427 : memref<1x128xi32, #tpu.memory_space<vmem>> -> memref<128xi32, #tpu.memory_space<vmem>>
      %dma_wait3A_2429 = arith.constant 0 : i32
      %dma_wait3A_2430 = arith.constant 0 : i32
      %dma_wait3A_2431 = tpu.memref_slice %arg3[%dma_wait3A_2429, %dma_wait3A_2430] : memref<2600000x32xf32, #tpu.memory_space<hbm>> -> memref<2600000x32xf32, #tpu.memory_space<hbm>>
      tpu.wait_indirect_dma semaphore(%arg7 : memref<!tpu.dma_semaphore, #tpu.memory_space<semaphore_mem>>) src(%dma_wait3A_2431 : memref<2600000x32xf32, #tpu.memory_space<hbm>>) dst(%arg6 : memref<128x32xf32, #tpu.memory_space<vmem>>)
      %dma_wait3A_2432 = arith.constant 6 : i32
      %dma_wait3A_2433 = arith.constant 0 : i32
      %dma_wait3A_2434 = tpu.memref_slice %arg5[%dma_wait3A_2432, %dma_wait3A_2433] : memref<26x128xi32, #tpu.memory_space<vmem>> -> memref<1x128xi32, #tpu.memory_space<vmem>>
      %dma_wait3A_2435 = tpu.memref_squeeze %dma_wait3A_2434 : memref<1x128xi32, #tpu.memory_space<vmem>> -> memref<128xi32, #tpu.memory_space<vmem>>
      %dma_wait3A_2436 = arith.constant 0 : i32
      %dma_wait3A_2437 = arith.constant 0 : i32
      %dma_wait3A_2438 = tpu.memref_slice %arg3[%dma_wait3A_2436, %dma_wait3A_2437] : memref<2600000x32xf32, #tpu.memory_space<hbm>> -> memref<2600000x32xf32, #tpu.memory_space<hbm>>
      tpu.wait_indirect_dma semaphore(%arg7 : memref<!tpu.dma_semaphore, #tpu.memory_space<semaphore_mem>>) src(%dma_wait3A_2438 : memref<2600000x32xf32, #tpu.memory_space<hbm>>) dst(%arg6 : memref<128x32xf32, #tpu.memory_space<vmem>>)
      %dma_wait3A_2439 = arith.constant 7 : i32
      %dma_wait3A_2440 = arith.constant 0 : i32
      %dma_wait3A_2441 = tpu.memref_slice %arg5[%dma_wait3A_2439, %dma_wait3A_2440] : memref<26x128xi32, #tpu.memory_space<vmem>> -> memref<1x128xi32, #tpu.memory_space<vmem>>
      %dma_wait3A_2442 = tpu.memref_squeeze %dma_wait3A_2441 : memref<1x128xi32, #tpu.memory_space<vmem>> -> memref<128xi32, #tpu.memory_space<vmem>>
      %dma_wait3A_2443 = arith.constant 0 : i32
      %dma_wait3A_2444 = arith.constant 0 : i32
      %dma_wait3A_2445 = tpu.memref_slice %arg3[%dma_wait3A_2443, %dma_wait3A_2444] : memref<2600000x32xf32, #tpu.memory_space<hbm>> -> memref<2600000x32xf32, #tpu.memory_space<hbm>>
      tpu.wait_indirect_dma semaphore(%arg7 : memref<!tpu.dma_semaphore, #tpu.memory_space<semaphore_mem>>) src(%dma_wait3A_2445 : memref<2600000x32xf32, #tpu.memory_space<hbm>>) dst(%arg6 : memref<128x32xf32, #tpu.memory_space<vmem>>)
      %dma_wait3A_2446 = arith.constant 8 : i32
      %dma_wait3A_2447 = arith.constant 0 : i32
      %dma_wait3A_2448 = tpu.memref_slice %arg5[%dma_wait3A_2446, %dma_wait3A_2447] : memref<26x128xi32, #tpu.memory_space<vmem>> -> memref<1x128xi32, #tpu.memory_space<vmem>>
      %dma_wait3A_2449 = tpu.memref_squeeze %dma_wait3A_2448 : memref<1x128xi32, #tpu.memory_space<vmem>> -> memref<128xi32, #tpu.memory_space<vmem>>
      %dma_wait3A_2450 = arith.constant 0 : i32
      %dma_wait3A_2451 = arith.constant 0 : i32
      %dma_wait3A_2452 = tpu.memref_slice %arg3[%dma_wait3A_2450, %dma_wait3A_2451] : memref<2600000x32xf32, #tpu.memory_space<hbm>> -> memref<2600000x32xf32, #tpu.memory_space<hbm>>
      tpu.wait_indirect_dma semaphore(%arg7 : memref<!tpu.dma_semaphore, #tpu.memory_space<semaphore_mem>>) src(%dma_wait3A_2452 : memref<2600000x32xf32, #tpu.memory_space<hbm>>) dst(%arg6 : memref<128x32xf32, #tpu.memory_space<vmem>>)
      %dma_wait3A_2453 = arith.constant 9 : i32
      %dma_wait3A_2454 = arith.constant 0 : i32
      %dma_wait3A_2455 = tpu.memref_slice %arg5[%dma_wait3A_2453, %dma_wait3A_2454] : memref<26x128xi32, #tpu.memory_space<vmem>> -> memref<1x128xi32, #tpu.memory_space<vmem>>
      %dma_wait3A_2456 = tpu.memref_squeeze %dma_wait3A_2455 : memref<1x128xi32, #tpu.memory_space<vmem>> -> memref<128xi32, #tpu.memory_space<vmem>>
      %dma_wait3A_2457 = arith.constant 0 : i32
      %dma_wait3A_2458 = arith.constant 0 : i32
      %dma_wait3A_2459 = tpu.memref_slice %arg3[%dma_wait3A_2457, %dma_wait3A_2458] : memref<2600000x32xf32, #tpu.memory_space<hbm>> -> memref<2600000x32xf32, #tpu.memory_space<hbm>>
      tpu.wait_indirect_dma semaphore(%arg7 : memref<!tpu.dma_semaphore, #tpu.memory_space<semaphore_mem>>) src(%dma_wait3A_2459 : memref<2600000x32xf32, #tpu.memory_space<hbm>>) dst(%arg6 : memref<128x32xf32, #tpu.memory_space<vmem>>)
      %dma_wait3A_2460 = arith.constant 10 : i32
      %dma_wait3A_2461 = arith.constant 0 : i32
      %dma_wait3A_2462 = tpu.memref_slice %arg5[%dma_wait3A_2460, %dma_wait3A_2461] : memref<26x128xi32, #tpu.memory_space<vmem>> -> memref<1x128xi32, #tpu.memory_space<vmem>>
      %dma_wait3A_2463 = tpu.memref_squeeze %dma_wait3A_2462 : memref<1x128xi32, #tpu.memory_space<vmem>> -> memref<128xi32, #tpu.memory_space<vmem>>
      %dma_wait3A_2464 = arith.constant 0 : i32
      %dma_wait3A_2465 = arith.constant 0 : i32
      %dma_wait3A_2466 = tpu.memref_slice %arg3[%dma_wait3A_2464, %dma_wait3A_2465] : memref<2600000x32xf32, #tpu.memory_space<hbm>> -> memref<2600000x32xf32, #tpu.memory_space<hbm>>
      tpu.wait_indirect_dma semaphore(%arg7 : memref<!tpu.dma_semaphore, #tpu.memory_space<semaphore_mem>>) src(%dma_wait3A_2466 : memref<2600000x32xf32, #tpu.memory_space<hbm>>) dst(%arg6 : memref<128x32xf32, #tpu.memory_space<vmem>>)
      %dma_wait3A_2467 = arith.constant 11 : i32
      %dma_wait3A_2468 = arith.constant 0 : i32
      %dma_wait3A_2469 = tpu.memref_slice %arg5[%dma_wait3A_2467, %dma_wait3A_2468] : memref<26x128xi32, #tpu.memory_space<vmem>> -> memref<1x128xi32, #tpu.memory_space<vmem>>
      %dma_wait3A_2470 = tpu.memref_squeeze %dma_wait3A_2469 : memref<1x128xi32, #tpu.memory_space<vmem>> -> memref<128xi32, #tpu.memory_space<vmem>>
      %dma_wait3A_2471 = arith.constant 0 : i32
      %dma_wait3A_2472 = arith.constant 0 : i32
      %dma_wait3A_2473 = tpu.memref_slice %arg3[%dma_wait3A_2471, %dma_wait3A_2472] : memref<2600000x32xf32, #tpu.memory_space<hbm>> -> memref<2600000x32xf32, #tpu.memory_space<hbm>>
      tpu.wait_indirect_dma semaphore(%arg7 : memref<!tpu.dma_semaphore, #tpu.memory_space<semaphore_mem>>) src(%dma_wait3A_2473 : memref<2600000x32xf32, #tpu.memory_space<hbm>>) dst(%arg6 : memref<128x32xf32, #tpu.memory_space<vmem>>)
      %dma_wait3A_2474 = arith.constant 12 : i32
      %dma_wait3A_2475 = arith.constant 0 : i32
      %dma_wait3A_2476 = tpu.memref_slice %arg5[%dma_wait3A_2474, %dma_wait3A_2475] : memref<26x128xi32, #tpu.memory_space<vmem>> -> memref<1x128xi32, #tpu.memory_space<vmem>>
      %dma_wait3A_2477 = tpu.memref_squeeze %dma_wait3A_2476 : memref<1x128xi32, #tpu.memory_space<vmem>> -> memref<128xi32, #tpu.memory_space<vmem>>
      %dma_wait3A_2478 = arith.constant 0 : i32
      %dma_wait3A_2479 = arith.constant 0 : i32
      %dma_wait3A_2480 = tpu.memref_slice %arg3[%dma_wait3A_2478, %dma_wait3A_2479] : memref<2600000x32xf32, #tpu.memory_space<hbm>> -> memref<2600000x32xf32, #tpu.memory_space<hbm>>
      tpu.wait_indirect_dma semaphore(%arg7 : memref<!tpu.dma_semaphore, #tpu.memory_space<semaphore_mem>>) src(%dma_wait3A_2480 : memref<2600000x32xf32, #tpu.memory_space<hbm>>) dst(%arg6 : memref<128x32xf32, #tpu.memory_space<vmem>>)
      %dma_wait3A_2481 = arith.constant 13 : i32
      %dma_wait3A_2482 = arith.constant 0 : i32
      %dma_wait3A_2483 = tpu.memref_slice %arg5[%dma_wait3A_2481, %dma_wait3A_2482] : memref<26x128xi32, #tpu.memory_space<vmem>> -> memref<1x128xi32, #tpu.memory_space<vmem>>
      %dma_wait3A_2484 = tpu.memref_squeeze %dma_wait3A_2483 : memref<1x128xi32, #tpu.memory_space<vmem>> -> memref<128xi32, #tpu.memory_space<vmem>>
      %dma_wait3A_2485 = arith.constant 0 : i32
      %dma_wait3A_2486 = arith.constant 0 : i32
      %dma_wait3A_2487 = tpu.memref_slice %arg3[%dma_wait3A_2485, %dma_wait3A_2486] : memref<2600000x32xf32, #tpu.memory_space<hbm>> -> memref<2600000x32xf32, #tpu.memory_space<hbm>>
      tpu.wait_indirect_dma semaphore(%arg7 : memref<!tpu.dma_semaphore, #tpu.memory_space<semaphore_mem>>) src(%dma_wait3A_2487 : memref<2600000x32xf32, #tpu.memory_space<hbm>>) dst(%arg6 : memref<128x32xf32, #tpu.memory_space<vmem>>)
      %dma_wait3A_2488 = arith.constant 14 : i32
      %dma_wait3A_2489 = arith.constant 0 : i32
      %dma_wait3A_2490 = tpu.memref_slice %arg5[%dma_wait3A_2488, %dma_wait3A_2489] : memref<26x128xi32, #tpu.memory_space<vmem>> -> memref<1x128xi32, #tpu.memory_space<vmem>>
      %dma_wait3A_2491 = tpu.memref_squeeze %dma_wait3A_2490 : memref<1x128xi32, #tpu.memory_space<vmem>> -> memref<128xi32, #tpu.memory_space<vmem>>
      %dma_wait3A_2492 = arith.constant 0 : i32
      %dma_wait3A_2493 = arith.constant 0 : i32
      %dma_wait3A_2494 = tpu.memref_slice %arg3[%dma_wait3A_2492, %dma_wait3A_2493] : memref<2600000x32xf32, #tpu.memory_space<hbm>> -> memref<2600000x32xf32, #tpu.memory_space<hbm>>
      tpu.wait_indirect_dma semaphore(%arg7 : memref<!tpu.dma_semaphore, #tpu.memory_space<semaphore_mem>>) src(%dma_wait3A_2494 : memref<2600000x32xf32, #tpu.memory_space<hbm>>) dst(%arg6 : memref<128x32xf32, #tpu.memory_space<vmem>>)
      %dma_wait3A_2495 = arith.constant 15 : i32
      %dma_wait3A_2496 = arith.constant 0 : i32
      %dma_wait3A_2497 = tpu.memref_slice %arg5[%dma_wait3A_2495, %dma_wait3A_2496] : memref<26x128xi32, #tpu.memory_space<vmem>> -> memref<1x128xi32, #tpu.memory_space<vmem>>
      %dma_wait3A_2498 = tpu.memref_squeeze %dma_wait3A_2497 : memref<1x128xi32, #tpu.memory_space<vmem>> -> memref<128xi32, #tpu.memory_space<vmem>>
      %dma_wait3A_2499 = arith.constant 0 : i32
      %dma_wait3A_2500 = arith.constant 0 : i32
      %dma_wait3A_2501 = tpu.memref_slice %arg3[%dma_wait3A_2499, %dma_wait3A_2500] : memref<2600000x32xf32, #tpu.memory_space<hbm>> -> memref<2600000x32xf32, #tpu.memory_space<hbm>>
      tpu.wait_indirect_dma semaphore(%arg7 : memref<!tpu.dma_semaphore, #tpu.memory_space<semaphore_mem>>) src(%dma_wait3A_2501 : memref<2600000x32xf32, #tpu.memory_space<hbm>>) dst(%arg6 : memref<128x32xf32, #tpu.memory_space<vmem>>)
      %dma_wait3A_2502 = arith.constant 16 : i32
      %dma_wait3A_2503 = arith.constant 0 : i32
      %dma_wait3A_2504 = tpu.memref_slice %arg5[%dma_wait3A_2502, %dma_wait3A_2503] : memref<26x128xi32, #tpu.memory_space<vmem>> -> memref<1x128xi32, #tpu.memory_space<vmem>>
      %dma_wait3A_2505 = tpu.memref_squeeze %dma_wait3A_2504 : memref<1x128xi32, #tpu.memory_space<vmem>> -> memref<128xi32, #tpu.memory_space<vmem>>
      %dma_wait3A_2506 = arith.constant 0 : i32
      %dma_wait3A_2507 = arith.constant 0 : i32
      %dma_wait3A_2508 = tpu.memref_slice %arg3[%dma_wait3A_2506, %dma_wait3A_2507] : memref<2600000x32xf32, #tpu.memory_space<hbm>> -> memref<2600000x32xf32, #tpu.memory_space<hbm>>
      tpu.wait_indirect_dma semaphore(%arg7 : memref<!tpu.dma_semaphore, #tpu.memory_space<semaphore_mem>>) src(%dma_wait3A_2508 : memref<2600000x32xf32, #tpu.memory_space<hbm>>) dst(%arg6 : memref<128x32xf32, #tpu.memory_space<vmem>>)
      %dma_wait3A_2509 = arith.constant 17 : i32
      %dma_wait3A_2510 = arith.constant 0 : i32
      %dma_wait3A_2511 = tpu.memref_slice %arg5[%dma_wait3A_2509, %dma_wait3A_2510] : memref<26x128xi32, #tpu.memory_space<vmem>> -> memref<1x128xi32, #tpu.memory_space<vmem>>
      %dma_wait3A_2512 = tpu.memref_squeeze %dma_wait3A_2511 : memref<1x128xi32, #tpu.memory_space<vmem>> -> memref<128xi32, #tpu.memory_space<vmem>>
      %dma_wait3A_2513 = arith.constant 0 : i32
      %dma_wait3A_2514 = arith.constant 0 : i32
      %dma_wait3A_2515 = tpu.memref_slice %arg3[%dma_wait3A_2513, %dma_wait3A_2514] : memref<2600000x32xf32, #tpu.memory_space<hbm>> -> memref<2600000x32xf32, #tpu.memory_space<hbm>>
      tpu.wait_indirect_dma semaphore(%arg7 : memref<!tpu.dma_semaphore, #tpu.memory_space<semaphore_mem>>) src(%dma_wait3A_2515 : memref<2600000x32xf32, #tpu.memory_space<hbm>>) dst(%arg6 : memref<128x32xf32, #tpu.memory_space<vmem>>)
      %dma_wait3A_2516 = arith.constant 18 : i32
      %dma_wait3A_2517 = arith.constant 0 : i32
      %dma_wait3A_2518 = tpu.memref_slice %arg5[%dma_wait3A_2516, %dma_wait3A_2517] : memref<26x128xi32, #tpu.memory_space<vmem>> -> memref<1x128xi32, #tpu.memory_space<vmem>>
      %dma_wait3A_2519 = tpu.memref_squeeze %dma_wait3A_2518 : memref<1x128xi32, #tpu.memory_space<vmem>> -> memref<128xi32, #tpu.memory_space<vmem>>
      %dma_wait3A_2520 = arith.constant 0 : i32
      %dma_wait3A_2521 = arith.constant 0 : i32
      %dma_wait3A_2522 = tpu.memref_slice %arg3[%dma_wait3A_2520, %dma_wait3A_2521] : memref<2600000x32xf32, #tpu.memory_space<hbm>> -> memref<2600000x32xf32, #tpu.memory_space<hbm>>
      tpu.wait_indirect_dma semaphore(%arg7 : memref<!tpu.dma_semaphore, #tpu.memory_space<semaphore_mem>>) src(%dma_wait3A_2522 : memref<2600000x32xf32, #tpu.memory_space<hbm>>) dst(%arg6 : memref<128x32xf32, #tpu.memory_space<vmem>>)
      %dma_wait3A_2523 = arith.constant 19 : i32
      %dma_wait3A_2524 = arith.constant 0 : i32
      %dma_wait3A_2525 = tpu.memref_slice %arg5[%dma_wait3A_2523, %dma_wait3A_2524] : memref<26x128xi32, #tpu.memory_space<vmem>> -> memref<1x128xi32, #tpu.memory_space<vmem>>
      %dma_wait3A_2526 = tpu.memref_squeeze %dma_wait3A_2525 : memref<1x128xi32, #tpu.memory_space<vmem>> -> memref<128xi32, #tpu.memory_space<vmem>>
      %dma_wait3A_2527 = arith.constant 0 : i32
      %dma_wait3A_2528 = arith.constant 0 : i32
      %dma_wait3A_2529 = tpu.memref_slice %arg3[%dma_wait3A_2527, %dma_wait3A_2528] : memref<2600000x32xf32, #tpu.memory_space<hbm>> -> memref<2600000x32xf32, #tpu.memory_space<hbm>>
      tpu.wait_indirect_dma semaphore(%arg7 : memref<!tpu.dma_semaphore, #tpu.memory_space<semaphore_mem>>) src(%dma_wait3A_2529 : memref<2600000x32xf32, #tpu.memory_space<hbm>>) dst(%arg6 : memref<128x32xf32, #tpu.memory_space<vmem>>)
      %dma_wait3A_2530 = arith.constant 20 : i32
      %dma_wait3A_2531 = arith.constant 0 : i32
      %dma_wait3A_2532 = tpu.memref_slice %arg5[%dma_wait3A_2530, %dma_wait3A_2531] : memref<26x128xi32, #tpu.memory_space<vmem>> -> memref<1x128xi32, #tpu.memory_space<vmem>>
      %dma_wait3A_2533 = tpu.memref_squeeze %dma_wait3A_2532 : memref<1x128xi32, #tpu.memory_space<vmem>> -> memref<128xi32, #tpu.memory_space<vmem>>
      %dma_wait3A_2534 = arith.constant 0 : i32
      %dma_wait3A_2535 = arith.constant 0 : i32
      %dma_wait3A_2536 = tpu.memref_slice %arg3[%dma_wait3A_2534, %dma_wait3A_2535] : memref<2600000x32xf32, #tpu.memory_space<hbm>> -> memref<2600000x32xf32, #tpu.memory_space<hbm>>
      tpu.wait_indirect_dma semaphore(%arg7 : memref<!tpu.dma_semaphore, #tpu.memory_space<semaphore_mem>>) src(%dma_wait3A_2536 : memref<2600000x32xf32, #tpu.memory_space<hbm>>) dst(%arg6 : memref<128x32xf32, #tpu.memory_space<vmem>>)
      %dma_wait3A_2537 = arith.constant 21 : i32
      %dma_wait3A_2538 = arith.constant 0 : i32
      %dma_wait3A_2539 = tpu.memref_slice %arg5[%dma_wait3A_2537, %dma_wait3A_2538] : memref<26x128xi32, #tpu.memory_space<vmem>> -> memref<1x128xi32, #tpu.memory_space<vmem>>
      %dma_wait3A_2540 = tpu.memref_squeeze %dma_wait3A_2539 : memref<1x128xi32, #tpu.memory_space<vmem>> -> memref<128xi32, #tpu.memory_space<vmem>>
      %dma_wait3A_2541 = arith.constant 0 : i32
      %dma_wait3A_2542 = arith.constant 0 : i32
      %dma_wait3A_2543 = tpu.memref_slice %arg3[%dma_wait3A_2541, %dma_wait3A_2542] : memref<2600000x32xf32, #tpu.memory_space<hbm>> -> memref<2600000x32xf32, #tpu.memory_space<hbm>>
      tpu.wait_indirect_dma semaphore(%arg7 : memref<!tpu.dma_semaphore, #tpu.memory_space<semaphore_mem>>) src(%dma_wait3A_2543 : memref<2600000x32xf32, #tpu.memory_space<hbm>>) dst(%arg6 : memref<128x32xf32, #tpu.memory_space<vmem>>)
      %dma_wait3A_2544 = arith.constant 22 : i32
      %dma_wait3A_2545 = arith.constant 0 : i32
      %dma_wait3A_2546 = tpu.memref_slice %arg5[%dma_wait3A_2544, %dma_wait3A_2545] : memref<26x128xi32, #tpu.memory_space<vmem>> -> memref<1x128xi32, #tpu.memory_space<vmem>>
      %dma_wait3A_2547 = tpu.memref_squeeze %dma_wait3A_2546 : memref<1x128xi32, #tpu.memory_space<vmem>> -> memref<128xi32, #tpu.memory_space<vmem>>
      %dma_wait3A_2548 = arith.constant 0 : i32
      %dma_wait3A_2549 = arith.constant 0 : i32
      %dma_wait3A_2550 = tpu.memref_slice %arg3[%dma_wait3A_2548, %dma_wait3A_2549] : memref<2600000x32xf32, #tpu.memory_space<hbm>> -> memref<2600000x32xf32, #tpu.memory_space<hbm>>
      tpu.wait_indirect_dma semaphore(%arg7 : memref<!tpu.dma_semaphore, #tpu.memory_space<semaphore_mem>>) src(%dma_wait3A_2550 : memref<2600000x32xf32, #tpu.memory_space<hbm>>) dst(%arg6 : memref<128x32xf32, #tpu.memory_space<vmem>>)
      %dma_wait3A_2551 = arith.constant 23 : i32
      %dma_wait3A_2552 = arith.constant 0 : i32
      %dma_wait3A_2553 = tpu.memref_slice %arg5[%dma_wait3A_2551, %dma_wait3A_2552] : memref<26x128xi32, #tpu.memory_space<vmem>> -> memref<1x128xi32, #tpu.memory_space<vmem>>
      %dma_wait3A_2554 = tpu.memref_squeeze %dma_wait3A_2553 : memref<1x128xi32, #tpu.memory_space<vmem>> -> memref<128xi32, #tpu.memory_space<vmem>>
      %dma_wait3A_2555 = arith.constant 0 : i32
      %dma_wait3A_2556 = arith.constant 0 : i32
      %dma_wait3A_2557 = tpu.memref_slice %arg3[%dma_wait3A_2555, %dma_wait3A_2556] : memref<2600000x32xf32, #tpu.memory_space<hbm>> -> memref<2600000x32xf32, #tpu.memory_space<hbm>>
      tpu.wait_indirect_dma semaphore(%arg7 : memref<!tpu.dma_semaphore, #tpu.memory_space<semaphore_mem>>) src(%dma_wait3A_2557 : memref<2600000x32xf32, #tpu.memory_space<hbm>>) dst(%arg6 : memref<128x32xf32, #tpu.memory_space<vmem>>)
      %dma_wait3A_2558 = arith.constant 24 : i32
      %dma_wait3A_2559 = arith.constant 0 : i32
      %dma_wait3A_2560 = tpu.memref_slice %arg5[%dma_wait3A_2558, %dma_wait3A_2559] : memref<26x128xi32, #tpu.memory_space<vmem>> -> memref<1x128xi32, #tpu.memory_space<vmem>>
      %dma_wait3A_2561 = tpu.memref_squeeze %dma_wait3A_2560 : memref<1x128xi32, #tpu.memory_space<vmem>> -> memref<128xi32, #tpu.memory_space<vmem>>
      %dma_wait3A_2562 = arith.constant 0 : i32
      %dma_wait3A_2563 = arith.constant 0 : i32
      %dma_wait3A_2564 = tpu.memref_slice %arg3[%dma_wait3A_2562, %dma_wait3A_2563] : memref<2600000x32xf32, #tpu.memory_space<hbm>> -> memref<2600000x32xf32, #tpu.memory_space<hbm>>
      tpu.wait_indirect_dma semaphore(%arg7 : memref<!tpu.dma_semaphore, #tpu.memory_space<semaphore_mem>>) src(%dma_wait3A_2564 : memref<2600000x32xf32, #tpu.memory_space<hbm>>) dst(%arg6 : memref<128x32xf32, #tpu.memory_space<vmem>>)
      %dma_wait3A_2565 = arith.constant 25 : i32
      %dma_wait3A_2566 = arith.constant 0 : i32
      %dma_wait3A_2567 = tpu.memref_slice %arg5[%dma_wait3A_2565, %dma_wait3A_2566] : memref<26x128xi32, #tpu.memory_space<vmem>> -> memref<1x128xi32, #tpu.memory_space<vmem>>
      %dma_wait3A_2568 = tpu.memref_squeeze %dma_wait3A_2567 : memref<1x128xi32, #tpu.memory_space<vmem>> -> memref<128xi32, #tpu.memory_space<vmem>>
      %dma_wait3A_2569 = arith.constant 0 : i32
      %dma_wait3A_2570 = arith.constant 0 : i32
      %dma_wait3A_2571 = tpu.memref_slice %arg3[%dma_wait3A_2569, %dma_wait3A_2570] : memref<2600000x32xf32, #tpu.memory_space<hbm>> -> memref<2600000x32xf32, #tpu.memory_space<hbm>>
      tpu.wait_indirect_dma semaphore(%arg7 : memref<!tpu.dma_semaphore, #tpu.memory_space<semaphore_mem>>) src(%dma_wait3A_2571 : memref<2600000x32xf32, #tpu.memory_space<hbm>>) dst(%arg6 : memref<128x32xf32, #tpu.memory_space<vmem>>)
      "tpu.region"() ({
        %run_scoped3A = tpu.sem_alloc : memref<!tpu.dma_semaphore, #tpu.memory_space<semaphore_mem>>
        %dma_start3A_2572 = arith.constant 0 : i32
        %dma_start3A_2573 = tpu.memref_slice %arg4[%add3A_11, %dma_start3A_2572] : memref<16384x32xf32, #tpu.memory_space<hbm>> -> memref<128x32xf32, #tpu.memory_space<hbm>>
        %dma_start3A_2574 = arith.constant 0 : i32
        %dma_start3A_2575 = tpu.memref_slice %arg4[%add3A_11, %dma_start3A_2574] : memref<16384x32xf32, #tpu.memory_space<hbm>> -> memref<128x32xf32, #tpu.memory_space<hbm>>
        tpu.enqueue_dma source(%arg6 : memref<128x32xf32, #tpu.memory_space<vmem>>) target(%dma_start3A_2575 : memref<128x32xf32, #tpu.memory_space<hbm>>) target_semaphore(%run_scoped3A : memref<!tpu.dma_semaphore, #tpu.memory_space<semaphore_mem>>)
        %dma_wait3A_2576 = arith.constant 0 : i32
        %dma_wait3A_2577 = tpu.memref_slice %arg4[%add3A_11, %dma_wait3A_2576] : memref<16384x32xf32, #tpu.memory_space<hbm>> -> memref<128x32xf32, #tpu.memory_space<hbm>>
        %dma_wait3A_2578 = arith.constant 0 : i32
        %dma_wait3A_2579 = tpu.memref_slice %arg4[%add3A_11, %dma_wait3A_2578] : memref<16384x32xf32, #tpu.memory_space<hbm>> -> memref<128x32xf32, #tpu.memory_space<hbm>>
        tpu.wait_dma2 semaphore(%run_scoped3A : memref<!tpu.dma_semaphore, #tpu.memory_space<semaphore_mem>>) src(%arg6 : memref<128x32xf32, #tpu.memory_space<vmem>>) dst(%dma_wait3A_2579 : memref<128x32xf32, #tpu.memory_space<hbm>>)
        tpu.yield
      }) : () -> ()
    }
    %scan3A_7 = arith.constant 4 : i32
    return
  }
}

</mosaic_0001>

<sc_bundles>
// kernel: kernel.3.cloned.1.call-start
scs
__scs_entry_jumppad:
0x0: {  	(pc) =	sbr.rel $0x88, $3  }
0x1: {  	(tag) =	ssettag $0x0;
	lr =	simm.s32 $0x1  }
0x2: {  	[smem:$0x3F9F] =	sst lr;
	_ =	strace $0xD0000000  }
0x3: {  	_ = 	snop  }
0x4: {  	_ = 	snop  }
0x5: {  	_ = 	snop  }
0x6: {  	_ = 	snop  }
0x7: {  	_ = 	snop  }
__scs_overlays_trampoline_lowered:
0x8: {  	[smem:$0x3FAE] =	sst s0  }
0x9: {  	[smem:$0x3FAF] =	sst s1  }
0xa: {  	[smem:$0x3FB0] =	sst s2  }
0xb: {  	[smem:$0x3FB1] =	sst s3  }
0xc: {  	[smem:$0x3FB2] =	sst s4  }
0xd: {  	[smem:$0x3FB3] =	sst s5  }
0xe: {  	[smem:$0x3FB4] =	sst s6  }
0xf: {  	[smem:$0x3FB5] =	sst s7  }
0x10: {  	[smem:$0x3FB6] =	sst s8  }
0x11: {  	[smem:$0x3FB7] =	sst s9;
	s0 =	simm.s32 @!p0 $0x0  }
0x12: {  	s1 =	sld [smem:$0x3F9D];
	s0 =	simm.s32 @p0 $0x1  }
0x13: {  	[smem:$0x3FB8] =	sst s0;
	s0 =	simm.s32 @!p1 $0x0  }
0x14: {  	s2 =	sld [smem:$0x3F9C];
	s0 =	simm.s32 @p1 $0x1  }
0x15: {  	[smem:$0x3FB9] =	sst s0;
	s0 =	simm.s32 @!p2 $0x0  }
0x16: {  	s3 =	sld [smem:$0x3FDB];
	s0 =	simm.s32 @p2 $0x1  }
0x17: {  	s4 =	simm.s32 $0x1BF5;
	[smem:$0x3FBB] =	sst s0  }
0x18: {  	s0 =	sld [smem:$0x3F9E];
	_ =	swait.ge [sflag:s4], $0x0  }
0x19: {  	s7 =	sld [smem:$0x3F9F]  }
0x1a: {  	s8 =	sadd.s32 $0xFFFFE003, lr  }
0x1b: {  	s9 =	sadd.s32 $0xFFFFFEF7, lr;
	s5 =	simm.s32 $0xFFFFFFFF;
	p2 =	slt.u32 s8, $0xFFFFF086  }
0x1c: {  	p1 =	slt.u32 s9, $0xF7A;
	s5 =	simm.s32 @!p2 $0x0  }
0x1d: {  	s5 =	simm.s32 @p1 $0x1;
	p0 =	seq.s32 s7, s2  }
0x1e: {  	s7 =	smul.u32 @!p0 $0xF7A, s2;
	p2 =	seq.s32 @!p0 s5, $0x0  }
0x1f: {  	s9 =	smul.u32 $0xF7A, s1;
	s8 =	simm.s32 @!p0 $0x1BF5;
	p2 =	por !p2, p0  }
0x20: {  	[sflag:s8] =	ssyncset.s32 @!p0 $0xFFFFF086;
	s6 =	sadd.s32 @!p0 s3, s7;
	s7 =	simm.s32 @!p0 $0x108  }
0x21: {  	s3 =	sadd.s32 s3, s9;
	s6 =	sadd.s32 @!p0 $0x88, s6;
	s7 =	simm.s32 @p2 $0x1082  }
0x22: {  	[simem:s7], [sflag:s8] =	dma.local @!p0 [hbm:s6], $0xF7A  }
0x23: {  	s9 =	sor.u32 $0xD0000000, s2;
	s6 =	simm.s32 $0x108;
	_ =	swait.ge @!p0 [sflag:s8], $0x0  }
0x24: {  	s3 =	sadd.s32 $0x88, s3;
	s6 =	simm.s32 @!p1 $0x1082;
	[sflag:s4] =	ssyncset.s32 $0xFFFFF086  }
0x25: {  	[simem:s6], [sflag:s4] =	dma.local [hbm:s3], $0xF7A  }
0x26: {  	[smem:$0x3F9F] =	sst s1;
	(tag) =	ssettag s2;
	_ =	strace s9  }
0x27: {  	s1 =	sld [smem:$0x3FAF]  }
0x28: {  	s2 =	sld [smem:$0x3FB0]  }
0x29: {  	s4 =	sld [smem:$0x3FB2]  }
0x2a: {  	p0 =	seq.s32 s5, $0x0;
	s5 =	sld [smem:$0x3FB3]  }
0x2b: {  	s6 =	sld [smem:$0x3FB4]  }
0x2c: {  	s7 =	sld [smem:$0x3FB5]  }
0x2d: {  	s3 =	simm.s32 $0x108;
	s8 =	sld [smem:$0x3FB6]  }
0x2e: {  	s3 =	simm.s32 @!p0 $0x1082;
	s9 =	sld [smem:$0x3FB7]  }
0x2f: {  	lr =	sadd.s32 s0, s3;
	s0 =	sld [smem:$0x3FAE]  }
0x30: {  	s3 =	sld [smem:$0x3FB1]  }
0x31: {  	[smem:$0x3FBA] =	sst s10  }
0x32: {  	s10 =	sld [smem:$0x3FB8];
	_ =	sdelay $0x3  }
0x33: {  	p0 =	seq.s32 s10, $0x1;
	s10 =	sld [smem:$0x3FBA];
	_ =	sdelay $0x3  }
0x34: {  	[smem:$0x3FBA] =	sst s10  }
0x35: {  	s10 =	sld [smem:$0x3FB9];
	_ =	sdelay $0x3  }
0x36: {  	p1 =	seq.s32 s10, $0x1;
	s10 =	sld [smem:$0x3FBA];
	_ =	sdelay $0x3  }
0x37: {  	[smem:$0x3FBA] =	sst s10  }
0x38: {  	s10 =	sld [smem:$0x3FBB]  }
0x39: {  	_ = 	snop;
	(pc) =	sbr.ind lr, $3  }
0x3a: {  	_ = 	snop  }
0x3b: {  	_ = 	snop  }
0x3c: {  	p2 =	seq.s32 s10, $0x1;
	s10 =	sld [smem:$0x3FBA]  }
0x3d: {  	_ =	shalt  }
0x3e: {  	_ =	shalt  }
0x3f: {  	_ =	shalt  }
0x40: {  	_ =	shalt  }
0x41: {  	_ =	shalt  }
0x42: {  	_ =	shalt  }
0x43: {  	_ =	shalt  }
0x44: {  	_ =	shalt  }
0x45: {  	_ =	shalt  }
0x46: {  	_ =	shalt  }
0x47: {  	_ =	shalt  }
0x48: {  	_ =	shalt  }
0x49: {  	_ =	shalt  }
0x4a: {  	_ =	shalt  }
0x4b: {  	_ =	shalt  }
0x4c: {  	_ =	shalt  }
0x4d: {  	_ =	shalt  }
0x4e: {  	_ =	shalt  }
0x4f: {  	_ =	shalt  }
0x50: {  	_ =	shalt  }
0x51: {  	_ =	shalt  }
0x52: {  	_ =	shalt  }
0x53: {  	_ =	shalt  }
0x54: {  	_ =	shalt  }
0x55: {  	_ =	shalt  }
0x56: {  	_ =	shalt  }
0x57: {  	_ =	shalt  }
0x58: {  	_ =	shalt  }
0x59: {  	_ =	shalt  }
0x5a: {  	_ =	shalt  }
0x5b: {  	_ =	shalt  }
0x5c: {  	_ =	shalt  }
0x5d: {  	_ =	shalt  }
0x5e: {  	_ =	shalt  }
0x5f: {  	_ =	shalt  }
0x60: {  	_ =	shalt  }
0x61: {  	_ =	shalt  }
0x62: {  	_ =	shalt  }
0x63: {  	_ =	shalt  }
0x64: {  	_ =	shalt  }
0x65: {  	_ =	shalt  }
0x66: {  	_ =	shalt  }
0x67: {  	_ =	shalt  }
0x68: {  	_ =	shalt  }
0x69: {  	_ =	shalt  }
0x6a: {  	_ =	shalt  }
0x6b: {  	_ =	shalt  }
0x6c: {  	_ =	shalt  }
0x6d: {  	_ =	shalt  }
0x6e: {  	_ =	shalt  }
0x6f: {  	_ =	shalt  }
0x70: {  	_ =	shalt  }
0x71: {  	_ =	shalt  }
0x72: {  	_ =	shalt  }
0x73: {  	_ =	shalt  }
0x74: {  	_ =	shalt  }
0x75: {  	_ =	shalt  }
0x76: {  	_ =	shalt  }
0x77: {  	_ =	shalt  }
0x78: {  	_ =	shalt  }
0x79: {  	_ =	shalt  }
0x7a: {  	_ =	shalt  }
0x7b: {  	_ =	shalt  }
0x7c: {  	_ =	shalt  }
0x7d: {  	_ =	shalt  }
0x7e: {  	_ =	shalt  }
0x7f: {  	_ =	shalt  }
0x80: {  	_ =	shalt  }
0x81: {  	_ =	shalt  }
0x82: {  	_ =	shalt  }
0x83: {  	_ =	shalt  }
0x84: {  	_ =	shalt  }
0x85: {  	_ =	shalt  }
0x86: {  	_ =	shalt  }
0x87: {  	_ =	shalt  }
.Lfunc_end0:
.L_simem_size_0:
called_computation_lowered:
.L_overlay_start_0:
0x88: {  	s2 =	sld [smem:$0x3FD9]  }
0x89: {  	s3 =	sld [smem:$0x3FFE];
	_ =	sdelay $0x1  }
0x8a: {  	s1 =	srdreg.scid  }
0x8b: {  	s0 =	sand.u32 $0x1, s1  }
0x8c: {  	s17 =	sshll.u32 s0, $0xA;
	s2 =	sadd.s32 s3, s2  }
0x8d: {  	s2 =	sadd.s32 s2, s17  }
0x8e: {  	[smem:$0x3FC6] =	sst s2  }
0x8f: {  	_ = 	snop  }
0x90: {  	s2 =	sld [smem:$0x3FD0];
	(tm) =	ssettm $0x1  }
0x91: {  	s18 =	sld [smem:$0x3FFB];
	_ =	sdelay $0x3  }
0x92: {  	_ =	strace s18  }
0x93: {  	s3 =	sld [smem:$0x3FFC];
	_ =	sdelay $0x3  }
0x94: {  	_ =	strace s3  }
0x95: {  	s3 =	sld [smem:$0x3FFD];
	_ =	sdelay $0x3  }
0x96: {  	_ =	strace s3  }
0x97: {  	_ =	strace $0x8FFFFFFF  }
0x98: {  	s19 =	sld [smem:$0x3FDB];
	_ =	sdelay $0x1  }
0x99: {  	s4 =	simm.s32 $_scs_section_size  }
0x9a: {  	s5 =	simm.s32 $_size__tile_overlayer_lowered;
	s6 =	simm.s32 $_tile_overlayer_lowered  }
0x9b: {  	s22 =	simm.s32 $0x1BFF;
	s21 =	sshll.u32 s6, $0x1;
	s3 =	sadd.s32 s4, s19  }
0x9c: {  	s7 =	simm.s32 $0x0;
	s20 =	sshll.u32 s5, $0x1;
	s5 =	sadd.s32 s21, s3  }
0x9d: {  	[timem:s7], [sflag:s22] =	dma.local [hbm:s5], s20  }
0x9e: {  	_ =	swait.ge [sflag:s22], s20  }
0x9f: {  	s4 =	ssub.s32 $0x0, s20;
	[sflag:s22] =	ssyncset.done $0x0  }
0xa0: {  	[sflag:s22] =	ssyncadd.s32 s4;
	_ =	sdelay $0x1  }
0xa1: {  	s23 =	simm.s32 $0x1B8B  }
0xa2: {  	_ =	swait.ge [sflag:s23], $0x1  }
0xa3: {  	[sflag:s23] =	ssyncset.done $0x0  }
0xa4: {  	s25 =	simm.s32 $0x1B8E;
	s24 =	sld [smem:$0x3FFE];
	[sflag:s23] =	ssyncadd.s32 $0xFFFFFFFF  }
0xa5: {  	s26 =	simm.s32 $execute0_lowered;
	[smem:$0x3FD2] =	sst s25  }
0xa6: {  	s5 =	sshll.u32 s26, $0x1;
	_ =	strace $0x80000046;
	[dreg:$0x1] =	wrdreg $0xFFFFFFFF  }
0xa7: {  	s28 =	simm.s32 $_size_execute0_lowered;
	s3 =	sadd.s32 s3, s5;
	[dreg:$0x0] =	wrdreg $0x0  }
0xa8: {  	s5 =	sshll.u32 s28, $0x1;
	[dreg:$0x2] =	wrdreg s3  }
0xa9: {  	[dreg:$0x3] =	wrdreg s5  }
0xaa: {  	[dreg:$0x4] =	wrdreg $0xC0  }
0xab: {  	_ =	task [dreg:s7], $0x5FFFF  }
0xac: {  	[dreg:$0x1] =	wrdreg $0xFFFFFFFF  }
0xad: {  	[dreg:$0x0] =	wrdreg $0x60  }
0xae: {  	[dreg:$0x2] =	wrdreg s24  }
0xaf: {  	[dreg:$0x3] =	wrdreg s2  }
0xb0: {  	[dreg:$0x4] =	wrdreg $0x9  }
0xb1: {  	_ =	task.clear_ibuf [dreg:s7], $0x5FFFF;
	_ =	strace $0x90000046  }
0xb2: {  	s29 =	simm.s32 $0x9;
	_ =	strace $0x80000048  }
0xb3: {  	_ =	swait.ge [sflag:s29], $0x1  }
0xb4: {  	[sflag:s29] =	ssyncadd.s32 $0xFFFFFFFF  }
0xb5: {  	_ =	strace $0x90000048  }
0xb6: {  	_ =	sfence  }
0xb7: {  	s30 =	sld [smem:$0x0];
	_ =	sdelay $0x2  }
0xb8: {  	s31 =	sshll.u32 s1, $0xD;
	s1 =	sshrl.u32 s1, $0x2  }
0xb9: {  	s3 =	sand.u32 $0x4000, s31;
	s1 =	sadd.s32 s1, s30  }
0xba: {  	s0 =	sor.u32 s3, s0;
	s1 =	sshll.u32 s1, $0x11  }
0xbb: {  	s0 =	sor.u32 s1, s0  }
0xbc: {  	s0 =	sadd.s32 $0x8F2B, s0  }
0xbd: {  	[sflag:s0] =	ssyncadd.remote.s32 $0x1  }
0xbe: {  	_ =	sfence.sel $0xFFFF  }
0xbf: {  	[dreg:$0x0] =	wrdreg $0xFFFFFFFF;
	(pc) =	sbr.abs _section_cstart, $3  }
0xc0: {  	[dreg:$0x1] =	wrdreg $0xFFFFFFFF  }
0xc1: {  	_ =	task.clear_ibuf [dreg:s7], $0x2FFFF;
	_ =	strace $0x9FFFFFFF  }
0xc2: {  	(tm) =	ssettm $0x7FFFFFFF  }
0xc3: {  	_ =	shalt  }
tec
execute0_lowered:
.L_overlay_start_1:
0x0: {  	(tag) =	ssettag $0x1  }
0x1: {  	s0 =	rddreg [dreg:$0x0]  }
0x2: {  	s1 =	rddreg [dreg:$0x1]  }
0x3: {  	s2 =	srdreg.scid;
	s8 =	stileid.u32  }
0x4: {  	s22 =	simm.s32 $0x4000;
	s23 =	simm.s32 $0x100;
	s24 =	simm.s32 $0x180  }
0x5: {  	s25 =	simm.s32 $0x200;
	s26 =	simm.s32 $0x280;
	s9 =	simm.s32 $0x1  }
0x6: {  	s10 =	simm.s32 $0x300;
	s11 =	simm.s32 $0x380;
	s12 =	simm.s32 $0x400  }
0x7: {  	s13 =	simm.s32 $0x480;
	s14 =	simm.s32 $0x500;
	s15 =	simm.s32 $0x580  }
0x8: {  	s16 =	simm.s32 $0x600;
	s17 =	simm.s32 $0x680;
	s28 =	simm.s32 $0xB80  }
0x9: {  	s29 =	simm.s32 $0xC00;
	s5 =	sand.u32 $0x1, s2;
	s2 =	simm.s32 $0x0  }
0xa: {  	s30 =	simm.s32 $0xC80;
	s31 =	simm.s32 $0x0;
	[smem:$0x7FF] =	sst s2  }
0xb: {  	s3 =	sshll.u32 s8, $0xA;
	_ =	strace $0x80000047;
	[dreg:$0x4] =	wrdreg s22  }
0xc: {  	s20 =	sshll.u32 s8, $0xC;
	s8 =	simm.s32 $0xD00;
	[dreg:$0x5] =	wrdreg s23  }
0xd: {  	s4 =	sshll.u32 s5, $0x9;
	s18 =	ssub.s32 $0x2, s5;
	[dreg:$0x6] =	wrdreg s24  }
0xe: {  	s5 =	sshll.u32 s5, $0xB;
	s3 =	sor.u32 s4, s3;
	[dreg:$0x7] =	wrdreg s25  }
0xf: {  	s6 =	sshrl.u32 s18, $0x1;
	[dreg:$0x8] =	wrdreg s26;
	s22 =	simm.s32 $0x900  }
0x10: {  	s23 =	simm.s32 $0x980;
	s24 =	simm.s32 $0xA00;
	s25 =	simm.s32 $0xA80  }
0x11: {  	s26 =	simm.s32 $0xB00;
	s3 =	sshrl.u32 s3, $0x3;
	s19 =	ssub.s32 s18, s6  }
0x12: {  	s6 =	simm.s32 $0x80;
	s18 =	simm.s32 $0x700;
	s7 =	sadd.s32 s3, s0  }
0x13: {  	s3 =	sadd.s32 $0x27ACA00, s0;
	s0 =	smax.u32 s19, $0x1;
	s19 =	simm.s32 $0x780  }
0x14: {  	[dreg:$0x9] =	wrdreg s0;
	s21 =	sadd.s32 $0x600, s7;
	s0 =	sadd.s32 s20, s1  }
0x15: {  	s7 =	simm.s32 $0x2;
	[dreg:$0x3] =	wrdreg s21;
	s0 =	sadd.s32 s5, s0  }
0x16: {  	s20 =	simm.s32 $0x800;
	s21 =	simm.s32 $0x880;
	[dreg:$0xa] =	wrdreg s0  }
.LBB2_1:
0x17: {  	s5 =	rddreg [dreg:$0xa];
	s1 =	simm.s32 $0x0  }
.LBB2_2:
0x18: {  	s4 =	rddreg [dreg:$0x3]  }
0x19: {  	s0 =	rddreg [dreg:$0x4];
	s4 =	sadd.s32 s1, s4  }
0x1a: {  	[tilespmem:s2], [sflag:$0x2] =	stream.strided.gather [hbm4b:s4+s6], $0xD00, s0, s6, $0x38;
	[tilespmem:$0x1D00] =	vst v63  }
0x1b: {  	_ =	swait.ge [sflag:s7], $0xD00  }
0x1c: {  	[sflag:s7] =	ssyncset.done $0x0  }
0x1d: {  	[sflag:s7] =	ssyncadd.s32 $0xFFFFF300  }
0x1e: {  	v0 =	vld [tilespmem:$0x80]  }
0x1f: {  	v1 =	vld [tilespmem:$0x90]  }
0x20: {  	v2 =	vld [tilespmem:$0xA0]  }
0x21: {  	v3 =	vld [tilespmem:$0xB0]  }
0x22: {  	v4 =	vld [tilespmem:$0xC0]  }
0x23: {  	v5 =	vld [tilespmem:$0xD0];
	v0 =	vadd.s32 $0x186A0, v0  }
0x24: {  	v9 =	vld [tilespmem:$0xE0];
	v8 =	vadd.s32 $0x186A0, v1;
	[tilespmem:$0x80] =	vst v0  }
0x25: {  	v11 =	vld [tilespmem:$0xF0];
	v10 =	vadd.s32 $0x186A0, v2;
	[tilespmem:$0x90] =	vst v8  }
0x26: {  	v13 =	vld [tilespmem:$0x100];
	v12 =	vadd.s32 $0x186A0, v3;
	[tilespmem:$0xA0] =	vst v10  }
0x27: {  	v15 =	vld [tilespmem:$0x110];
	v14 =	vadd.s32 $0x186A0, v4;
	[tilespmem:$0xB0] =	vst v12  }
0x28: {  	v17 =	vld [tilespmem:$0x120];
	v16 =	vadd.s32 $0x186A0, v5;
	[tilespmem:$0xC0] =	vst v14  }
0x29: {  	v19 =	vld [tilespmem:$0x130];
	v18 =	vadd.s32 $0x186A0, v9;
	[tilespmem:$0xD0] =	vst v16  }
0x2a: {  	v21 =	vld [tilespmem:$0x140];
	v20 =	vadd.s32 $0x186A0, v11;
	[tilespmem:$0xE0] =	vst v18  }
0x2b: {  	v23 =	vld [tilespmem:$0x150];
	v22 =	vadd.s32 $0x30D40, v13;
	[tilespmem:$0xF0] =	vst v20  }
0x2c: {  	v25 =	vld [tilespmem:$0x160];
	v24 =	vadd.s32 $0x30D40, v15;
	[tilespmem:$0x100] =	vst v22  }
0x2d: {  	v27 =	vld [tilespmem:$0x170];
	v26 =	vadd.s32 $0x30D40, v17;
	[tilespmem:$0x110] =	vst v24  }
0x2e: {  	v29 =	vld [tilespmem:$0x180];
	v28 =	vadd.s32 $0x30D40, v19;
	[tilespmem:$0x120] =	vst v26  }
0x2f: {  	v31 =	vld [tilespmem:$0x190];
	v30 =	vadd.s32 $0x30D40, v21;
	[tilespmem:$0x130] =	vst v28  }
0x30: {  	v33 =	vld [tilespmem:$0x1A0];
	v32 =	vadd.s32 $0x30D40, v23;
	[tilespmem:$0x140] =	vst v30  }
0x31: {  	v35 =	vld [tilespmem:$0x1B0];
	v34 =	vadd.s32 $0x30D40, v25;
	[tilespmem:$0x150] =	vst v32  }
0x32: {  	v37 =	vld [tilespmem:$0x1C0];
	v36 =	vadd.s32 $0x30D40, v27;
	[tilespmem:$0x160] =	vst v34  }
0x33: {  	v39 =	vld [tilespmem:$0x1D0];
	v38 =	vadd.s32 $0x493E0, v29;
	[tilespmem:$0x170] =	vst v36  }
0x34: {  	v41 =	vld [tilespmem:$0x1E0];
	v40 =	vadd.s32 $0x493E0, v31;
	[tilespmem:$0x180] =	vst v38  }
0x35: {  	v43 =	vld [tilespmem:$0x1F0];
	v42 =	vadd.s32 $0x493E0, v33;
	[tilespmem:$0x190] =	vst v40  }
0x36: {  	v45 =	vld [tilespmem:$0x200];
	v44 =	vadd.s32 $0x493E0, v35;
	[tilespmem:$0x1A0] =	vst v42  }
0x37: {  	v47 =	vld [tilespmem:$0x210];
	v46 =	vadd.s32 $0x493E0, v37;
	[tilespmem:$0x1B0] =	vst v44  }
0x38: {  	v49 =	vld [tilespmem:$0x220];
	v48 =	vadd.s32 $0x493E0, v39;
	[tilespmem:$0x1C0] =	vst v46  }
0x39: {  	v51 =	vld [tilespmem:$0x230];
	v50 =	vadd.s32 $0x493E0, v41;
	[tilespmem:$0x1D0] =	vst v48  }
0x3a: {  	v53 =	vld [tilespmem:$0x240];
	v52 =	vadd.s32 $0x493E0, v43;
	[tilespmem:$0x1E0] =	vst v50  }
0x3b: {  	v55 =	vld [tilespmem:$0x250];
	v54 =	vadd.s32 $0x61A80, v45;
	[tilespmem:$0x1F0] =	vst v52  }
0x3c: {  	v57 =	vld [tilespmem:$0x260];
	v56 =	vadd.s32 $0x61A80, v47;
	[tilespmem:$0x200] =	vst v54  }
0x3d: {  	v59 =	vld [tilespmem:$0x270];
	v58 =	vadd.s32 $0x61A80, v49;
	[tilespmem:$0x210] =	vst v56  }
0x3e: {  	v61 =	vld [tilespmem:$0x280];
	v60 =	vadd.s32 $0x61A80, v51;
	[tilespmem:$0x220] =	vst v58  }
0x3f: {  	v63 =	vld [tilespmem:$0x290];
	v62 =	vadd.s32 $0x61A80, v53;
	[tilespmem:$0x230] =	vst v60  }
0x40: {  	v9 =	vld [tilespmem:$0x2A0];
	[tilespmem:$0x240] =	vst v62;
	v8 =	vadd.s32 $0x61A80, v55  }
0x41: {  	v11 =	vld [tilespmem:$0x2B0];
	v10 =	vadd.s32 $0x61A80, v57;
	[tilespmem:$0x250] =	vst v8  }
0x42: {  	v13 =	vld [tilespmem:$0x2C0];
	v12 =	vadd.s32 $0x61A80, v59;
	[tilespmem:$0x260] =	vst v10  }
0x43: {  	v15 =	vld [tilespmem:$0x2D0];
	v14 =	vadd.s32 $0x7A120, v61;
	[tilespmem:$0x270] =	vst v12  }
0x44: {  	v17 =	vld [tilespmem:$0x2E0];
	v16 =	vadd.s32 $0x7A120, v63;
	[tilespmem:$0x280] =	vst v14  }
0x45: {  	v19 =	vld [tilespmem:$0x2F0];
	[tilespmem:$0x290] =	vst v16;
	v18 =	vadd.s32 $0x7A120, v9  }
0x46: {  	v21 =	vld [tilespmem:$0x300];
	v20 =	vadd.s32 $0x7A120, v11;
	[tilespmem:$0x2A0] =	vst v18  }
0x47: {  	v23 =	vld [tilespmem:$0x310];
	v22 =	vadd.s32 $0x7A120, v13;
	[tilespmem:$0x2B0] =	vst v20  }
0x48: {  	v25 =	vld [tilespmem:$0x320];
	v24 =	vadd.s32 $0x7A120, v15;
	[tilespmem:$0x2C0] =	vst v22  }
0x49: {  	v27 =	vld [tilespmem:$0x330];
	v26 =	vadd.s32 $0x7A120, v17;
	[tilespmem:$0x2D0] =	vst v24  }
0x4a: {  	v29 =	vld [tilespmem:$0x340];
	v28 =	vadd.s32 $0x7A120, v19;
	[tilespmem:$0x2E0] =	vst v26  }
0x4b: {  	v31 =	vld [tilespmem:$0x350];
	v30 =	vadd.s32 $0x927C0, v21;
	[tilespmem:$0x2F0] =	vst v28  }
0x4c: {  	v33 =	vld [tilespmem:$0x360];
	v32 =	vadd.s32 $0x927C0, v23;
	[tilespmem:$0x300] =	vst v30  }
0x4d: {  	v35 =	vld [tilespmem:$0x370];
	v34 =	vadd.s32 $0x927C0, v25;
	[tilespmem:$0x310] =	vst v32  }
0x4e: {  	v37 =	vld [tilespmem:$0x380];
	v36 =	vadd.s32 $0x927C0, v27;
	[tilespmem:$0x320] =	vst v34  }
0x4f: {  	v39 =	vld [tilespmem:$0x390];
	v38 =	vadd.s32 $0x927C0, v29;
	[tilespmem:$0x330] =	vst v36  }
0x50: {  	v41 =	vld [tilespmem:$0x3A0];
	v40 =	vadd.s32 $0x927C0, v31;
	[tilespmem:$0x340] =	vst v38  }
0x51: {  	v43 =	vld [tilespmem:$0x3B0];
	v42 =	vadd.s32 $0x927C0, v33;
	[tilespmem:$0x350] =	vst v40  }
0x52: {  	v45 =	vld [tilespmem:$0x3C0];
	v44 =	vadd.s32 $0x927C0, v35;
	[tilespmem:$0x360] =	vst v42  }
0x53: {  	v47 =	vld [tilespmem:$0x3D0];
	v46 =	vadd.s32 $0xAAE60, v37;
	[tilespmem:$0x370] =	vst v44  }
0x54: {  	v49 =	vld [tilespmem:$0x3E0];
	v48 =	vadd.s32 $0xAAE60, v39;
	[tilespmem:$0x380] =	vst v46  }
0x55: {  	v51 =	vld [tilespmem:$0x3F0];
	v50 =	vadd.s32 $0xAAE60, v41;
	[tilespmem:$0x390] =	vst v48  }
0x56: {  	v53 =	vld [tilespmem:$0x400];
	v52 =	vadd.s32 $0xAAE60, v43;
	[tilespmem:$0x3A0] =	vst v50  }
0x57: {  	v55 =	vld [tilespmem:$0x410];
	v54 =	vadd.s32 $0xAAE60, v45;
	[tilespmem:$0x3B0] =	vst v52  }
0x58: {  	v57 =	vld [tilespmem:$0x420];
	v56 =	vadd.s32 $0xAAE60, v47;
	[tilespmem:$0x3C0] =	vst v54  }
0x59: {  	v59 =	vld [tilespmem:$0x430];
	v58 =	vadd.s32 $0xAAE60, v49;
	[tilespmem:$0x3D0] =	vst v56  }
0x5a: {  	v61 =	vld [tilespmem:$0x440];
	v60 =	vadd.s32 $0xAAE60, v51;
	[tilespmem:$0x3E0] =	vst v58  }
0x5b: {  	v63 =	vld [tilespmem:$0x450];
	v62 =	vadd.s32 $0xC3500, v53;
	[tilespmem:$0x3F0] =	vst v60  }
0x5c: {  	v9 =	vld [tilespmem:$0x460];
	[tilespmem:$0x400] =	vst v62;
	v8 =	vadd.s32 $0xC3500, v55  }
0x5d: {  	v11 =	vld [tilespmem:$0x470];
	v10 =	vadd.s32 $0xC3500, v57;
	[tilespmem:$0x410] =	vst v8  }
0x5e: {  	v13 =	vld [tilespmem:$0x480];
	v12 =	vadd.s32 $0xC3500, v59;
	[tilespmem:$0x420] =	vst v10  }
0x5f: {  	v15 =	vld [tilespmem:$0x490];
	v14 =	vadd.s32 $0xC3500, v61;
	[tilespmem:$0x430] =	vst v12  }
0x60: {  	v17 =	vld [tilespmem:$0x4A0];
	v16 =	vadd.s32 $0xC3500, v63;
	[tilespmem:$0x440] =	vst v14  }
0x61: {  	v19 =	vld [tilespmem:$0x4B0];
	[tilespmem:$0x450] =	vst v16;
	v18 =	vadd.s32 $0xC3500, v9  }
0x62: {  	v21 =	vld [tilespmem:$0x4C0];
	v20 =	vadd.s32 $0xC3500, v11;
	[tilespmem:$0x460] =	vst v18  }
0x63: {  	v23 =	vld [tilespmem:$0x4D0];
	v22 =	vadd.s32 $0xDBBA0, v13;
	[tilespmem:$0x470] =	vst v20  }
0x64: {  	v25 =	vld [tilespmem:$0x4E0];
	v24 =	vadd.s32 $0xDBBA0, v15;
	[tilespmem:$0x480] =	vst v22  }
0x65: {  	v27 =	vld [tilespmem:$0x4F0];
	v26 =	vadd.s32 $0xDBBA0, v17;
	[tilespmem:$0x490] =	vst v24  }
0x66: {  	v29 =	vld [tilespmem:$0x500];
	v28 =	vadd.s32 $0xDBBA0, v19;
	[tilespmem:$0x4A0] =	vst v26  }
0x67: {  	v31 =	vld [tilespmem:$0x510];
	v30 =	vadd.s32 $0xDBBA0, v21;
	[tilespmem:$0x4B0] =	vst v28  }
0x68: {  	v33 =	vld [tilespmem:$0x520];
	v32 =	vadd.s32 $0xDBBA0, v23;
	[tilespmem:$0x4C0] =	vst v30  }
0x69: {  	v35 =	vld [tilespmem:$0x530];
	v34 =	vadd.s32 $0xDBBA0, v25;
	[tilespmem:$0x4D0] =	vst v32  }
0x6a: {  	v37 =	vld [tilespmem:$0x540];
	v36 =	vadd.s32 $0xDBBA0, v27;
	[tilespmem:$0x4E0] =	vst v34  }
0x6b: {  	v39 =	vld [tilespmem:$0x550];
	v38 =	vadd.s32 $0xF4240, v29;
	[tilespmem:$0x4F0] =	vst v36  }
0x6c: {  	v41 =	vld [tilespmem:$0x560];
	v40 =	vadd.s32 $0xF4240, v31;
	[tilespmem:$0x500] =	vst v38  }
0x6d: {  	v43 =	vld [tilespmem:$0x570];
	v42 =	vadd.s32 $0xF4240, v33;
	[tilespmem:$0x510] =	vst v40  }
0x6e: {  	v45 =	vld [tilespmem:$0x580];
	v44 =	vadd.s32 $0xF4240, v35;
	[tilespmem:$0x520] =	vst v42  }
0x6f: {  	v47 =	vld [tilespmem:$0x590];
	v46 =	vadd.s32 $0xF4240, v37;
	[tilespmem:$0x530] =	vst v44  }
0x70: {  	v49 =	vld [tilespmem:$0x5A0];
	v48 =	vadd.s32 $0xF4240, v39;
	[tilespmem:$0x540] =	vst v46  }
0x71: {  	v51 =	vld [tilespmem:$0x5B0];
	v50 =	vadd.s32 $0xF4240, v41;
	[tilespmem:$0x550] =	vst v48  }
0x72: {  	v53 =	vld [tilespmem:$0x5C0];
	v52 =	vadd.s32 $0xF4240, v43;
	[tilespmem:$0x560] =	vst v50  }
0x73: {  	v55 =	vld [tilespmem:$0x5D0];
	v54 =	vadd.s32 $0x10C8E0, v45;
	[tilespmem:$0x570] =	vst v52  }
0x74: {  	v57 =	vld [tilespmem:$0x5E0];
	v56 =	vadd.s32 $0x10C8E0, v47;
	[tilespmem:$0x580] =	vst v54  }
0x75: {  	v59 =	vld [tilespmem:$0x5F0];
	v58 =	vadd.s32 $0x10C8E0, v49;
	[tilespmem:$0x590] =	vst v56  }
0x76: {  	v61 =	vld [tilespmem:$0x600];
	v60 =	vadd.s32 $0x10C8E0, v51;
	[tilespmem:$0x5A0] =	vst v58  }
0x77: {  	v63 =	vld [tilespmem:$0x610];
	v62 =	vadd.s32 $0x10C8E0, v53;
	[tilespmem:$0x5B0] =	vst v60  }
0x78: {  	v9 =	vld [tilespmem:$0x620];
	[tilespmem:$0x5C0] =	vst v62;
	v8 =	vadd.s32 $0x10C8E0, v55  }
0x79: {  	v11 =	vld [tilespmem:$0x630];
	v10 =	vadd.s32 $0x10C8E0, v57;
	[tilespmem:$0x5D0] =	vst v8  }
0x7a: {  	v13 =	vld [tilespmem:$0x640];
	v12 =	vadd.s32 $0x10C8E0, v59;
	[tilespmem:$0x5E0] =	vst v10  }
0x7b: {  	v15 =	vld [tilespmem:$0x650];
	v14 =	vadd.s32 $0x124F80, v61;
	[tilespmem:$0x5F0] =	vst v12  }
0x7c: {  	v17 =	vld [tilespmem:$0x660];
	v16 =	vadd.s32 $0x124F80, v63;
	[tilespmem:$0x600] =	vst v14  }
0x7d: {  	v19 =	vld [tilespmem:$0x670];
	[tilespmem:$0x610] =	vst v16;
	v18 =	vadd.s32 $0x124F80, v9  }
0x7e: {  	v21 =	vld [tilespmem:$0x680];
	v20 =	vadd.s32 $0x124F80, v11;
	[tilespmem:$0x620] =	vst v18  }
0x7f: {  	v23 =	vld [tilespmem:$0x690];
	v22 =	vadd.s32 $0x124F80, v13;
	[tilespmem:$0x630] =	vst v20  }
0x80: {  	v25 =	vld [tilespmem:$0x6A0];
	v24 =	vadd.s32 $0x124F80, v15;
	[tilespmem:$0x640] =	vst v22  }
0x81: {  	v27 =	vld [tilespmem:$0x6B0];
	v26 =	vadd.s32 $0x124F80, v17;
	[tilespmem:$0x650] =	vst v24  }
0x82: {  	v29 =	vld [tilespmem:$0x6C0];
	v28 =	vadd.s32 $0x124F80, v19;
	[tilespmem:$0x660] =	vst v26  }
0x83: {  	v31 =	vld [tilespmem:$0x6D0];
	v30 =	vadd.s32 $0x13D620, v21;
	[tilespmem:$0x670] =	vst v28  }
0x84: {  	v33 =	vld [tilespmem:$0x6E0];
	v32 =	vadd.s32 $0x13D620, v23;
	[tilespmem:$0x680] =	vst v30  }
0x85: {  	v35 =	vld [tilespmem:$0x6F0];
	v34 =	vadd.s32 $0x13D620, v25;
	[tilespmem:$0x690] =	vst v32  }
0x86: {  	v37 =	vld [tilespmem:$0x700];
	v36 =	vadd.s32 $0x13D620, v27;
	[tilespmem:$0x6A0] =	vst v34  }
0x87: {  	v39 =	vld [tilespmem:$0x710];
	v38 =	vadd.s32 $0x13D620, v29;
	[tilespmem:$0x6B0] =	vst v36  }
0x88: {  	v41 =	vld [tilespmem:$0x720];
	v40 =	vadd.s32 $0x13D620, v31;
	[tilespmem:$0x6C0] =	vst v38  }
0x89: {  	v43 =	vld [tilespmem:$0x730];
	v42 =	vadd.s32 $0x13D620, v33;
	[tilespmem:$0x6D0] =	vst v40  }
0x8a: {  	v45 =	vld [tilespmem:$0x740];
	v44 =	vadd.s32 $0x13D620, v35;
	[tilespmem:$0x6E0] =	vst v42  }
0x8b: {  	v47 =	vld [tilespmem:$0x750];
	v46 =	vadd.s32 $0x155CC0, v37;
	[tilespmem:$0x6F0] =	vst v44  }
0x8c: {  	v49 =	vld [tilespmem:$0x760];
	v48 =	vadd.s32 $0x155CC0, v39;
	[tilespmem:$0x700] =	vst v46  }
0x8d: {  	v51 =	vld [tilespmem:$0x770];
	v50 =	vadd.s32 $0x155CC0, v41;
	[tilespmem:$0x710] =	vst v48  }
0x8e: {  	v53 =	vld [tilespmem:$0x780];
	v52 =	vadd.s32 $0x155CC0, v43;
	[tilespmem:$0x720] =	vst v50  }
0x8f: {  	v55 =	vld [tilespmem:$0x790];
	v54 =	vadd.s32 $0x155CC0, v45;
	[tilespmem:$0x730] =	vst v52  }
0x90: {  	v57 =	vld [tilespmem:$0x7A0];
	v56 =	vadd.s32 $0x155CC0, v47;
	[tilespmem:$0x740] =	vst v54  }
0x91: {  	v59 =	vld [tilespmem:$0x7B0];
	v58 =	vadd.s32 $0x155CC0, v49;
	[tilespmem:$0x750] =	vst v56  }
0x92: {  	v61 =	vld [tilespmem:$0x7C0];
	v60 =	vadd.s32 $0x155CC0, v51;
	[tilespmem:$0x760] =	vst v58  }
0x93: {  	v63 =	vld [tilespmem:$0x7D0];
	v62 =	vadd.s32 $0x16E360, v53;
	[tilespmem:$0x770] =	vst v60  }
0x94: {  	v9 =	vld [tilespmem:$0x7E0];
	[tilespmem:$0x780] =	vst v62;
	v8 =	vadd.s32 $0x16E360, v55  }
0x95: {  	v11 =	vld [tilespmem:$0x7F0];
	v10 =	vadd.s32 $0x16E360, v57;
	[tilespmem:$0x790] =	vst v8  }
0x96: {  	v13 =	vld [tilespmem:$0x800];
	v12 =	vadd.s32 $0x16E360, v59;
	[tilespmem:$0x7A0] =	vst v10  }
0x97: {  	v15 =	vld [tilespmem:$0x810];
	v14 =	vadd.s32 $0x16E360, v61;
	[tilespmem:$0x7B0] =	vst v12  }
0x98: {  	v17 =	vld [tilespmem:$0x820];
	v16 =	vadd.s32 $0x16E360, v63;
	[tilespmem:$0x7C0] =	vst v14  }
0x99: {  	v19 =	vld [tilespmem:$0x830];
	[tilespmem:$0x7D0] =	vst v16;
	v18 =	vadd.s32 $0x16E360, v9  }
0x9a: {  	v21 =	vld [tilespmem:$0x840];
	v20 =	vadd.s32 $0x16E360, v11;
	[tilespmem:$0x7E0] =	vst v18  }
0x9b: {  	v23 =	vld [tilespmem:$0x850];
	v22 =	vadd.s32 $0x186A00, v13;
	[tilespmem:$0x7F0] =	vst v20  }
0x9c: {  	v25 =	vld [tilespmem:$0x860];
	v24 =	vadd.s32 $0x186A00, v15;
	[tilespmem:$0x800] =	vst v22  }
0x9d: {  	v27 =	vld [tilespmem:$0x870];
	v26 =	vadd.s32 $0x186A00, v17;
	[tilespmem:$0x810] =	vst v24  }
0x9e: {  	v29 =	vld [tilespmem:$0x880];
	v28 =	vadd.s32 $0x186A00, v19;
	[tilespmem:$0x820] =	vst v26  }
0x9f: {  	v31 =	vld [tilespmem:$0x890];
	v30 =	vadd.s32 $0x186A00, v21;
	[tilespmem:$0x830] =	vst v28  }
0xa0: {  	v33 =	vld [tilespmem:$0x8A0];
	v32 =	vadd.s32 $0x186A00, v23;
	[tilespmem:$0x840] =	vst v30  }
0xa1: {  	v35 =	vld [tilespmem:$0x8B0];
	v34 =	vadd.s32 $0x186A00, v25;
	[tilespmem:$0x850] =	vst v32  }
0xa2: {  	v37 =	vld [tilespmem:$0x8C0];
	v36 =	vadd.s32 $0x186A00, v27;
	[tilespmem:$0x860] =	vst v34  }
0xa3: {  	v39 =	vld [tilespmem:$0x8D0];
	v38 =	vadd.s32 $0x19F0A0, v29;
	[tilespmem:$0x870] =	vst v36  }
0xa4: {  	v41 =	vld [tilespmem:$0x8E0];
	v40 =	vadd.s32 $0x19F0A0, v31;
	[tilespmem:$0x880] =	vst v38  }
0xa5: {  	v43 =	vld [tilespmem:$0x8F0];
	v42 =	vadd.s32 $0x19F0A0, v33;
	[tilespmem:$0x890] =	vst v40  }
0xa6: {  	v45 =	vld [tilespmem:$0x900];
	v44 =	vadd.s32 $0x19F0A0, v35;
	[tilespmem:$0x8A0] =	vst v42  }
0xa7: {  	v47 =	vld [tilespmem:$0x910];
	v46 =	vadd.s32 $0x19F0A0, v37;
	[tilespmem:$0x8B0] =	vst v44  }
0xa8: {  	v49 =	vld [tilespmem:$0x920];
	v48 =	vadd.s32 $0x19F0A0, v39;
	[tilespmem:$0x8C0] =	vst v46  }
0xa9: {  	v51 =	vld [tilespmem:$0x930];
	v50 =	vadd.s32 $0x19F0A0, v41;
	[tilespmem:$0x8D0] =	vst v48  }
0xaa: {  	v53 =	vld [tilespmem:$0x940];
	v52 =	vadd.s32 $0x19F0A0, v43;
	[tilespmem:$0x8E0] =	vst v50  }
0xab: {  	v55 =	vld [tilespmem:$0x950];
	v54 =	vadd.s32 $0x1B7740, v45;
	[tilespmem:$0x8F0] =	vst v52  }
0xac: {  	v57 =	vld [tilespmem:$0x960];
	v56 =	vadd.s32 $0x1B7740, v47;
	[tilespmem:$0x900] =	vst v54  }
0xad: {  	v59 =	vld [tilespmem:$0x970];
	v58 =	vadd.s32 $0x1B7740, v49;
	[tilespmem:$0x910] =	vst v56  }
0xae: {  	v61 =	vld [tilespmem:$0x980];
	v60 =	vadd.s32 $0x1B7740, v51;
	[tilespmem:$0x920] =	vst v58  }
0xaf: {  	v63 =	vld [tilespmem:$0x990];
	v62 =	vadd.s32 $0x1B7740, v53;
	[tilespmem:$0x930] =	vst v60  }
0xb0: {  	v8 =	vld [tilespmem:$0x9A0];
	[tilespmem:$0x940] =	vst v62;
	v7 =	vadd.s32 $0x1B7740, v55  }
0xb1: {  	v10 =	vld [tilespmem:$0x9B0];
	v9 =	vadd.s32 $0x1B7740, v57;
	[tilespmem:$0x950] =	vst v7  }
0xb2: {  	v12 =	vld [tilespmem:$0x9C0];
	v11 =	vadd.s32 $0x1B7740, v59;
	[tilespmem:$0x960] =	vst v9  }
0xb3: {  	v14 =	vld [tilespmem:$0x9D0];
	v13 =	vadd.s32 $0x1CFDE0, v61;
	[tilespmem:$0x970] =	vst v11  }
0xb4: {  	v16 =	vld [tilespmem:$0x9E0];
	v15 =	vadd.s32 $0x1CFDE0, v63;
	[tilespmem:$0x980] =	vst v13  }
0xb5: {  	v18 =	vld [tilespmem:$0x9F0];
	[tilespmem:$0x990] =	vst v15;
	v17 =	vadd.s32 $0x1CFDE0, v8  }
0xb6: {  	v20 =	vld [tilespmem:$0xA00];
	v19 =	vadd.s32 $0x1CFDE0, v10;
	[tilespmem:$0x9A0] =	vst v17  }
0xb7: {  	v22 =	vld [tilespmem:$0xA10];
	v21 =	vadd.s32 $0x1CFDE0, v12;
	[tilespmem:$0x9B0] =	vst v19  }
0xb8: {  	v24 =	vld [tilespmem:$0xA20];
	v23 =	vadd.s32 $0x1CFDE0, v14;
	[tilespmem:$0x9C0] =	vst v21  }
0xb9: {  	v26 =	vld [tilespmem:$0xA30];
	v25 =	vadd.s32 $0x1CFDE0, v16;
	[tilespmem:$0x9D0] =	vst v23  }
0xba: {  	v28 =	vld [tilespmem:$0xA40];
	[tilespmem:$0x9E0] =	vst v25;
	v27 =	vadd.s32 $0x1CFDE0, v18  }
0xbb: {  	v30 =	vld [tilespmem:$0xA50];
	v29 =	vadd.s32 $0x1E8480, v20;
	[tilespmem:$0x9F0] =	vst v27  }
0xbc: {  	v32 =	vld [tilespmem:$0xA60];
	v31 =	vadd.s32 $0x1E8480, v22;
	[tilespmem:$0xA00] =	vst v29  }
0xbd: {  	v34 =	vld [tilespmem:$0xA70];
	v33 =	vadd.s32 $0x1E8480, v24;
	[tilespmem:$0xA10] =	vst v31  }
0xbe: {  	v36 =	vld [tilespmem:$0xA80];
	v35 =	vadd.s32 $0x1E8480, v26;
	[tilespmem:$0xA20] =	vst v33  }
0xbf: {  	v38 =	vld [tilespmem:$0xA90];
	v37 =	vadd.s32 $0x1E8480, v28;
	[tilespmem:$0xA30] =	vst v35  }
0xc0: {  	v40 =	vld [tilespmem:$0xAA0];
	v39 =	vadd.s32 $0x1E8480, v30;
	[tilespmem:$0xA40] =	vst v37  }
0xc1: {  	v42 =	vld [tilespmem:$0xAB0];
	v41 =	vadd.s32 $0x1E8480, v32;
	[tilespmem:$0xA50] =	vst v39  }
0xc2: {  	v44 =	vld [tilespmem:$0xAC0];
	v43 =	vadd.s32 $0x1E8480, v34;
	[tilespmem:$0xA60] =	vst v41  }
0xc3: {  	v46 =	vld [tilespmem:$0xAD0];
	v45 =	vadd.s32 $0x200B20, v36;
	[tilespmem:$0xA70] =	vst v43  }
0xc4: {  	v48 =	vld [tilespmem:$0xAE0];
	v47 =	vadd.s32 $0x200B20, v38;
	[tilespmem:$0xA80] =	vst v45  }
0xc5: {  	v50 =	vld [tilespmem:$0xAF0];
	v49 =	vadd.s32 $0x200B20, v40;
	[tilespmem:$0xA90] =	vst v47  }
0xc6: {  	v52 =	vld [tilespmem:$0xB00];
	v51 =	vadd.s32 $0x200B20, v42;
	[tilespmem:$0xAA0] =	vst v49  }
0xc7: {  	v54 =	vld [tilespmem:$0xB10];
	v53 =	vadd.s32 $0x200B20, v44;
	[tilespmem:$0xAB0] =	vst v51  }
0xc8: {  	v56 =	vld [tilespmem:$0xB20];
	v55 =	vadd.s32 $0x200B20, v46;
	[tilespmem:$0xAC0] =	vst v53  }
0xc9: {  	v58 =	vld [tilespmem:$0xB30];
	v57 =	vadd.s32 $0x200B20, v48;
	[tilespmem:$0xAD0] =	vst v55  }
0xca: {  	v60 =	vld [tilespmem:$0xB40];
	v59 =	vadd.s32 $0x200B20, v50;
	[tilespmem:$0xAE0] =	vst v57  }
0xcb: {  	v62 =	vld [tilespmem:$0xB50];
	v61 =	vadd.s32 $0x2191C0, v52;
	[tilespmem:$0xAF0] =	vst v59  }
0xcc: {  	v8 =	vld [tilespmem:$0xB60];
	v63 =	vadd.s32 $0x2191C0, v54;
	[tilespmem:$0xB00] =	vst v61  }
0xcd: {  	v10 =	vld [tilespmem:$0xB70];
	v9 =	vadd.s32 $0x2191C0, v56;
	[tilespmem:$0xB10] =	vst v63  }
0xce: {  	v12 =	vld [tilespmem:$0xB80];
	v11 =	vadd.s32 $0x2191C0, v58;
	[tilespmem:$0xB20] =	vst v9  }
0xcf: {  	v14 =	vld [tilespmem:$0xB90];
	v13 =	vadd.s32 $0x2191C0, v60;
	[tilespmem:$0xB30] =	vst v11  }
0xd0: {  	v16 =	vld [tilespmem:$0xBA0];
	v15 =	vadd.s32 $0x2191C0, v62;
	[tilespmem:$0xB40] =	vst v13  }
0xd1: {  	v18 =	vld [tilespmem:$0xBB0];
	[tilespmem:$0xB50] =	vst v15;
	v17 =	vadd.s32 $0x2191C0, v8  }
0xd2: {  	v20 =	vld [tilespmem:$0xBC0];
	v19 =	vadd.s32 $0x2191C0, v10;
	[tilespmem:$0xB60] =	vst v17  }
0xd3: {  	v22 =	vld [tilespmem:$0xBD0];
	v21 =	vadd.s32 $0x231860, v12;
	[tilespmem:$0xB70] =	vst v19  }
0xd4: {  	v24 =	vld [tilespmem:$0xBE0];
	v23 =	vadd.s32 $0x231860, v14;
	[tilespmem:$0xB80] =	vst v21  }
0xd5: {  	v26 =	vld [tilespmem:$0xBF0];
	v25 =	vadd.s32 $0x231860, v16;
	[tilespmem:$0xB90] =	vst v23  }
0xd6: {  	v28 =	vld [tilespmem:$0xC00];
	[tilespmem:$0xBA0] =	vst v25;
	v27 =	vadd.s32 $0x231860, v18  }
0xd7: {  	v30 =	vld [tilespmem:$0xC10];
	v29 =	vadd.s32 $0x231860, v20;
	[tilespmem:$0xBB0] =	vst v27  }
0xd8: {  	v32 =	vld [tilespmem:$0xC20];
	v31 =	vadd.s32 $0x231860, v22;
	[tilespmem:$0xBC0] =	vst v29  }
0xd9: {  	v34 =	vld [tilespmem:$0xC30];
	v33 =	vadd.s32 $0x231860, v24;
	[tilespmem:$0xBD0] =	vst v31  }
0xda: {  	v36 =	vld [tilespmem:$0xC40];
	v35 =	vadd.s32 $0x231860, v26;
	[tilespmem:$0xBE0] =	vst v33  }
0xdb: {  	v38 =	vld [tilespmem:$0xC50];
	v37 =	vadd.s32 $0x249F00, v28;
	[tilespmem:$0xBF0] =	vst v35  }
0xdc: {  	v40 =	vld [tilespmem:$0xC60];
	v39 =	vadd.s32 $0x249F00, v30;
	[tilespmem:$0xC00] =	vst v37  }
0xdd: {  	v42 =	vld [tilespmem:$0xC70];
	v41 =	vadd.s32 $0x249F00, v32;
	[tilespmem:$0xC10] =	vst v39  }
0xde: {  	v44 =	vld [tilespmem:$0xC80];
	v43 =	vadd.s32 $0x249F00, v34;
	[tilespmem:$0xC20] =	vst v41  }
0xdf: {  	v46 =	vld [tilespmem:$0xC90];
	v45 =	vadd.s32 $0x249F00, v36;
	[tilespmem:$0xC30] =	vst v43  }
0xe0: {  	v48 =	vld [tilespmem:$0xCA0];
	v47 =	vadd.s32 $0x249F00, v38;
	[tilespmem:$0xC40] =	vst v45  }
0xe1: {  	v50 =	vld [tilespmem:$0xCB0];
	v49 =	vadd.s32 $0x249F00, v40;
	[tilespmem:$0xC50] =	vst v47  }
0xe2: {  	v52 =	vld [tilespmem:$0xCC0];
	v51 =	vadd.s32 $0x249F00, v42;
	[tilespmem:$0xC60] =	vst v49  }
0xe3: {  	v54 =	vld [tilespmem:$0xCD0];
	v53 =	vadd.s32 $0x2625A0, v44;
	[tilespmem:$0xC70] =	vst v51  }
0xe4: {  	v56 =	vld [tilespmem:$0xCE0];
	v55 =	vadd.s32 $0x2625A0, v46;
	[tilespmem:$0xC80] =	vst v53  }
0xe5: {  	v58 =	vld [tilespmem:$0xCF0];
	v57 =	vadd.s32 $0x2625A0, v48;
	[tilespmem:$0xC90] =	vst v55  }
0xe6: {  	v59 =	vadd.s32 $0x2625A0, v50;
	[tilespmem:$0xCA0] =	vst v57  }
0xe7: {  	v60 =	vadd.s32 $0x2625A0, v52;
	[tilespmem:$0xCB0] =	vst v59  }
0xe8: {  	v61 =	vadd.s32 $0x2625A0, v54;
	[tilespmem:$0xCC0] =	vst v60  }
0xe9: {  	v62 =	vadd.s32 $0x2625A0, v56;
	[tilespmem:$0xCD0] =	vst v61  }
0xea: {  	v63 =	vadd.s32 $0x2625A0, v58;
	[tilespmem:$0xCE0] =	vst v62  }
0xeb: {  	[tilespmem:$0xCF0] =	vst v63  }
0xec: {  	[tilespmem:s8], [sflag:$0x1] =	stream.indirect.gather [hbm4b:s3+s6], $0x20, s2, s6, $0xb8;
	[tilespmem:$0x1D00] =	vst v63  }
0xed: {  	_ =	swait.ge [sflag:s9], $0x1000  }
0xee: {  	[sflag:s9] =	ssyncset.done $0x0  }
0xef: {  	[sflag:s9] =	ssyncadd.s32 $0xFFFFF000  }
0xf0: {  	[tilespmem:s8], [sflag:$0x1] =	stream.indirect.gather.add.f32 [hbm:s3], $0x20, s6, s6, $0xb8;
	[tilespmem:$0x1D00] =	vst v63  }
0xf1: {  	s0 =	rddreg [dreg:$0x5]  }
0xf2: {  	[tilespmem:s8], [sflag:$0x1] =	stream.indirect.gather.add.f32 [hbm:s3], $0x20, s0, s6, $0xb8;
	[tilespmem:$0x1D00] =	vst v63  }
0xf3: {  	s4 =	rddreg [dreg:$0x6]  }
0xf4: {  	[tilespmem:s8], [sflag:$0x1] =	stream.indirect.gather.add.f32 [hbm:s3], $0x20, s4, s6, $0xb8;
	[tilespmem:$0x1D00] =	vst v63  }
0xf5: {  	s0 =	rddreg [dreg:$0x7]  }
0xf6: {  	[tilespmem:s8], [sflag:$0x1] =	stream.indirect.gather.add.f32 [hbm:s3], $0x20, s0, s6, $0xb8;
	[tilespmem:$0x1D00] =	vst v63  }
0xf7: {  	s4 =	rddreg [dreg:$0x8]  }
0xf8: {  	[tilespmem:s8], [sflag:$0x1] =	stream.indirect.gather.add.f32 [hbm:s3], $0x20, s4, s6, $0xb8;
	[tilespmem:$0x1D00] =	vst v63  }
0xf9: {  	_ = 	snop  }
0xfa: {  	[tilespmem:s8], [sflag:$0x1] =	stream.indirect.gather.add.f32 [hbm:s3], $0x20, s10, s6, $0xb8;
	[tilespmem:$0x1D00] =	vst v63  }
0xfb: {  	_ = 	snop  }
0xfc: {  	[tilespmem:s8], [sflag:$0x1] =	stream.indirect.gather.add.f32 [hbm:s3], $0x20, s11, s6, $0xb8;
	[tilespmem:$0x1D00] =	vst v63  }
0xfd: {  	_ = 	snop  }
0xfe: {  	[tilespmem:s8], [sflag:$0x1] =	stream.indirect.gather.add.f32 [hbm:s3], $0x20, s12, s6, $0xb8;
	[tilespmem:$0x1D00] =	vst v63  }
0xff: {  	_ = 	snop  }
0x100: {  	[tilespmem:s8], [sflag:$0x1] =	stream.indirect.gather.add.f32 [hbm:s3], $0x20, s13, s6, $0xb8;
	[tilespmem:$0x1D00] =	vst v63  }
0x101: {  	_ = 	snop  }
0x102: {  	[tilespmem:s8], [sflag:$0x1] =	stream.indirect.gather.add.f32 [hbm:s3], $0x20, s14, s6, $0xb8;
	[tilespmem:$0x1D00] =	vst v63  }
0x103: {  	_ = 	snop  }
0x104: {  	[tilespmem:s8], [sflag:$0x1] =	stream.indirect.gather.add.f32 [hbm:s3], $0x20, s15, s6, $0xb8;
	[tilespmem:$0x1D00] =	vst v63  }
0x105: {  	_ = 	snop  }
0x106: {  	[tilespmem:s8], [sflag:$0x1] =	stream.indirect.gather.add.f32 [hbm:s3], $0x20, s16, s6, $0xb8;
	[tilespmem:$0x1D00] =	vst v63  }
0x107: {  	_ = 	snop  }
0x108: {  	[tilespmem:s8], [sflag:$0x1] =	stream.indirect.gather.add.f32 [hbm:s3], $0x20, s17, s6, $0xb8;
	[tilespmem:$0x1D00] =	vst v63  }
0x109: {  	_ = 	snop  }
0x10a: {  	[tilespmem:s8], [sflag:$0x1] =	stream.indirect.gather.add.f32 [hbm:s3], $0x20, s18, s6, $0xb8;
	[tilespmem:$0x1D00] =	vst v63  }
0x10b: {  	_ = 	snop  }
0x10c: {  	[tilespmem:s8], [sflag:$0x1] =	stream.indirect.gather.add.f32 [hbm:s3], $0x20, s19, s6, $0xb8;
	[tilespmem:$0x1D00] =	vst v63  }
0x10d: {  	_ = 	snop  }
0x10e: {  	[tilespmem:s8], [sflag:$0x1] =	stream.indirect.gather.add.f32 [hbm:s3], $0x20, s20, s6, $0xb8;
	[tilespmem:$0x1D00] =	vst v63  }
0x10f: {  	_ = 	snop  }
0x110: {  	[tilespmem:s8], [sflag:$0x1] =	stream.indirect.gather.add.f32 [hbm:s3], $0x20, s21, s6, $0xb8;
	[tilespmem:$0x1D00] =	vst v63  }
0x111: {  	_ = 	snop  }
0x112: {  	[tilespmem:s8], [sflag:$0x1] =	stream.indirect.gather.add.f32 [hbm:s3], $0x20, s22, s6, $0xb8;
	[tilespmem:$0x1D00] =	vst v63  }
0x113: {  	_ = 	snop  }
0x114: {  	[tilespmem:s8], [sflag:$0x1] =	stream.indirect.gather.add.f32 [hbm:s3], $0x20, s23, s6, $0xb8;
	[tilespmem:$0x1D00] =	vst v63  }
0x115: {  	_ = 	snop  }
0x116: {  	[tilespmem:s8], [sflag:$0x1] =	stream.indirect.gather.add.f32 [hbm:s3], $0x20, s24, s6, $0xb8;
	[tilespmem:$0x1D00] =	vst v63  }
0x117: {  	_ = 	snop  }
0x118: {  	[tilespmem:s8], [sflag:$0x1] =	stream.indirect.gather.add.f32 [hbm:s3], $0x20, s25, s6, $0xb8;
	[tilespmem:$0x1D00] =	vst v63  }
0x119: {  	_ = 	snop  }
0x11a: {  	[tilespmem:s8], [sflag:$0x1] =	stream.indirect.gather.add.f32 [hbm:s3], $0x20, s26, s6, $0xb8;
	[tilespmem:$0x1D00] =	vst v63  }
0x11b: {  	_ = 	snop  }
0x11c: {  	[tilespmem:s8], [sflag:$0x1] =	stream.indirect.gather.add.f32 [hbm:s3], $0x20, s28, s6, $0xb8;
	[tilespmem:$0x1D00] =	vst v63  }
0x11d: {  	_ = 	snop  }
0x11e: {  	[tilespmem:s8], [sflag:$0x1] =	stream.indirect.gather.add.f32 [hbm:s3], $0x20, s29, s6, $0xb8;
	[tilespmem:$0x1D00] =	vst v63  }
0x11f: {  	_ = 	snop  }
0x120: {  	[tilespmem:s8], [sflag:$0x1] =	stream.indirect.gather.add.f32 [hbm:s3], $0x20, s30, s6, $0xb8;
	[tilespmem:$0x1D00] =	vst v63  }
0x121: {  	_ =	swait.ge [sflag:s9], $0x1000  }
0x122: {  	[sflag:s9] =	ssyncset.done $0x0  }
0x123: {  	[sflag:s9] =	ssyncadd.s32 $0xFFFFF000  }
0x124: {  	_ =	swait.ge [sflag:s9], $0x1000  }
0x125: {  	[sflag:s9] =	ssyncset.done $0x0  }
0x126: {  	[sflag:s9] =	ssyncadd.s32 $0xFFFFF000  }
0x127: {  	_ =	swait.ge [sflag:s9], $0x1000  }
0x128: {  	[sflag:s9] =	ssyncset.done $0x0  }
0x129: {  	[sflag:s9] =	ssyncadd.s32 $0xFFFFF000  }
0x12a: {  	_ =	swait.ge [sflag:s9], $0x1000  }
0x12b: {  	[sflag:s9] =	ssyncset.done $0x0  }
0x12c: {  	[sflag:s9] =	ssyncadd.s32 $0xFFFFF000  }
0x12d: {  	_ =	swait.ge [sflag:s9], $0x1000  }
0x12e: {  	[sflag:s9] =	ssyncset.done $0x0  }
0x12f: {  	[sflag:s9] =	ssyncadd.s32 $0xFFFFF000  }
0x130: {  	_ =	swait.ge [sflag:s9], $0x1000  }
0x131: {  	[sflag:s9] =	ssyncset.done $0x0  }
0x132: {  	[sflag:s9] =	ssyncadd.s32 $0xFFFFF000  }
0x133: {  	_ =	swait.ge [sflag:s9], $0x1000  }
0x134: {  	[sflag:s9] =	ssyncset.done $0x0  }
0x135: {  	[sflag:s9] =	ssyncadd.s32 $0xFFFFF000  }
0x136: {  	_ =	swait.ge [sflag:s9], $0x1000  }
0x137: {  	[sflag:s9] =	ssyncset.done $0x0  }
0x138: {  	[sflag:s9] =	ssyncadd.s32 $0xFFFFF000  }
0x139: {  	_ =	swait.ge [sflag:s9], $0x1000  }
0x13a: {  	[sflag:s9] =	ssyncset.done $0x0  }
0x13b: {  	[sflag:s9] =	ssyncadd.s32 $0xFFFFF000  }
0x13c: {  	_ =	swait.ge [sflag:s9], $0x1000  }
0x13d: {  	[sflag:s9] =	ssyncset.done $0x0  }
0x13e: {  	[sflag:s9] =	ssyncadd.s32 $0xFFFFF000  }
0x13f: {  	_ =	swait.ge [sflag:s9], $0x1000  }
0x140: {  	[sflag:s9] =	ssyncset.done $0x0  }
0x141: {  	[sflag:s9] =	ssyncadd.s32 $0xFFFFF000  }
0x142: {  	_ =	swait.ge [sflag:s9], $0x1000  }
0x143: {  	[sflag:s9] =	ssyncset.done $0x0  }
0x144: {  	[sflag:s9] =	ssyncadd.s32 $0xFFFFF000  }
0x145: {  	_ =	swait.ge [sflag:s9], $0x1000  }
0x146: {  	[sflag:s9] =	ssyncset.done $0x0  }
0x147: {  	[sflag:s9] =	ssyncadd.s32 $0xFFFFF000  }
0x148: {  	_ =	swait.ge [sflag:s9], $0x1000  }
0x149: {  	[sflag:s9] =	ssyncset.done $0x0  }
0x14a: {  	[sflag:s9] =	ssyncadd.s32 $0xFFFFF000  }
0x14b: {  	_ =	swait.ge [sflag:s9], $0x1000  }
0x14c: {  	[sflag:s9] =	ssyncset.done $0x0  }
0x14d: {  	[sflag:s9] =	ssyncadd.s32 $0xFFFFF000  }
0x14e: {  	_ =	swait.ge [sflag:s9], $0x1000  }
0x14f: {  	[sflag:s9] =	ssyncset.done $0x0  }
0x150: {  	[sflag:s9] =	ssyncadd.s32 $0xFFFFF000  }
0x151: {  	_ =	swait.ge [sflag:s9], $0x1000  }
0x152: {  	[sflag:s9] =	ssyncset.done $0x0  }
0x153: {  	[sflag:s9] =	ssyncadd.s32 $0xFFFFF000  }
0x154: {  	_ =	swait.ge [sflag:s9], $0x1000  }
0x155: {  	[sflag:s9] =	ssyncset.done $0x0  }
0x156: {  	[sflag:s9] =	ssyncadd.s32 $0xFFFFF000  }
0x157: {  	_ =	swait.ge [sflag:s9], $0x1000  }
0x158: {  	[sflag:s9] =	ssyncset.done $0x0  }
0x159: {  	[sflag:s9] =	ssyncadd.s32 $0xFFFFF000  }
0x15a: {  	_ =	swait.ge [sflag:s9], $0x1000  }
0x15b: {  	[sflag:s9] =	ssyncset.done $0x0  }
0x15c: {  	[sflag:s9] =	ssyncadd.s32 $0xFFFFF000  }
0x15d: {  	_ =	swait.ge [sflag:s9], $0x1000  }
0x15e: {  	[sflag:s9] =	ssyncset.done $0x0  }
0x15f: {  	[sflag:s9] =	ssyncadd.s32 $0xFFFFF000  }
0x160: {  	_ =	swait.ge [sflag:s9], $0x1000  }
0x161: {  	[sflag:s9] =	ssyncset.done $0x0  }
0x162: {  	[sflag:s9] =	ssyncadd.s32 $0xFFFFF000  }
0x163: {  	_ =	swait.ge [sflag:s9], $0x1000  }
0x164: {  	[sflag:s9] =	ssyncset.done $0x0  }
0x165: {  	[sflag:s9] =	ssyncadd.s32 $0xFFFFF000  }
0x166: {  	_ =	swait.ge [sflag:s9], $0x1000  }
0x167: {  	[sflag:s9] =	ssyncset.done $0x0  }
0x168: {  	[sflag:s9] =	ssyncadd.s32 $0xFFFFF000  }
0x169: {  	_ =	swait.ge [sflag:s9], $0x1000  }
0x16a: {  	p0 =	sne.s32 s1, $0x30;
	[sflag:s9] =	ssyncset.done $0x0  }
.Ltmp0:
0x16b: {  	[sflag:s9] =	ssyncadd.s32 $0xFFFFF000;
	(pc) =	sbr.rel @p0 .LBB2_2-.Ltmp0, $4  }
0x16c: {  	[hbm4b:s5+s2] =	stream.linear.scatter [tilespmem:s8], [sflag:$0x2], $0x1000, $0x38;
	[tilespmem:$0x1D00] =	vst v63  }
0x16d: {  	_ =	swait.ge [sflag:s7], $0x1000  }
0x16e: {  	[sflag:s7] =	ssyncset.done $0x0  }
0x16f: {  	s1 =	sadd.s32 $0x10, s1;
	s5 =	sadd.s32 $0x200, s5;
	[sflag:s7] =	ssyncadd.s32 $0xFFFFF000  }
0x170: {  	s31 =	sadd.s32 $0x1, s31;
	s0 =	rddreg [dreg:$0x9]  }
0x171: {  	p0 =	sne.s32 s31, s0  }
.Ltmp1:
0x172: {  	_ = 	snop;
	(pc) =	sbr.rel @p0 .LBB2_1-.Ltmp1, $1  }
0x173: {  	_ =	sdelay $0x3  }
0x174: {  	_ =	sfence.sel $0x180000  }
0x175: {  	[bflag:$0x0] =	sbarrier.arrive $0xFFFF  }
0x176: {  	_ =	strace $0x90000047  }
0x177: {  	s0 =	stileid.u32;
	[bflag:$0x2] =	sbarrier.arrive $0xFFFF  }
0x178: {  	p0 =	sne.s32 s0, $0x0;
	s0 =	rddreg [dreg:$0x2]  }
0x179: {  	s0 =	sadd.s32 @!p0 $0x100000, s0  }
0x17a: {  	[sflag:s0] =	ssyncadd.tile.s32 @!p0 $0x1;
	_ =	shalt  }
.Lfunc_end2:
_tile_overlayer_lowered:
.L_overlay_start_2:
0x17b: {  	(tag) =	ssettag $0x2  }
0x17c: {  	s0 =	rddreg [dreg:$0x0];
	s2 =	stileid.u32  }
0x17d: {  	s1 =	rddreg [dreg:$0x1];
	p0 =	sne.s32 s2, $0x0  }
0x17e: {  	s3 =	rddreg [dreg:$0x2];
	[bflag:$0x3] =	sbarrier.arrive $0xFFFF;
	s2 =	simm.s32 @!p0 $0x1C02  }
0x17f: {  	[timem:s3], [sflag:s2] =	dma.local @!p0 [hbm:s0], s1  }
0x180: {  	s0 =	simm.s32 @!p0 $0x2  }
0x181: {  	_ =	swait.ge @!p0 [sflag:s0], s1  }
0x182: {  	s1 =	ssub.s32 @!p0 $0x0, s1;
	[sflag:s0] =	ssyncset.done @!p0 $0x0  }
0x183: {  	[sflag:s0] =	ssyncadd.s32 @!p0 s1  }
0x184: {  	[bflag:$0x3] =	sbarrier.arrive $0xFFFF  }
0x185: {  	_ =	shalt  }

</sc_bundles>
